<compile_context>
chip_gen: v7x
topology: tpu7x:2x2x1
jax: 0.10.2.dev20260603
libtpu: 0.0.44.dev20260713+nightly
codegen_flags: <defaults>
</compile_context>

<pallas_src>
import functools

import jax
import jax.numpy as jnp
from jax import lax
from jax.experimental import pallas as pl
from jax.experimental.pallas import tpu as pltpu
from jax.experimental.pallas import tpu_sc as plsc

_N_CHANNELS = 192
_N_KNOTS = 63
_T_RANGE = 4.0


def _grid_value():
    round_to = 1e-06
    return float(_T_RANGE) / (_N_KNOTS // 2) // round_to * round_to


def kernel(x, coefficients_vect):
    B, C, H, W = x.shape
    n_pages = B * C
    n_workers = 32
    pages_per_w = n_pages // n_workers

    grid = _grid_value()
    inv_grid = 1.0 / grid
    half = _N_KNOTS // 2
    n_tab = _N_CHANNELS * _N_KNOTS

    g0 = coefficients_vect
    g1 = jnp.concatenate([coefficients_vect[1:], jnp.zeros((1,), jnp.float32)])
    g2 = jnp.concatenate([coefficients_vect[2:], jnp.zeros((2,), jnp.float32)])
    fl = (jnp.arange(n_tab, dtype=jnp.float32) % _N_KNOTS) - float(half)
    a = 0.5 * (g0 + g1)
    b = g1 - g0
    c2 = 0.5 * (g0 + g2) - g1
    p2_t = c2
    p1_t = b - 2.0 * c2 * fl
    p0_t = a - b * fl + c2 * fl * fl

    mesh = plsc.VectorSubcoreMesh(core_axis_name="c", subcore_axis_name="s")

    @functools.partial(
        pl.kernel,
        mesh=mesh,
        out_type=jax.ShapeDtypeStruct((B, C, H, W), jnp.float32),
        scratch_types=[
            pltpu.VMEM((n_tab,), jnp.float32),
            pltpu.VMEM((n_tab,), jnp.float32),
            pltpu.VMEM((n_tab,), jnp.float32),
            pltpu.VMEM((H, W), jnp.float32),
            pltpu.VMEM((H, W), jnp.float32),
            pltpu.VMEM((H, W), jnp.float32),
            pltpu.VMEM((H, W), jnp.float32),
            pltpu.SemaphoreType.DMA,
            pltpu.SemaphoreType.DMA,
            pltpu.SemaphoreType.DMA,
            pltpu.SemaphoreType.DMA,
        ],
        compiler_params=pltpu.CompilerParams(needs_layout_passes=False),
    )
    def spline_sc(x_hbm, p0_hbm, p1_hbm, p2_hbm, out_hbm,
                  tab0, tab1, tab2, xb0, xb1, ob0, ob1,
                  sin0, sin1, sout0, sout1):
        wid = lax.axis_index("s") * 2 + lax.axis_index("c")
        pltpu.sync_copy(p0_hbm, tab0)
        pltpu.sync_copy(p1_hbm, tab1)
        pltpu.sync_copy(p2_hbm, tab2)
        xbufs, obufs = (xb0, xb1), (ob0, ob1)
        sins, souts = (sin0, sin1), (sout0, sout1)
        n_pairs = pages_per_w // 2

        wb = lax.div(wid, 2)
        c_base = lax.rem(wid, 2) * pages_per_w

        pltpu.async_copy(x_hbm.at[wb, c_base], xb0, sin0)
        pltpu.async_copy(x_hbm.at[wb, c_base + 1], xb1, sin1)

        def pair_body(g, carry):
            for bi in range(2):
                pb, pc = wb, c_base + g * 2 + bi
                xbuf, obuf = xbufs[bi], obufs[bi]
                sin, sout = sins[bi], souts[bi]
                pltpu.make_async_copy(x_hbm.at[pb, pc], xbuf, sin).wait()

                @pl.when(g > 0)
                def _wait_out():
                    pltpu.make_async_copy(obuf, out_hbm.at[pb, pc], sout).wait()

                base = pc * _N_KNOTS + half - 64

                @plsc.parallel_loop(0, H, 1, unroll=4)
                def vec_body(r):
                    for cc in range(W // 16):
                        xv = xbuf[r, pl.ds(cc * 16, 16)]
                        q = xv * inv_grid
                        ti = (q + 64.0).astype(jnp.int32)
                        ti = jnp.minimum(jnp.maximum(ti, 64 - half),
                                         64 + half - 2)
                        idx = ti + base
                        p0 = plsc.load_gather(tab0, [idx])
                        p1 = plsc.load_gather(tab1, [idx])
                        p2 = plsc.load_gather(tab2, [idx])
                        obuf[r, pl.ds(cc * 16, 16)] = p0 + q * (p1 + q * p2)

                pltpu.async_copy(obuf, out_hbm.at[pb, pc], sout)

                @pl.when(g < n_pairs - 1)
                def _next_in():
                    pltpu.async_copy(x_hbm.at[pb, pc + 2], xbuf, sin)
            return carry

        lax.fori_loop(0, n_pairs, pair_body, 0)
        lc = c_base + pages_per_w - 2
        pltpu.make_async_copy(ob0, out_hbm.at[wb, lc], sout0).wait()
        pltpu.make_async_copy(ob1, out_hbm.at[wb, lc + 1], sout1).wait()

    return spline_sc(x, p0_t, p1_t, p2_t)

# --- scband reference (transcript-rebuilt; emitter-appended) ---
"""Pipeline reference for scband-quadratic-spline-57320633532673 (READ-ONLY COPY).

The authoritative reference and input builder live on the scoring server;
editing this copy changes nothing except your own understanding.
"""

import jax, jax.numpy as jnp
import numpy as np

N_CHANNELS = 192
N_KNOTS = 63
T_RANGE = 4.0


def _grid():
    # replicates spline_grid_from_range: float(range)/(size//2) // round_to * round_to
    round_to = 1e-06
    return float(T_RANGE) / (N_KNOTS // 2) // round_to * round_to


def setup_inputs(seed: int = 0) -> dict:
    key = jax.random.key(seed)
    k1, k2 = jax.random.split(key)
    x = jax.random.normal(k1, (16, N_CHANNELS, 96, 96), dtype=jnp.float32)
    # learned spline coefficients (flattened [n_channels * n_knots]); torch init is zeros,
    # use small randn so the gather/compute path is numerically non-trivial
    coefficients_vect = 0.1 * jax.random.normal(k2, (N_CHANNELS * N_KNOTS,), dtype=jnp.float32)
    return {"x": x, "coefficients_vect": coefficients_vect}


def reference(x, coefficients_vect):
    grid = _grid()
    size = N_KNOTS
    zero_knot_indexes = (jnp.arange(N_CHANNELS, dtype=jnp.int32) * N_KNOTS + N_KNOTS // 2)
    x_clamped = jnp.clip(x, -(grid * (size // 2)), grid * (size // 2 - 2))
    floored_x = jnp.floor(x_clamped / grid)
    indexes = (zero_knot_indexes.reshape(1, -1, 1, 1).astype(jnp.float32) + floored_x).astype(jnp.int32)
    shift1 = (x - floored_x * grid) / grid
    frac1 = (shift1 - 1.0) ** 2 / 2.0
    frac2 = (-2.0 * shift1 ** 2 + 2.0 * shift1 + 1.0) / 2.0
    frac3 = shift1 ** 2 / 2.0
    activation_output = (jnp.take(coefficients_vect, indexes + 2) * frac3
                         + jnp.take(coefficients_vect, indexes + 1) * frac2
                         + jnp.take(coefficients_vect, indexes) * frac1)
    return activation_output

if __name__ == "__main__":
    import jax
    _d = setup_inputs()
    print(jax.jit(kernel)(*tuple(_d.values())))

</pallas_src>

<mosaic_0001>
#map = affine_map<(d0, d1) -> (0, 0, 0, 0)>
#map1 = affine_map<(d0, d1) -> (0)>
module attributes {stable_mosaic.version = 14 : i64} {
  func.func @spline_sc(%arg0: i32, %arg1: i32, %arg2: memref<16x192x96x96xf32, #tpu.memory_space<hbm>>, %arg3: memref<12096xf32, #tpu.memory_space<hbm>>, %arg4: memref<12096xf32, #tpu.memory_space<hbm>>, %arg5: memref<12096xf32, #tpu.memory_space<hbm>>, %arg6: memref<16x192x96x96xf32, #tpu.memory_space<hbm>>, %arg7: memref<12096xf32, #tpu.memory_space<vmem>>, %arg8: memref<12096xf32, #tpu.memory_space<vmem>>, %arg9: memref<12096xf32, #tpu.memory_space<vmem>>, %arg10: memref<96x96xf32, #tpu.memory_space<vmem>>, %arg11: memref<96x96xf32, #tpu.memory_space<vmem>>, %arg12: memref<96x96xf32, #tpu.memory_space<vmem>>, %arg13: memref<96x96xf32, #tpu.memory_space<vmem>>, %arg14: memref<!tpu.dma_semaphore, #tpu.memory_space<semaphore_mem>>, %arg15: memref<!tpu.dma_semaphore, #tpu.memory_space<semaphore_mem>>, %arg16: memref<!tpu.dma_semaphore, #tpu.memory_space<semaphore_mem>>, %arg17: memref<!tpu.dma_semaphore, #tpu.memory_space<semaphore_mem>>) attributes {dimension_semantics = [#tpu.dimension_semantics<core_parallel>, #tpu.dimension_semantics<subcore_parallel>], iteration_bounds = array<i64: 2, 16>, scalar_prefetch = 0 : i64, scratch_operands = 11 : i64, tpu.core_type = #tpu.core_type<sc_vector_subcore>, window_params = [{transform_indices = #map}, {transform_indices = #map1}, {transform_indices = #map1}, {transform_indices = #map1}, {transform_indices = #map}]} {
    %mul3A = arith.constant 2 : i32
    %mul3A_0 = arith.muli %arg1, %mul3A : i32
    %add3A = arith.addi %mul3A_0, %arg0 : i32
    "tpu.region"() ({
      %run_scoped3A = tpu.sem_alloc : memref<!tpu.dma_semaphore, #tpu.memory_space<semaphore_mem>>
      tpu.enqueue_dma source(%arg3 : memref<12096xf32, #tpu.memory_space<hbm>>) target(%arg7 : memref<12096xf32, #tpu.memory_space<vmem>>) target_semaphore(%run_scoped3A : memref<!tpu.dma_semaphore, #tpu.memory_space<semaphore_mem>>)
      tpu.wait_dma2 semaphore(%run_scoped3A : memref<!tpu.dma_semaphore, #tpu.memory_space<semaphore_mem>>) src(%arg3 : memref<12096xf32, #tpu.memory_space<hbm>>) dst(%arg7 : memref<12096xf32, #tpu.memory_space<vmem>>)
      tpu.yield
    }) : () -> ()
    "tpu.region"() ({
      %run_scoped3A = tpu.sem_alloc : memref<!tpu.dma_semaphore, #tpu.memory_space<semaphore_mem>>
      tpu.enqueue_dma source(%arg4 : memref<12096xf32, #tpu.memory_space<hbm>>) target(%arg8 : memref<12096xf32, #tpu.memory_space<vmem>>) target_semaphore(%run_scoped3A : memref<!tpu.dma_semaphore, #tpu.memory_space<semaphore_mem>>)
      tpu.wait_dma2 semaphore(%run_scoped3A : memref<!tpu.dma_semaphore, #tpu.memory_space<semaphore_mem>>) src(%arg4 : memref<12096xf32, #tpu.memory_space<hbm>>) dst(%arg8 : memref<12096xf32, #tpu.memory_space<vmem>>)
      tpu.yield
    }) : () -> ()
    "tpu.region"() ({
      %run_scoped3A = tpu.sem_alloc : memref<!tpu.dma_semaphore, #tpu.memory_space<semaphore_mem>>
      tpu.enqueue_dma source(%arg5 : memref<12096xf32, #tpu.memory_space<hbm>>) target(%arg9 : memref<12096xf32, #tpu.memory_space<vmem>>) target_semaphore(%run_scoped3A : memref<!tpu.dma_semaphore, #tpu.memory_space<semaphore_mem>>)
      tpu.wait_dma2 semaphore(%run_scoped3A : memref<!tpu.dma_semaphore, #tpu.memory_space<semaphore_mem>>) src(%arg5 : memref<12096xf32, #tpu.memory_space<hbm>>) dst(%arg9 : memref<12096xf32, #tpu.memory_space<vmem>>)
      tpu.yield
    }) : () -> ()
    %div3A = arith.constant 2 : i32
    %div3A_1 = arith.divsi %add3A, %div3A : i32
    %rem3A = arith.constant 2 : i32
    %rem3A_2 = arith.remsi %add3A, %rem3A : i32
    %mul3A_3 = arith.constant 96 : i32
    %mul3A_4 = arith.muli %rem3A_2, %mul3A_3 : i32
    %dma_start3A = arith.constant 0 : i32
    %dma_start3A_5 = arith.constant 0 : i32
    %dma_start3A_6 = tpu.memref_slice %arg2[%div3A_1, %mul3A_4, %dma_start3A, %dma_start3A_5] : memref<16x192x96x96xf32, #tpu.memory_space<hbm>> -> memref<1x1x96x96xf32, #tpu.memory_space<hbm>>
    %dma_start3A_7 = tpu.memref_squeeze %dma_start3A_6 : memref<1x1x96x96xf32, #tpu.memory_space<hbm>> -> memref<96x96xf32, #tpu.memory_space<hbm>>
    %dma_start3A_8 = arith.constant 0 : i32
    %dma_start3A_9 = arith.constant 0 : i32
    %dma_start3A_10 = tpu.memref_slice %arg2[%div3A_1, %mul3A_4, %dma_start3A_8, %dma_start3A_9] : memref<16x192x96x96xf32, #tpu.memory_space<hbm>> -> memref<1x1x96x96xf32, #tpu.memory_space<hbm>>
    %dma_start3A_11 = tpu.memref_squeeze %dma_start3A_10 : memref<1x1x96x96xf32, #tpu.memory_space<hbm>> -> memref<96x96xf32, #tpu.memory_space<hbm>>
    tpu.enqueue_dma source(%dma_start3A_11 : memref<96x96xf32, #tpu.memory_space<hbm>>) target(%arg10 : memref<96x96xf32, #tpu.memory_space<vmem>>) target_semaphore(%arg14 : memref<!tpu.dma_semaphore, #tpu.memory_space<semaphore_mem>>)
    %add3A_12 = arith.constant 1 : i32
    %add3A_13 = arith.addi %mul3A_4, %add3A_12 : i32
    %dma_start3A_14 = arith.constant 0 : i32
    %dma_start3A_15 = arith.constant 0 : i32
    %dma_start3A_16 = tpu.memref_slice %arg2[%div3A_1, %add3A_13, %dma_start3A_14, %dma_start3A_15] : memref<16x192x96x96xf32, #tpu.memory_space<hbm>> -> memref<1x1x96x96xf32, #tpu.memory_space<hbm>>
    %dma_start3A_17 = tpu.memref_squeeze %dma_start3A_16 : memref<1x1x96x96xf32, #tpu.memory_space<hbm>> -> memref<96x96xf32, #tpu.memory_space<hbm>>
    %dma_start3A_18 = arith.constant 0 : i32
    %dma_start3A_19 = arith.constant 0 : i32
    %dma_start3A_20 = tpu.memref_slice %arg2[%div3A_1, %add3A_13, %dma_start3A_18, %dma_start3A_19] : memref<16x192x96x96xf32, #tpu.memory_space<hbm>> -> memref<1x1x96x96xf32, #tpu.memory_space<hbm>>
    %dma_start3A_21 = tpu.memref_squeeze %dma_start3A_20 : memref<1x1x96x96xf32, #tpu.memory_space<hbm>> -> memref<96x96xf32, #tpu.memory_space<hbm>>
    tpu.enqueue_dma source(%dma_start3A_21 : memref<96x96xf32, #tpu.memory_space<hbm>>) target(%arg11 : memref<96x96xf32, #tpu.memory_space<vmem>>) target_semaphore(%arg15 : memref<!tpu.dma_semaphore, #tpu.memory_space<semaphore_mem>>)
    %scan3A = arith.constant 0 : i32
    %scan3A_22 = arith.constant 0 : i32
    %scan3A_23 = arith.constant 48 : i32
    %scan3A_24 = arith.addi %scan3A_22, %scan3A_23 : i32
    %scan3A_25 = arith.constant 1 : i32
    scf.for %scan3A_47 = %scan3A_22 to %scan3A_24 step %scan3A_25  : i32 {
      %mul3A_48 = arith.constant 2 : i32
      %mul3A_49 = arith.muli %scan3A_47, %mul3A_48 : i32
      %add3A_50 = arith.addi %mul3A_4, %mul3A_49 : i32
      %add3A_51 = arith.constant 0 : i32
      %add3A_52 = arith.addi %add3A_50, %add3A_51 : i32
      %dma_wait3A_53 = arith.constant 0 : i32
      %dma_wait3A_54 = arith.constant 0 : i32
      %dma_wait3A_55 = tpu.memref_slice %arg2[%div3A_1, %add3A_52, %dma_wait3A_53, %dma_wait3A_54] : memref<16x192x96x96xf32, #tpu.memory_space<hbm>> -> memref<1x1x96x96xf32, #tpu.memory_space<hbm>>
      %dma_wait3A_56 = tpu.memref_squeeze %dma_wait3A_55 : memref<1x1x96x96xf32, #tpu.memory_space<hbm>> -> memref<96x96xf32, #tpu.memory_space<hbm>>
      %dma_wait3A_57 = arith.constant 0 : i32
      %dma_wait3A_58 = arith.constant 0 : i32
      %dma_wait3A_59 = tpu.memref_slice %arg2[%div3A_1, %add3A_52, %dma_wait3A_57, %dma_wait3A_58] : memref<16x192x96x96xf32, #tpu.memory_space<hbm>> -> memref<1x1x96x96xf32, #tpu.memory_space<hbm>>
      %dma_wait3A_60 = tpu.memref_squeeze %dma_wait3A_59 : memref<1x1x96x96xf32, #tpu.memory_space<hbm>> -> memref<96x96xf32, #tpu.memory_space<hbm>>
      tpu.wait_dma2 semaphore(%arg14 : memref<!tpu.dma_semaphore, #tpu.memory_space<semaphore_mem>>) src(%dma_wait3A_60 : memref<96x96xf32, #tpu.memory_space<hbm>>) dst(%arg10 : memref<96x96xf32, #tpu.memory_space<vmem>>)
      %gt3A = arith.constant 0 : i32
      %gt3A_61 = arith.cmpi sgt, %scan3A_47, %gt3A : i32
      %convert_element_type3A = arith.extui %gt3A_61 : i1 to i32
      %cond3A = arith.constant 0 : i32
      %cond3A_62 = arith.cmpi ne, %convert_element_type3A, %cond3A : i32
      scf.if %cond3A_62 {
        %dma_wait3A_123 = arith.constant 0 : i32
        %dma_wait3A_124 = arith.constant 0 : i32
        %dma_wait3A_125 = tpu.memref_slice %arg6[%div3A_1, %add3A_52, %dma_wait3A_123, %dma_wait3A_124] : memref<16x192x96x96xf32, #tpu.memory_space<hbm>> -> memref<1x1x96x96xf32, #tpu.memory_space<hbm>>
        %dma_wait3A_126 = tpu.memref_squeeze %dma_wait3A_125 : memref<1x1x96x96xf32, #tpu.memory_space<hbm>> -> memref<96x96xf32, #tpu.memory_space<hbm>>
        %dma_wait3A_127 = arith.constant 0 : i32
        %dma_wait3A_128 = arith.constant 0 : i32
        %dma_wait3A_129 = tpu.memref_slice %arg6[%div3A_1, %add3A_52, %dma_wait3A_127, %dma_wait3A_128] : memref<16x192x96x96xf32, #tpu.memory_space<hbm>> -> memref<1x1x96x96xf32, #tpu.memory_space<hbm>>
        %dma_wait3A_130 = tpu.memref_squeeze %dma_wait3A_129 : memref<1x1x96x96xf32, #tpu.memory_space<hbm>> -> memref<96x96xf32, #tpu.memory_space<hbm>>
        tpu.wait_dma2 semaphore(%arg16 : memref<!tpu.dma_semaphore, #tpu.memory_space<semaphore_mem>>) src(%arg12 : memref<96x96xf32, #tpu.memory_space<vmem>>) dst(%dma_wait3A_130 : memref<96x96xf32, #tpu.memory_space<hbm>>)
      } else {
      }
      %mul3A_63 = arith.constant 63 : i32
      %mul3A_64 = arith.muli %add3A_52, %mul3A_63 : i32
      %add3A_65 = arith.constant 31 : i32
      %add3A_66 = arith.addi %mul3A_64, %add3A_65 : i32
      %sub3A_67 = arith.constant 64 : i32
      %sub3A_68 = arith.subi %add3A_66, %sub3A_67 : i32
      %parallel_loop3A = arith.constant 0 : i32
      %parallel_loop3A_69 = arith.constant 96 : i32
      %parallel_loop3A_70 = arith.constant 1 : i32
      scf.for %parallel_loop3A_123 = %parallel_loop3A to %parallel_loop3A_69 step %parallel_loop3A_70  : i32 {
        %parallel_loop3A_124 = arith.index_cast %parallel_loop3A_123 : i32 to index
        %parallel_loop3A_125 = arith.constant 0 : index
        %parallel_loop3A_126 = tpu.vector_load %arg10[%parallel_loop3A_124, %parallel_loop3A_125] {strides = array<i32>} : memref<96x96xf32, #tpu.memory_space<vmem>>, vector<16xf32>,
        %parallel_loop3A_127 = arith.constant 7.75001574 : f32
        %parallel_loop3A_128 = vector.broadcast %parallel_loop3A_127 : f32 to vector<16xf32>
        %parallel_loop3A_129 = arith.mulf %parallel_loop3A_126, %parallel_loop3A_128 : vector<16xf32>
        %parallel_loop3A_130 = arith.constant 6.400000e+01 : f32
        %parallel_loop3A_131 = vector.broadcast %parallel_loop3A_130 : f32 to vector<16xf32>
        %parallel_loop3A_132 = arith.addf %parallel_loop3A_129, %parallel_loop3A_131 : vector<16xf32>
        %parallel_loop3A_133 = arith.fptosi %parallel_loop3A_132 : vector<16xf32> to vector<16xi32>
        %parallel_loop3A_134 = arith.constant 33 : i32
        %parallel_loop3A_135 = vector.broadcast %parallel_loop3A_134 : i32 to vector<16xi32>
        %parallel_loop3A_136 = arith.maxsi %parallel_loop3A_133, %parallel_loop3A_135 : vector<16xi32>
        %parallel_loop3A_137 = arith.constant 93 : i32
        %parallel_loop3A_138 = vector.broadcast %parallel_loop3A_137 : i32 to vector<16xi32>
        %parallel_loop3A_139 = arith.minsi %parallel_loop3A_136, %parallel_loop3A_138 : vector<16xi32>
        %parallel_loop3A_140 = vector.broadcast %sub3A_68 : i32 to vector<16xi32>
        %parallel_loop3A_141 = arith.addi %parallel_loop3A_139, %parallel_loop3A_140 : vector<16xi32>
        %parallel_loop3A_142 = tpu.vector_load_idx %arg7[%parallel_loop3A_141] : memref<12096xf32, #tpu.memory_space<vmem>>[vector<16xi32>], vector<16xf32>,
        %parallel_loop3A_143 = tpu.vector_load_idx %arg8[%parallel_loop3A_141] : memref<12096xf32, #tpu.memory_space<vmem>>[vector<16xi32>], vector<16xf32>,
        %parallel_loop3A_144 = tpu.vector_load_idx %arg9[%parallel_loop3A_141] : memref<12096xf32, #tpu.memory_space<vmem>>[vector<16xi32>], vector<16xf32>,
        %parallel_loop3A_145 = arith.mulf %parallel_loop3A_129, %parallel_loop3A_144 : vector<16xf32>
        %parallel_loop3A_146 = arith.addf %parallel_loop3A_143, %parallel_loop3A_145 : vector<16xf32>
        %parallel_loop3A_147 = arith.mulf %parallel_loop3A_129, %parallel_loop3A_146 : vector<16xf32>
        %parallel_loop3A_148 = arith.addf %parallel_loop3A_142, %parallel_loop3A_147 : vector<16xf32>
        %parallel_loop3A_149 = arith.index_cast %parallel_loop3A_123 : i32 to index
        %parallel_loop3A_150 = arith.constant 0 : index
        %parallel_loop3A_151 = tpu.vector_load %arg12[%parallel_loop3A_149, %parallel_loop3A_150] {strides = array<i32>} : memref<96x96xf32, #tpu.memory_space<vmem>>, vector<16xf32>,
        tpu.vector_store %arg12[%parallel_loop3A_149, %parallel_loop3A_150], %parallel_loop3A_148 {strides = array<i32>} : memref<96x96xf32, #tpu.memory_space<vmem>>, vector<16xf32>,
        %parallel_loop3A_152 = arith.index_cast %parallel_loop3A_123 : i32 to index
        %parallel_loop3A_153 = arith.constant 16 : index
        %parallel_loop3A_154 = tpu.vector_load %arg10[%parallel_loop3A_152, %parallel_loop3A_153] {strides = array<i32>} : memref<96x96xf32, #tpu.memory_space<vmem>>, vector<16xf32>,
        %parallel_loop3A_155 = arith.constant 7.75001574 : f32
        %parallel_loop3A_156 = vector.broadcast %parallel_loop3A_155 : f32 to vector<16xf32>
        %parallel_loop3A_157 = arith.mulf %parallel_loop3A_154, %parallel_loop3A_156 : vector<16xf32>
        %parallel_loop3A_158 = arith.constant 6.400000e+01 : f32
        %parallel_loop3A_159 = vector.broadcast %parallel_loop3A_158 : f32 to vector<16xf32>
        %parallel_loop3A_160 = arith.addf %parallel_loop3A_157, %parallel_loop3A_159 : vector<16xf32>
        %parallel_loop3A_161 = arith.fptosi %parallel_loop3A_160 : vector<16xf32> to vector<16xi32>
        %parallel_loop3A_162 = arith.constant 33 : i32
        %parallel_loop3A_163 = vector.broadcast %parallel_loop3A_162 : i32 to vector<16xi32>
        %parallel_loop3A_164 = arith.maxsi %parallel_loop3A_161, %parallel_loop3A_163 : vector<16xi32>
        %parallel_loop3A_165 = arith.constant 93 : i32
        %parallel_loop3A_166 = vector.broadcast %parallel_loop3A_165 : i32 to vector<16xi32>
        %parallel_loop3A_167 = arith.minsi %parallel_loop3A_164, %parallel_loop3A_166 : vector<16xi32>
        %parallel_loop3A_168 = vector.broadcast %sub3A_68 : i32 to vector<16xi32>
        %parallel_loop3A_169 = arith.addi %parallel_loop3A_167, %parallel_loop3A_168 : vector<16xi32>
        %parallel_loop3A_170 = tpu.vector_load_idx %arg7[%parallel_loop3A_169] : memref<12096xf32, #tpu.memory_space<vmem>>[vector<16xi32>], vector<16xf32>,
        %parallel_loop3A_171 = tpu.vector_load_idx %arg8[%parallel_loop3A_169] : memref<12096xf32, #tpu.memory_space<vmem>>[vector<16xi32>], vector<16xf32>,
        %parallel_loop3A_172 = tpu.vector_load_idx %arg9[%parallel_loop3A_169] : memref<12096xf32, #tpu.memory_space<vmem>>[vector<16xi32>], vector<16xf32>,
        %parallel_loop3A_173 = arith.mulf %parallel_loop3A_157, %parallel_loop3A_172 : vector<16xf32>
        %parallel_loop3A_174 = arith.addf %parallel_loop3A_171, %parallel_loop3A_173 : vector<16xf32>
        %parallel_loop3A_175 = arith.mulf %parallel_loop3A_157, %parallel_loop3A_174 : vector<16xf32>
        %parallel_loop3A_176 = arith.addf %parallel_loop3A_170, %parallel_loop3A_175 : vector<16xf32>
        %parallel_loop3A_177 = arith.index_cast %parallel_loop3A_123 : i32 to index
        %parallel_loop3A_178 = arith.constant 16 : index
        %parallel_loop3A_179 = tpu.vector_load %arg12[%parallel_loop3A_177, %parallel_loop3A_178] {strides = array<i32>} : memref<96x96xf32, #tpu.memory_space<vmem>>, vector<16xf32>,
        tpu.vector_store %arg12[%parallel_loop3A_177, %parallel_loop3A_178], %parallel_loop3A_176 {strides = array<i32>} : memref<96x96xf32, #tpu.memory_space<vmem>>, vector<16xf32>,
        %parallel_loop3A_180 = arith.index_cast %parallel_loop3A_123 : i32 to index
        %parallel_loop3A_181 = arith.constant 32 : index
        %parallel_loop3A_182 = tpu.vector_load %arg10[%parallel_loop3A_180, %parallel_loop3A_181] {strides = array<i32>} : memref<96x96xf32, #tpu.memory_space<vmem>>, vector<16xf32>,
        %parallel_loop3A_183 = arith.constant 7.75001574 : f32
        %parallel_loop3A_184 = vector.broadcast %parallel_loop3A_183 : f32 to vector<16xf32>
        %parallel_loop3A_185 = arith.mulf %parallel_loop3A_182, %parallel_loop3A_184 : vector<16xf32>
        %parallel_loop3A_186 = arith.constant 6.400000e+01 : f32
        %parallel_loop3A_187 = vector.broadcast %parallel_loop3A_186 : f32 to vector<16xf32>
        %parallel_loop3A_188 = arith.addf %parallel_loop3A_185, %parallel_loop3A_187 : vector<16xf32>
        %parallel_loop3A_189 = arith.fptosi %parallel_loop3A_188 : vector<16xf32> to vector<16xi32>
        %parallel_loop3A_190 = arith.constant 33 : i32
        %parallel_loop3A_191 = vector.broadcast %parallel_loop3A_190 : i32 to vector<16xi32>
        %parallel_loop3A_192 = arith.maxsi %parallel_loop3A_189, %parallel_loop3A_191 : vector<16xi32>
        %parallel_loop3A_193 = arith.constant 93 : i32
        %parallel_loop3A_194 = vector.broadcast %parallel_loop3A_193 : i32 to vector<16xi32>
        %parallel_loop3A_195 = arith.minsi %parallel_loop3A_192, %parallel_loop3A_194 : vector<16xi32>
        %parallel_loop3A_196 = vector.broadcast %sub3A_68 : i32 to vector<16xi32>
        %parallel_loop3A_197 = arith.addi %parallel_loop3A_195, %parallel_loop3A_196 : vector<16xi32>
        %parallel_loop3A_198 = tpu.vector_load_idx %arg7[%parallel_loop3A_197] : memref<12096xf32, #tpu.memory_space<vmem>>[vector<16xi32>], vector<16xf32>,
        %parallel_loop3A_199 = tpu.vector_load_idx %arg8[%parallel_loop3A_197] : memref<12096xf32, #tpu.memory_space<vmem>>[vector<16xi32>], vector<16xf32>,
        %parallel_loop3A_200 = tpu.vector_load_idx %arg9[%parallel_loop3A_197] : memref<12096xf32, #tpu.memory_space<vmem>>[vector<16xi32>], vector<16xf32>,
        %parallel_loop3A_201 = arith.mulf %parallel_loop3A_185, %parallel_loop3A_200 : vector<16xf32>
        %parallel_loop3A_202 = arith.addf %parallel_loop3A_199, %parallel_loop3A_201 : vector<16xf32>
        %parallel_loop3A_203 = arith.mulf %parallel_loop3A_185, %parallel_loop3A_202 : vector<16xf32>
        %parallel_loop3A_204 = arith.addf %parallel_loop3A_198, %parallel_loop3A_203 : vector<16xf32>
        %parallel_loop3A_205 = arith.index_cast %parallel_loop3A_123 : i32 to index
        %parallel_loop3A_206 = arith.constant 32 : index
        %parallel_loop3A_207 = tpu.vector_load %arg12[%parallel_loop3A_205, %parallel_loop3A_206] {strides = array<i32>} : memref<96x96xf32, #tpu.memory_space<vmem>>, vector<16xf32>,
        tpu.vector_store %arg12[%parallel_loop3A_205, %parallel_loop3A_206], %parallel_loop3A_204 {strides = array<i32>} : memref<96x96xf32, #tpu.memory_space<vmem>>, vector<16xf32>,
        %parallel_loop3A_208 = arith.index_cast %parallel_loop3A_123 : i32 to index
        %parallel_loop3A_209 = arith.constant 48 : index
        %parallel_loop3A_210 = tpu.vector_load %arg10[%parallel_loop3A_208, %parallel_loop3A_209] {strides = array<i32>} : memref<96x96xf32, #tpu.memory_space<vmem>>, vector<16xf32>,
        %parallel_loop3A_211 = arith.constant 7.75001574 : f32
        %parallel_loop3A_212 = vector.broadcast %parallel_loop3A_211 : f32 to vector<16xf32>
        %parallel_loop3A_213 = arith.mulf %parallel_loop3A_210, %parallel_loop3A_212 : vector<16xf32>
        %parallel_loop3A_214 = arith.constant 6.400000e+01 : f32
        %parallel_loop3A_215 = vector.broadcast %parallel_loop3A_214 : f32 to vector<16xf32>
        %parallel_loop3A_216 = arith.addf %parallel_loop3A_213, %parallel_loop3A_215 : vector<16xf32>
        %parallel_loop3A_217 = arith.fptosi %parallel_loop3A_216 : vector<16xf32> to vector<16xi32>
        %parallel_loop3A_218 = arith.constant 33 : i32
        %parallel_loop3A_219 = vector.broadcast %parallel_loop3A_218 : i32 to vector<16xi32>
        %parallel_loop3A_220 = arith.maxsi %parallel_loop3A_217, %parallel_loop3A_219 : vector<16xi32>
        %parallel_loop3A_221 = arith.constant 93 : i32
        %parallel_loop3A_222 = vector.broadcast %parallel_loop3A_221 : i32 to vector<16xi32>
        %parallel_loop3A_223 = arith.minsi %parallel_loop3A_220, %parallel_loop3A_222 : vector<16xi32>
        %parallel_loop3A_224 = vector.broadcast %sub3A_68 : i32 to vector<16xi32>
        %parallel_loop3A_225 = arith.addi %parallel_loop3A_223, %parallel_loop3A_224 : vector<16xi32>
        %parallel_loop3A_226 = tpu.vector_load_idx %arg7[%parallel_loop3A_225] : memref<12096xf32, #tpu.memory_space<vmem>>[vector<16xi32>], vector<16xf32>,
        %parallel_loop3A_227 = tpu.vector_load_idx %arg8[%parallel_loop3A_225] : memref<12096xf32, #tpu.memory_space<vmem>>[vector<16xi32>], vector<16xf32>,
        %parallel_loop3A_228 = tpu.vector_load_idx %arg9[%parallel_loop3A_225] : memref<12096xf32, #tpu.memory_space<vmem>>[vector<16xi32>], vector<16xf32>,
        %parallel_loop3A_229 = arith.mulf %parallel_loop3A_213, %parallel_loop3A_228 : vector<16xf32>
        %parallel_loop3A_230 = arith.addf %parallel_loop3A_227, %parallel_loop3A_229 : vector<16xf32>
        %parallel_loop3A_231 = arith.mulf %parallel_loop3A_213, %parallel_loop3A_230 : vector<16xf32>
        %parallel_loop3A_232 = arith.addf %parallel_loop3A_226, %parallel_loop3A_231 : vector<16xf32>
        %parallel_loop3A_233 = arith.index_cast %parallel_loop3A_123 : i32 to index
        %parallel_loop3A_234 = arith.constant 48 : index
        %parallel_loop3A_235 = tpu.vector_load %arg12[%parallel_loop3A_233, %parallel_loop3A_234] {strides = array<i32>} : memref<96x96xf32, #tpu.memory_space<vmem>>, vector<16xf32>,
        tpu.vector_store %arg12[%parallel_loop3A_233, %parallel_loop3A_234], %parallel_loop3A_232 {strides = array<i32>} : memref<96x96xf32, #tpu.memory_space<vmem>>, vector<16xf32>,
        %parallel_loop3A_236 = arith.index_cast %parallel_loop3A_123 : i32 to index
        %parallel_loop3A_237 = arith.constant 64 : index
        %parallel_loop3A_238 = tpu.vector_load %arg10[%parallel_loop3A_236, %parallel_loop3A_237] {strides = array<i32>} : memref<96x96xf32, #tpu.memory_space<vmem>>, vector<16xf32>,
        %parallel_loop3A_239 = arith.constant 7.75001574 : f32
        %parallel_loop3A_240 = vector.broadcast %parallel_loop3A_239 : f32 to vector<16xf32>
        %parallel_loop3A_241 = arith.mulf %parallel_loop3A_238, %parallel_loop3A_240 : vector<16xf32>
        %parallel_loop3A_242 = arith.constant 6.400000e+01 : f32
        %parallel_loop3A_243 = vector.broadcast %parallel_loop3A_242 : f32 to vector<16xf32>
        %parallel_loop3A_244 = arith.addf %parallel_loop3A_241, %parallel_loop3A_243 : vector<16xf32>
        %parallel_loop3A_245 = arith.fptosi %parallel_loop3A_244 : vector<16xf32> to vector<16xi32>
        %parallel_loop3A_246 = arith.constant 33 : i32
        %parallel_loop3A_247 = vector.broadcast %parallel_loop3A_246 : i32 to vector<16xi32>
        %parallel_loop3A_248 = arith.maxsi %parallel_loop3A_245, %parallel_loop3A_247 : vector<16xi32>
        %parallel_loop3A_249 = arith.constant 93 : i32
        %parallel_loop3A_250 = vector.broadcast %parallel_loop3A_249 : i32 to vector<16xi32>
        %parallel_loop3A_251 = arith.minsi %parallel_loop3A_248, %parallel_loop3A_250 : vector<16xi32>
        %parallel_loop3A_252 = vector.broadcast %sub3A_68 : i32 to vector<16xi32>
        %parallel_loop3A_253 = arith.addi %parallel_loop3A_251, %parallel_loop3A_252 : vector<16xi32>
        %parallel_loop3A_254 = tpu.vector_load_idx %arg7[%parallel_loop3A_253] : memref<12096xf32, #tpu.memory_space<vmem>>[vector<16xi32>], vector<16xf32>,
        %parallel_loop3A_255 = tpu.vector_load_idx %arg8[%parallel_loop3A_253] : memref<12096xf32, #tpu.memory_space<vmem>>[vector<16xi32>], vector<16xf32>,
        %parallel_loop3A_256 = tpu.vector_load_idx %arg9[%parallel_loop3A_253] : memref<12096xf32, #tpu.memory_space<vmem>>[vector<16xi32>], vector<16xf32>,
        %parallel_loop3A_257 = arith.mulf %parallel_loop3A_241, %parallel_loop3A_256 : vector<16xf32>
        %parallel_loop3A_258 = arith.addf %parallel_loop3A_255, %parallel_loop3A_257 : vector<16xf32>
        %parallel_loop3A_259 = arith.mulf %parallel_loop3A_241, %parallel_loop3A_258 : vector<16xf32>
        %parallel_loop3A_260 = arith.addf %parallel_loop3A_254, %parallel_loop3A_259 : vector<16xf32>
        %parallel_loop3A_261 = arith.index_cast %parallel_loop3A_123 : i32 to index
        %parallel_loop3A_262 = arith.constant 64 : index
        %parallel_loop3A_263 = tpu.vector_load %arg12[%parallel_loop3A_261, %parallel_loop3A_262] {strides = array<i32>} : memref<96x96xf32, #tpu.memory_space<vmem>>, vector<16xf32>,
        tpu.vector_store %arg12[%parallel_loop3A_261, %parallel_loop3A_262], %parallel_loop3A_260 {strides = array<i32>} : memref<96x96xf32, #tpu.memory_space<vmem>>, vector<16xf32>,
        %parallel_loop3A_264 = arith.index_cast %parallel_loop3A_123 : i32 to index
        %parallel_loop3A_265 = arith.constant 80 : index
        %parallel_loop3A_266 = tpu.vector_load %arg10[%parallel_loop3A_264, %parallel_loop3A_265] {strides = array<i32>} : memref<96x96xf32, #tpu.memory_space<vmem>>, vector<16xf32>,
        %parallel_loop3A_267 = arith.constant 7.75001574 : f32
        %parallel_loop3A_268 = vector.broadcast %parallel_loop3A_267 : f32 to vector<16xf32>
        %parallel_loop3A_269 = arith.mulf %parallel_loop3A_266, %parallel_loop3A_268 : vector<16xf32>
        %parallel_loop3A_270 = arith.constant 6.400000e+01 : f32
        %parallel_loop3A_271 = vector.broadcast %parallel_loop3A_270 : f32 to vector<16xf32>
        %parallel_loop3A_272 = arith.addf %parallel_loop3A_269, %parallel_loop3A_271 : vector<16xf32>
        %parallel_loop3A_273 = arith.fptosi %parallel_loop3A_272 : vector<16xf32> to vector<16xi32>
        %parallel_loop3A_274 = arith.constant 33 : i32
        %parallel_loop3A_275 = vector.broadcast %parallel_loop3A_274 : i32 to vector<16xi32>
        %parallel_loop3A_276 = arith.maxsi %parallel_loop3A_273, %parallel_loop3A_275 : vector<16xi32>
        %parallel_loop3A_277 = arith.constant 93 : i32
        %parallel_loop3A_278 = vector.broadcast %parallel_loop3A_277 : i32 to vector<16xi32>
        %parallel_loop3A_279 = arith.minsi %parallel_loop3A_276, %parallel_loop3A_278 : vector<16xi32>
        %parallel_loop3A_280 = vector.broadcast %sub3A_68 : i32 to vector<16xi32>
        %parallel_loop3A_281 = arith.addi %parallel_loop3A_279, %parallel_loop3A_280 : vector<16xi32>
        %parallel_loop3A_282 = tpu.vector_load_idx %arg7[%parallel_loop3A_281] : memref<12096xf32, #tpu.memory_space<vmem>>[vector<16xi32>], vector<16xf32>,
        %parallel_loop3A_283 = tpu.vector_load_idx %arg8[%parallel_loop3A_281] : memref<12096xf32, #tpu.memory_space<vmem>>[vector<16xi32>], vector<16xf32>,
        %parallel_loop3A_284 = tpu.vector_load_idx %arg9[%parallel_loop3A_281] : memref<12096xf32, #tpu.memory_space<vmem>>[vector<16xi32>], vector<16xf32>,
        %parallel_loop3A_285 = arith.mulf %parallel_loop3A_269, %parallel_loop3A_284 : vector<16xf32>
        %parallel_loop3A_286 = arith.addf %parallel_loop3A_283, %parallel_loop3A_285 : vector<16xf32>
        %parallel_loop3A_287 = arith.mulf %parallel_loop3A_269, %parallel_loop3A_286 : vector<16xf32>
        %parallel_loop3A_288 = arith.addf %parallel_loop3A_282, %parallel_loop3A_287 : vector<16xf32>
        %parallel_loop3A_289 = arith.index_cast %parallel_loop3A_123 : i32 to index
        %parallel_loop3A_290 = arith.constant 80 : index
        %parallel_loop3A_291 = tpu.vector_load %arg12[%parallel_loop3A_289, %parallel_loop3A_290] {strides = array<i32>} : memref<96x96xf32, #tpu.memory_space<vmem>>, vector<16xf32>,
        tpu.vector_store %arg12[%parallel_loop3A_289, %parallel_loop3A_290], %parallel_loop3A_288 {strides = array<i32>} : memref<96x96xf32, #tpu.memory_space<vmem>>, vector<16xf32>,
      } {sc.loop_unroll_factor = 4 : i64, sc.parallel_access}
      %dma_start3A_71 = arith.constant 0 : i32
      %dma_start3A_72 = arith.constant 0 : i32
      %dma_start3A_73 = tpu.memref_slice %arg6[%div3A_1, %add3A_52, %dma_start3A_71, %dma_start3A_72] : memref<16x192x96x96xf32, #tpu.memory_space<hbm>> -> memref<1x1x96x96xf32, #tpu.memory_space<hbm>>
      %dma_start3A_74 = tpu.memref_squeeze %dma_start3A_73 : memref<1x1x96x96xf32, #tpu.memory_space<hbm>> -> memref<96x96xf32, #tpu.memory_space<hbm>>
      %dma_start3A_75 = arith.constant 0 : i32
      %dma_start3A_76 = arith.constant 0 : i32
      %dma_start3A_77 = tpu.memref_slice %arg6[%div3A_1, %add3A_52, %dma_start3A_75, %dma_start3A_76] : memref<16x192x96x96xf32, #tpu.memory_space<hbm>> -> memref<1x1x96x96xf32, #tpu.memory_space<hbm>>
      %dma_start3A_78 = tpu.memref_squeeze %dma_start3A_77 : memref<1x1x96x96xf32, #tpu.memory_space<hbm>> -> memref<96x96xf32, #tpu.memory_space<hbm>>
      tpu.enqueue_dma source(%arg12 : memref<96x96xf32, #tpu.memory_space<vmem>>) target(%dma_start3A_78 : memref<96x96xf32, #tpu.memory_space<hbm>>) target_semaphore(%arg16 : memref<!tpu.dma_semaphore, #tpu.memory_space<semaphore_mem>>)
      %lt3A = arith.constant 47 : i32
      %lt3A_79 = arith.cmpi slt, %scan3A_47, %lt3A : i32
      %convert_element_type3A_80 = arith.extui %lt3A_79 : i1 to i32
      %cond3A_81 = arith.constant 0 : i32
      %cond3A_82 = arith.cmpi ne, %convert_element_type3A_80, %cond3A_81 : i32
      scf.if %cond3A_82 {
        %add3A_123 = arith.constant 2 : i32
        %add3A_124 = arith.addi %add3A_52, %add3A_123 : i32
        %dma_start3A_125 = arith.constant 0 : i32
        %dma_start3A_126 = arith.constant 0 : i32
        %dma_start3A_127 = tpu.memref_slice %arg2[%div3A_1, %add3A_124, %dma_start3A_125, %dma_start3A_126] : memref<16x192x96x96xf32, #tpu.memory_space<hbm>> -> memref<1x1x96x96xf32, #tpu.memory_space<hbm>>
        %dma_start3A_128 = tpu.memref_squeeze %dma_start3A_127 : memref<1x1x96x96xf32, #tpu.memory_space<hbm>> -> memref<96x96xf32, #tpu.memory_space<hbm>>
        %dma_start3A_129 = arith.constant 0 : i32
        %dma_start3A_130 = arith.constant 0 : i32
        %dma_start3A_131 = tpu.memref_slice %arg2[%div3A_1, %add3A_124, %dma_start3A_129, %dma_start3A_130] : memref<16x192x96x96xf32, #tpu.memory_space<hbm>> -> memref<1x1x96x96xf32, #tpu.memory_space<hbm>>
        %dma_start3A_132 = tpu.memref_squeeze %dma_start3A_131 : memref<1x1x96x96xf32, #tpu.memory_space<hbm>> -> memref<96x96xf32, #tpu.memory_space<hbm>>
        tpu.enqueue_dma source(%dma_start3A_132 : memref<96x96xf32, #tpu.memory_space<hbm>>) target(%arg10 : memref<96x96xf32, #tpu.memory_space<vmem>>) target_semaphore(%arg14 : memref<!tpu.dma_semaphore, #tpu.memory_space<semaphore_mem>>)
      } else {
      }
      %mul3A_83 = arith.constant 2 : i32
      %mul3A_84 = arith.muli %scan3A_47, %mul3A_83 : i32
      %add3A_85 = arith.addi %mul3A_4, %mul3A_84 : i32
      %add3A_86 = arith.constant 1 : i32
      %add3A_87 = arith.addi %add3A_85, %add3A_86 : i32
      %dma_wait3A_88 = arith.constant 0 : i32
      %dma_wait3A_89 = arith.constant 0 : i32
      %dma_wait3A_90 = tpu.memref_slice %arg2[%div3A_1, %add3A_87, %dma_wait3A_88, %dma_wait3A_89] : memref<16x192x96x96xf32, #tpu.memory_space<hbm>> -> memref<1x1x96x96xf32, #tpu.memory_space<hbm>>
      %dma_wait3A_91 = tpu.memref_squeeze %dma_wait3A_90 : memref<1x1x96x96xf32, #tpu.memory_space<hbm>> -> memref<96x96xf32, #tpu.memory_space<hbm>>
      %dma_wait3A_92 = arith.constant 0 : i32
      %dma_wait3A_93 = arith.constant 0 : i32
      %dma_wait3A_94 = tpu.memref_slice %arg2[%div3A_1, %add3A_87, %dma_wait3A_92, %dma_wait3A_93] : memref<16x192x96x96xf32, #tpu.memory_space<hbm>> -> memref<1x1x96x96xf32, #tpu.memory_space<hbm>>
      %dma_wait3A_95 = tpu.memref_squeeze %dma_wait3A_94 : memref<1x1x96x96xf32, #tpu.memory_space<hbm>> -> memref<96x96xf32, #tpu.memory_space<hbm>>
      tpu.wait_dma2 semaphore(%arg15 : memref<!tpu.dma_semaphore, #tpu.memory_space<semaphore_mem>>) src(%dma_wait3A_95 : memref<96x96xf32, #tpu.memory_space<hbm>>) dst(%arg11 : memref<96x96xf32, #tpu.memory_space<vmem>>)
      %gt3A_96 = arith.constant 0 : i32
      %gt3A_97 = arith.cmpi sgt, %scan3A_47, %gt3A_96 : i32
      %convert_element_type3A_98 = arith.extui %gt3A_97 : i1 to i32
      %cond3A_99 = arith.constant 0 : i32
      %cond3A_100 = arith.cmpi ne, %convert_element_type3A_98, %cond3A_99 : i32
      scf.if %cond3A_100 {
        %dma_wait3A_123 = arith.constant 0 : i32
        %dma_wait3A_124 = arith.constant 0 : i32
        %dma_wait3A_125 = tpu.memref_slice %arg6[%div3A_1, %add3A_87, %dma_wait3A_123, %dma_wait3A_124] : memref<16x192x96x96xf32, #tpu.memory_space<hbm>> -> memref<1x1x96x96xf32, #tpu.memory_space<hbm>>
        %dma_wait3A_126 = tpu.memref_squeeze %dma_wait3A_125 : memref<1x1x96x96xf32, #tpu.memory_space<hbm>> -> memref<96x96xf32, #tpu.memory_space<hbm>>
        %dma_wait3A_127 = arith.constant 0 : i32
        %dma_wait3A_128 = arith.constant 0 : i32
        %dma_wait3A_129 = tpu.memref_slice %arg6[%div3A_1, %add3A_87, %dma_wait3A_127, %dma_wait3A_128] : memref<16x192x96x96xf32, #tpu.memory_space<hbm>> -> memref<1x1x96x96xf32, #tpu.memory_space<hbm>>
        %dma_wait3A_130 = tpu.memref_squeeze %dma_wait3A_129 : memref<1x1x96x96xf32, #tpu.memory_space<hbm>> -> memref<96x96xf32, #tpu.memory_space<hbm>>
        tpu.wait_dma2 semaphore(%arg17 : memref<!tpu.dma_semaphore, #tpu.memory_space<semaphore_mem>>) src(%arg13 : memref<96x96xf32, #tpu.memory_space<vmem>>) dst(%dma_wait3A_130 : memref<96x96xf32, #tpu.memory_space<hbm>>)
      } else {
      }
      %mul3A_101 = arith.constant 63 : i32
      %mul3A_102 = arith.muli %add3A_87, %mul3A_101 : i32
      %add3A_103 = arith.constant 31 : i32
      %add3A_104 = arith.addi %mul3A_102, %add3A_103 : i32
      %sub3A_105 = arith.constant 64 : i32
      %sub3A_106 = arith.subi %add3A_104, %sub3A_105 : i32
      %parallel_loop3A_107 = arith.constant 0 : i32
      %parallel_loop3A_108 = arith.constant 96 : i32
      %parallel_loop3A_109 = arith.constant 1 : i32
      scf.for %parallel_loop3A_123 = %parallel_loop3A_107 to %parallel_loop3A_108 step %parallel_loop3A_109  : i32 {
        %parallel_loop3A_124 = arith.index_cast %parallel_loop3A_123 : i32 to index
        %parallel_loop3A_125 = arith.constant 0 : index
        %parallel_loop3A_126 = tpu.vector_load %arg11[%parallel_loop3A_124, %parallel_loop3A_125] {strides = array<i32>} : memref<96x96xf32, #tpu.memory_space<vmem>>, vector<16xf32>,
        %parallel_loop3A_127 = arith.constant 7.75001574 : f32
        %parallel_loop3A_128 = vector.broadcast %parallel_loop3A_127 : f32 to vector<16xf32>
        %parallel_loop3A_129 = arith.mulf %parallel_loop3A_126, %parallel_loop3A_128 : vector<16xf32>
        %parallel_loop3A_130 = arith.constant 6.400000e+01 : f32
        %parallel_loop3A_131 = vector.broadcast %parallel_loop3A_130 : f32 to vector<16xf32>
        %parallel_loop3A_132 = arith.addf %parallel_loop3A_129, %parallel_loop3A_131 : vector<16xf32>
        %parallel_loop3A_133 = arith.fptosi %parallel_loop3A_132 : vector<16xf32> to vector<16xi32>
        %parallel_loop3A_134 = arith.constant 33 : i32
        %parallel_loop3A_135 = vector.broadcast %parallel_loop3A_134 : i32 to vector<16xi32>
        %parallel_loop3A_136 = arith.maxsi %parallel_loop3A_133, %parallel_loop3A_135 : vector<16xi32>
        %parallel_loop3A_137 = arith.constant 93 : i32
        %parallel_loop3A_138 = vector.broadcast %parallel_loop3A_137 : i32 to vector<16xi32>
        %parallel_loop3A_139 = arith.minsi %parallel_loop3A_136, %parallel_loop3A_138 : vector<16xi32>
        %parallel_loop3A_140 = vector.broadcast %sub3A_106 : i32 to vector<16xi32>
        %parallel_loop3A_141 = arith.addi %parallel_loop3A_139, %parallel_loop3A_140 : vector<16xi32>
        %parallel_loop3A_142 = tpu.vector_load_idx %arg7[%parallel_loop3A_141] : memref<12096xf32, #tpu.memory_space<vmem>>[vector<16xi32>], vector<16xf32>,
        %parallel_loop3A_143 = tpu.vector_load_idx %arg8[%parallel_loop3A_141] : memref<12096xf32, #tpu.memory_space<vmem>>[vector<16xi32>], vector<16xf32>,
        %parallel_loop3A_144 = tpu.vector_load_idx %arg9[%parallel_loop3A_141] : memref<12096xf32, #tpu.memory_space<vmem>>[vector<16xi32>], vector<16xf32>,
        %parallel_loop3A_145 = arith.mulf %parallel_loop3A_129, %parallel_loop3A_144 : vector<16xf32>
        %parallel_loop3A_146 = arith.addf %parallel_loop3A_143, %parallel_loop3A_145 : vector<16xf32>
        %parallel_loop3A_147 = arith.mulf %parallel_loop3A_129, %parallel_loop3A_146 : vector<16xf32>
        %parallel_loop3A_148 = arith.addf %parallel_loop3A_142, %parallel_loop3A_147 : vector<16xf32>
        %parallel_loop3A_149 = arith.index_cast %parallel_loop3A_123 : i32 to index
        %parallel_loop3A_150 = arith.constant 0 : index
        %parallel_loop3A_151 = tpu.vector_load %arg13[%parallel_loop3A_149, %parallel_loop3A_150] {strides = array<i32>} : memref<96x96xf32, #tpu.memory_space<vmem>>, vector<16xf32>,
        tpu.vector_store %arg13[%parallel_loop3A_149, %parallel_loop3A_150], %parallel_loop3A_148 {strides = array<i32>} : memref<96x96xf32, #tpu.memory_space<vmem>>, vector<16xf32>,
        %parallel_loop3A_152 = arith.index_cast %parallel_loop3A_123 : i32 to index
        %parallel_loop3A_153 = arith.constant 16 : index
        %parallel_loop3A_154 = tpu.vector_load %arg11[%parallel_loop3A_152, %parallel_loop3A_153] {strides = array<i32>} : memref<96x96xf32, #tpu.memory_space<vmem>>, vector<16xf32>,
        %parallel_loop3A_155 = arith.constant 7.75001574 : f32
        %parallel_loop3A_156 = vector.broadcast %parallel_loop3A_155 : f32 to vector<16xf32>
        %parallel_loop3A_157 = arith.mulf %parallel_loop3A_154, %parallel_loop3A_156 : vector<16xf32>
        %parallel_loop3A_158 = arith.constant 6.400000e+01 : f32
        %parallel_loop3A_159 = vector.broadcast %parallel_loop3A_158 : f32 to vector<16xf32>
        %parallel_loop3A_160 = arith.addf %parallel_loop3A_157, %parallel_loop3A_159 : vector<16xf32>
        %parallel_loop3A_161 = arith.fptosi %parallel_loop3A_160 : vector<16xf32> to vector<16xi32>
        %parallel_loop3A_162 = arith.constant 33 : i32
        %parallel_loop3A_163 = vector.broadcast %parallel_loop3A_162 : i32 to vector<16xi32>
        %parallel_loop3A_164 = arith.maxsi %parallel_loop3A_161, %parallel_loop3A_163 : vector<16xi32>
        %parallel_loop3A_165 = arith.constant 93 : i32
        %parallel_loop3A_166 = vector.broadcast %parallel_loop3A_165 : i32 to vector<16xi32>
        %parallel_loop3A_167 = arith.minsi %parallel_loop3A_164, %parallel_loop3A_166 : vector<16xi32>
        %parallel_loop3A_168 = vector.broadcast %sub3A_106 : i32 to vector<16xi32>
        %parallel_loop3A_169 = arith.addi %parallel_loop3A_167, %parallel_loop3A_168 : vector<16xi32>
        %parallel_loop3A_170 = tpu.vector_load_idx %arg7[%parallel_loop3A_169] : memref<12096xf32, #tpu.memory_space<vmem>>[vector<16xi32>], vector<16xf32>,
        %parallel_loop3A_171 = tpu.vector_load_idx %arg8[%parallel_loop3A_169] : memref<12096xf32, #tpu.memory_space<vmem>>[vector<16xi32>], vector<16xf32>,
        %parallel_loop3A_172 = tpu.vector_load_idx %arg9[%parallel_loop3A_169] : memref<12096xf32, #tpu.memory_space<vmem>>[vector<16xi32>], vector<16xf32>,
        %parallel_loop3A_173 = arith.mulf %parallel_loop3A_157, %parallel_loop3A_172 : vector<16xf32>
        %parallel_loop3A_174 = arith.addf %parallel_loop3A_171, %parallel_loop3A_173 : vector<16xf32>
        %parallel_loop3A_175 = arith.mulf %parallel_loop3A_157, %parallel_loop3A_174 : vector<16xf32>
        %parallel_loop3A_176 = arith.addf %parallel_loop3A_170, %parallel_loop3A_175 : vector<16xf32>
        %parallel_loop3A_177 = arith.index_cast %parallel_loop3A_123 : i32 to index
        %parallel_loop3A_178 = arith.constant 16 : index
        %parallel_loop3A_179 = tpu.vector_load %arg13[%parallel_loop3A_177, %parallel_loop3A_178] {strides = array<i32>} : memref<96x96xf32, #tpu.memory_space<vmem>>, vector<16xf32>,
        tpu.vector_store %arg13[%parallel_loop3A_177, %parallel_loop3A_178], %parallel_loop3A_176 {strides = array<i32>} : memref<96x96xf32, #tpu.memory_space<vmem>>, vector<16xf32>,
        %parallel_loop3A_180 = arith.index_cast %parallel_loop3A_123 : i32 to index
        %parallel_loop3A_181 = arith.constant 32 : index
        %parallel_loop3A_182 = tpu.vector_load %arg11[%parallel_loop3A_180, %parallel_loop3A_181] {strides = array<i32>} : memref<96x96xf32, #tpu.memory_space<vmem>>, vector<16xf32>,
        %parallel_loop3A_183 = arith.constant 7.75001574 : f32
        %parallel_loop3A_184 = vector.broadcast %parallel_loop3A_183 : f32 to vector<16xf32>
        %parallel_loop3A_185 = arith.mulf %parallel_loop3A_182, %parallel_loop3A_184 : vector<16xf32>
        %parallel_loop3A_186 = arith.constant 6.400000e+01 : f32
        %parallel_loop3A_187 = vector.broadcast %parallel_loop3A_186 : f32 to vector<16xf32>
        %parallel_loop3A_188 = arith.addf %parallel_loop3A_185, %parallel_loop3A_187 : vector<16xf32>
        %parallel_loop3A_189 = arith.fptosi %parallel_loop3A_188 : vector<16xf32> to vector<16xi32>
        %parallel_loop3A_190 = arith.constant 33 : i32
        %parallel_loop3A_191 = vector.broadcast %parallel_loop3A_190 : i32 to vector<16xi32>
        %parallel_loop3A_192 = arith.maxsi %parallel_loop3A_189, %parallel_loop3A_191 : vector<16xi32>
        %parallel_loop3A_193 = arith.constant 93 : i32
        %parallel_loop3A_194 = vector.broadcast %parallel_loop3A_193 : i32 to vector<16xi32>
        %parallel_loop3A_195 = arith.minsi %parallel_loop3A_192, %parallel_loop3A_194 : vector<16xi32>
        %parallel_loop3A_196 = vector.broadcast %sub3A_106 : i32 to vector<16xi32>
        %parallel_loop3A_197 = arith.addi %parallel_loop3A_195, %parallel_loop3A_196 : vector<16xi32>
        %parallel_loop3A_198 = tpu.vector_load_idx %arg7[%parallel_loop3A_197] : memref<12096xf32, #tpu.memory_space<vmem>>[vector<16xi32>], vector<16xf32>,
        %parallel_loop3A_199 = tpu.vector_load_idx %arg8[%parallel_loop3A_197] : memref<12096xf32, #tpu.memory_space<vmem>>[vector<16xi32>], vector<16xf32>,
        %parallel_loop3A_200 = tpu.vector_load_idx %arg9[%parallel_loop3A_197] : memref<12096xf32, #tpu.memory_space<vmem>>[vector<16xi32>], vector<16xf32>,
        %parallel_loop3A_201 = arith.mulf %parallel_loop3A_185, %parallel_loop3A_200 : vector<16xf32>
        %parallel_loop3A_202 = arith.addf %parallel_loop3A_199, %parallel_loop3A_201 : vector<16xf32>
        %parallel_loop3A_203 = arith.mulf %parallel_loop3A_185, %parallel_loop3A_202 : vector<16xf32>
        %parallel_loop3A_204 = arith.addf %parallel_loop3A_198, %parallel_loop3A_203 : vector<16xf32>
        %parallel_loop3A_205 = arith.index_cast %parallel_loop3A_123 : i32 to index
        %parallel_loop3A_206 = arith.constant 32 : index
        %parallel_loop3A_207 = tpu.vector_load %arg13[%parallel_loop3A_205, %parallel_loop3A_206] {strides = array<i32>} : memref<96x96xf32, #tpu.memory_space<vmem>>, vector<16xf32>,
        tpu.vector_store %arg13[%parallel_loop3A_205, %parallel_loop3A_206], %parallel_loop3A_204 {strides = array<i32>} : memref<96x96xf32, #tpu.memory_space<vmem>>, vector<16xf32>,
        %parallel_loop3A_208 = arith.index_cast %parallel_loop3A_123 : i32 to index
        %parallel_loop3A_209 = arith.constant 48 : index
        %parallel_loop3A_210 = tpu.vector_load %arg11[%parallel_loop3A_208, %parallel_loop3A_209] {strides = array<i32>} : memref<96x96xf32, #tpu.memory_space<vmem>>, vector<16xf32>,
        %parallel_loop3A_211 = arith.constant 7.75001574 : f32
        %parallel_loop3A_212 = vector.broadcast %parallel_loop3A_211 : f32 to vector<16xf32>
        %parallel_loop3A_213 = arith.mulf %parallel_loop3A_210, %parallel_loop3A_212 : vector<16xf32>
        %parallel_loop3A_214 = arith.constant 6.400000e+01 : f32
        %parallel_loop3A_215 = vector.broadcast %parallel_loop3A_214 : f32 to vector<16xf32>
        %parallel_loop3A_216 = arith.addf %parallel_loop3A_213, %parallel_loop3A_215 : vector<16xf32>
        %parallel_loop3A_217 = arith.fptosi %parallel_loop3A_216 : vector<16xf32> to vector<16xi32>
        %parallel_loop3A_218 = arith.constant 33 : i32
        %parallel_loop3A_219 = vector.broadcast %parallel_loop3A_218 : i32 to vector<16xi32>
        %parallel_loop3A_220 = arith.maxsi %parallel_loop3A_217, %parallel_loop3A_219 : vector<16xi32>
        %parallel_loop3A_221 = arith.constant 93 : i32
        %parallel_loop3A_222 = vector.broadcast %parallel_loop3A_221 : i32 to vector<16xi32>
        %parallel_loop3A_223 = arith.minsi %parallel_loop3A_220, %parallel_loop3A_222 : vector<16xi32>
        %parallel_loop3A_224 = vector.broadcast %sub3A_106 : i32 to vector<16xi32>
        %parallel_loop3A_225 = arith.addi %parallel_loop3A_223, %parallel_loop3A_224 : vector<16xi32>
        %parallel_loop3A_226 = tpu.vector_load_idx %arg7[%parallel_loop3A_225] : memref<12096xf32, #tpu.memory_space<vmem>>[vector<16xi32>], vector<16xf32>,
        %parallel_loop3A_227 = tpu.vector_load_idx %arg8[%parallel_loop3A_225] : memref<12096xf32, #tpu.memory_space<vmem>>[vector<16xi32>], vector<16xf32>,
        %parallel_loop3A_228 = tpu.vector_load_idx %arg9[%parallel_loop3A_225] : memref<12096xf32, #tpu.memory_space<vmem>>[vector<16xi32>], vector<16xf32>,
        %parallel_loop3A_229 = arith.mulf %parallel_loop3A_213, %parallel_loop3A_228 : vector<16xf32>
        %parallel_loop3A_230 = arith.addf %parallel_loop3A_227, %parallel_loop3A_229 : vector<16xf32>
        %parallel_loop3A_231 = arith.mulf %parallel_loop3A_213, %parallel_loop3A_230 : vector<16xf32>
        %parallel_loop3A_232 = arith.addf %parallel_loop3A_226, %parallel_loop3A_231 : vector<16xf32>
        %parallel_loop3A_233 = arith.index_cast %parallel_loop3A_123 : i32 to index
        %parallel_loop3A_234 = arith.constant 48 : index
        %parallel_loop3A_235 = tpu.vector_load %arg13[%parallel_loop3A_233, %parallel_loop3A_234] {strides = array<i32>} : memref<96x96xf32, #tpu.memory_space<vmem>>, vector<16xf32>,
        tpu.vector_store %arg13[%parallel_loop3A_233, %parallel_loop3A_234], %parallel_loop3A_232 {strides = array<i32>} : memref<96x96xf32, #tpu.memory_space<vmem>>, vector<16xf32>,
        %parallel_loop3A_236 = arith.index_cast %parallel_loop3A_123 : i32 to index
        %parallel_loop3A_237 = arith.constant 64 : index
        %parallel_loop3A_238 = tpu.vector_load %arg11[%parallel_loop3A_236, %parallel_loop3A_237] {strides = array<i32>} : memref<96x96xf32, #tpu.memory_space<vmem>>, vector<16xf32>,
        %parallel_loop3A_239 = arith.constant 7.75001574 : f32
        %parallel_loop3A_240 = vector.broadcast %parallel_loop3A_239 : f32 to vector<16xf32>
        %parallel_loop3A_241 = arith.mulf %parallel_loop3A_238, %parallel_loop3A_240 : vector<16xf32>
        %parallel_loop3A_242 = arith.constant 6.400000e+01 : f32
        %parallel_loop3A_243 = vector.broadcast %parallel_loop3A_242 : f32 to vector<16xf32>
        %parallel_loop3A_244 = arith.addf %parallel_loop3A_241, %parallel_loop3A_243 : vector<16xf32>
        %parallel_loop3A_245 = arith.fptosi %parallel_loop3A_244 : vector<16xf32> to vector<16xi32>
        %parallel_loop3A_246 = arith.constant 33 : i32
        %parallel_loop3A_247 = vector.broadcast %parallel_loop3A_246 : i32 to vector<16xi32>
        %parallel_loop3A_248 = arith.maxsi %parallel_loop3A_245, %parallel_loop3A_247 : vector<16xi32>
        %parallel_loop3A_249 = arith.constant 93 : i32
        %parallel_loop3A_250 = vector.broadcast %parallel_loop3A_249 : i32 to vector<16xi32>
        %parallel_loop3A_251 = arith.minsi %parallel_loop3A_248, %parallel_loop3A_250 : vector<16xi32>
        %parallel_loop3A_252 = vector.broadcast %sub3A_106 : i32 to vector<16xi32>
        %parallel_loop3A_253 = arith.addi %parallel_loop3A_251, %parallel_loop3A_252 : vector<16xi32>
        %parallel_loop3A_254 = tpu.vector_load_idx %arg7[%parallel_loop3A_253] : memref<12096xf32, #tpu.memory_space<vmem>>[vector<16xi32>], vector<16xf32>,
        %parallel_loop3A_255 = tpu.vector_load_idx %arg8[%parallel_loop3A_253] : memref<12096xf32, #tpu.memory_space<vmem>>[vector<16xi32>], vector<16xf32>,
        %parallel_loop3A_256 = tpu.vector_load_idx %arg9[%parallel_loop3A_253] : memref<12096xf32, #tpu.memory_space<vmem>>[vector<16xi32>], vector<16xf32>,
        %parallel_loop3A_257 = arith.mulf %parallel_loop3A_241, %parallel_loop3A_256 : vector<16xf32>
        %parallel_loop3A_258 = arith.addf %parallel_loop3A_255, %parallel_loop3A_257 : vector<16xf32>
        %parallel_loop3A_259 = arith.mulf %parallel_loop3A_241, %parallel_loop3A_258 : vector<16xf32>
        %parallel_loop3A_260 = arith.addf %parallel_loop3A_254, %parallel_loop3A_259 : vector<16xf32>
        %parallel_loop3A_261 = arith.index_cast %parallel_loop3A_123 : i32 to index
        %parallel_loop3A_262 = arith.constant 64 : index
        %parallel_loop3A_263 = tpu.vector_load %arg13[%parallel_loop3A_261, %parallel_loop3A_262] {strides = array<i32>} : memref<96x96xf32, #tpu.memory_space<vmem>>, vector<16xf32>,
        tpu.vector_store %arg13[%parallel_loop3A_261, %parallel_loop3A_262], %parallel_loop3A_260 {strides = array<i32>} : memref<96x96xf32, #tpu.memory_space<vmem>>, vector<16xf32>,
        %parallel_loop3A_264 = arith.index_cast %parallel_loop3A_123 : i32 to index
        %parallel_loop3A_265 = arith.constant 80 : index
        %parallel_loop3A_266 = tpu.vector_load %arg11[%parallel_loop3A_264, %parallel_loop3A_265] {strides = array<i32>} : memref<96x96xf32, #tpu.memory_space<vmem>>, vector<16xf32>,
        %parallel_loop3A_267 = arith.constant 7.75001574 : f32
        %parallel_loop3A_268 = vector.broadcast %parallel_loop3A_267 : f32 to vector<16xf32>
        %parallel_loop3A_269 = arith.mulf %parallel_loop3A_266, %parallel_loop3A_268 : vector<16xf32>
        %parallel_loop3A_270 = arith.constant 6.400000e+01 : f32
        %parallel_loop3A_271 = vector.broadcast %parallel_loop3A_270 : f32 to vector<16xf32>
        %parallel_loop3A_272 = arith.addf %parallel_loop3A_269, %parallel_loop3A_271 : vector<16xf32>
        %parallel_loop3A_273 = arith.fptosi %parallel_loop3A_272 : vector<16xf32> to vector<16xi32>
        %parallel_loop3A_274 = arith.constant 33 : i32
        %parallel_loop3A_275 = vector.broadcast %parallel_loop3A_274 : i32 to vector<16xi32>
        %parallel_loop3A_276 = arith.maxsi %parallel_loop3A_273, %parallel_loop3A_275 : vector<16xi32>
        %parallel_loop3A_277 = arith.constant 93 : i32
        %parallel_loop3A_278 = vector.broadcast %parallel_loop3A_277 : i32 to vector<16xi32>
        %parallel_loop3A_279 = arith.minsi %parallel_loop3A_276, %parallel_loop3A_278 : vector<16xi32>
        %parallel_loop3A_280 = vector.broadcast %sub3A_106 : i32 to vector<16xi32>
        %parallel_loop3A_281 = arith.addi %parallel_loop3A_279, %parallel_loop3A_280 : vector<16xi32>
        %parallel_loop3A_282 = tpu.vector_load_idx %arg7[%parallel_loop3A_281] : memref<12096xf32, #tpu.memory_space<vmem>>[vector<16xi32>], vector<16xf32>,
        %parallel_loop3A_283 = tpu.vector_load_idx %arg8[%parallel_loop3A_281] : memref<12096xf32, #tpu.memory_space<vmem>>[vector<16xi32>], vector<16xf32>,
        %parallel_loop3A_284 = tpu.vector_load_idx %arg9[%parallel_loop3A_281] : memref<12096xf32, #tpu.memory_space<vmem>>[vector<16xi32>], vector<16xf32>,
        %parallel_loop3A_285 = arith.mulf %parallel_loop3A_269, %parallel_loop3A_284 : vector<16xf32>
        %parallel_loop3A_286 = arith.addf %parallel_loop3A_283, %parallel_loop3A_285 : vector<16xf32>
        %parallel_loop3A_287 = arith.mulf %parallel_loop3A_269, %parallel_loop3A_286 : vector<16xf32>
        %parallel_loop3A_288 = arith.addf %parallel_loop3A_282, %parallel_loop3A_287 : vector<16xf32>
        %parallel_loop3A_289 = arith.index_cast %parallel_loop3A_123 : i32 to index
        %parallel_loop3A_290 = arith.constant 80 : index
        %parallel_loop3A_291 = tpu.vector_load %arg13[%parallel_loop3A_289, %parallel_loop3A_290] {strides = array<i32>} : memref<96x96xf32, #tpu.memory_space<vmem>>, vector<16xf32>,
        tpu.vector_store %arg13[%parallel_loop3A_289, %parallel_loop3A_290], %parallel_loop3A_288 {strides = array<i32>} : memref<96x96xf32, #tpu.memory_space<vmem>>, vector<16xf32>,
      } {sc.loop_unroll_factor = 4 : i64, sc.parallel_access}
      %dma_start3A_110 = arith.constant 0 : i32
      %dma_start3A_111 = arith.constant 0 : i32
      %dma_start3A_112 = tpu.memref_slice %arg6[%div3A_1, %add3A_87, %dma_start3A_110, %dma_start3A_111] : memref<16x192x96x96xf32, #tpu.memory_space<hbm>> -> memref<1x1x96x96xf32, #tpu.memory_space<hbm>>
      %dma_start3A_113 = tpu.memref_squeeze %dma_start3A_112 : memref<1x1x96x96xf32, #tpu.memory_space<hbm>> -> memref<96x96xf32, #tpu.memory_space<hbm>>
      %dma_start3A_114 = arith.constant 0 : i32
      %dma_start3A_115 = arith.constant 0 : i32
      %dma_start3A_116 = tpu.memref_slice %arg6[%div3A_1, %add3A_87, %dma_start3A_114, %dma_start3A_115] : memref<16x192x96x96xf32, #tpu.memory_space<hbm>> -> memref<1x1x96x96xf32, #tpu.memory_space<hbm>>
      %dma_start3A_117 = tpu.memref_squeeze %dma_start3A_116 : memref<1x1x96x96xf32, #tpu.memory_space<hbm>> -> memref<96x96xf32, #tpu.memory_space<hbm>>
      tpu.enqueue_dma source(%arg13 : memref<96x96xf32, #tpu.memory_space<vmem>>) target(%dma_start3A_117 : memref<96x96xf32, #tpu.memory_space<hbm>>) target_semaphore(%arg17 : memref<!tpu.dma_semaphore, #tpu.memory_space<semaphore_mem>>)
      %lt3A_118 = arith.constant 47 : i32
      %lt3A_119 = arith.cmpi slt, %scan3A_47, %lt3A_118 : i32
      %convert_element_type3A_120 = arith.extui %lt3A_119 : i1 to i32
      %cond3A_121 = arith.constant 0 : i32
      %cond3A_122 = arith.cmpi ne, %convert_element_type3A_120, %cond3A_121 : i32
      scf.if %cond3A_122 {
        %add3A_123 = arith.constant 2 : i32
        %add3A_124 = arith.addi %add3A_87, %add3A_123 : i32
        %dma_start3A_125 = arith.constant 0 : i32
        %dma_start3A_126 = arith.constant 0 : i32
        %dma_start3A_127 = tpu.memref_slice %arg2[%div3A_1, %add3A_124, %dma_start3A_125, %dma_start3A_126] : memref<16x192x96x96xf32, #tpu.memory_space<hbm>> -> memref<1x1x96x96xf32, #tpu.memory_space<hbm>>
        %dma_start3A_128 = tpu.memref_squeeze %dma_start3A_127 : memref<1x1x96x96xf32, #tpu.memory_space<hbm>> -> memref<96x96xf32, #tpu.memory_space<hbm>>
        %dma_start3A_129 = arith.constant 0 : i32
        %dma_start3A_130 = arith.constant 0 : i32
        %dma_start3A_131 = tpu.memref_slice %arg2[%div3A_1, %add3A_124, %dma_start3A_129, %dma_start3A_130] : memref<16x192x96x96xf32, #tpu.memory_space<hbm>> -> memref<1x1x96x96xf32, #tpu.memory_space<hbm>>
        %dma_start3A_132 = tpu.memref_squeeze %dma_start3A_131 : memref<1x1x96x96xf32, #tpu.memory_space<hbm>> -> memref<96x96xf32, #tpu.memory_space<hbm>>
        tpu.enqueue_dma source(%dma_start3A_132 : memref<96x96xf32, #tpu.memory_space<hbm>>) target(%arg11 : memref<96x96xf32, #tpu.memory_space<vmem>>) target_semaphore(%arg15 : memref<!tpu.dma_semaphore, #tpu.memory_space<semaphore_mem>>)
      } else {
      }
    }
    %scan3A_26 = arith.constant 48 : i32
    %add3A_27 = arith.constant 96 : i32
    %add3A_28 = arith.addi %mul3A_4, %add3A_27 : i32
    %sub3A = arith.constant 2 : i32
    %sub3A_29 = arith.subi %add3A_28, %sub3A : i32
    %dma_wait3A = arith.constant 0 : i32
    %dma_wait3A_30 = arith.constant 0 : i32
    %dma_wait3A_31 = tpu.memref_slice %arg6[%div3A_1, %sub3A_29, %dma_wait3A, %dma_wait3A_30] : memref<16x192x96x96xf32, #tpu.memory_space<hbm>> -> memref<1x1x96x96xf32, #tpu.memory_space<hbm>>
    %dma_wait3A_32 = tpu.memref_squeeze %dma_wait3A_31 : memref<1x1x96x96xf32, #tpu.memory_space<hbm>> -> memref<96x96xf32, #tpu.memory_space<hbm>>
    %dma_wait3A_33 = arith.constant 0 : i32
    %dma_wait3A_34 = arith.constant 0 : i32
    %dma_wait3A_35 = tpu.memref_slice %arg6[%div3A_1, %sub3A_29, %dma_wait3A_33, %dma_wait3A_34] : memref<16x192x96x96xf32, #tpu.memory_space<hbm>> -> memref<1x1x96x96xf32, #tpu.memory_space<hbm>>
    %dma_wait3A_36 = tpu.memref_squeeze %dma_wait3A_35 : memref<1x1x96x96xf32, #tpu.memory_space<hbm>> -> memref<96x96xf32, #tpu.memory_space<hbm>>
    tpu.wait_dma2 semaphore(%arg16 : memref<!tpu.dma_semaphore, #tpu.memory_space<semaphore_mem>>) src(%arg12 : memref<96x96xf32, #tpu.memory_space<vmem>>) dst(%dma_wait3A_36 : memref<96x96xf32, #tpu.memory_space<hbm>>)
    %add3A_37 = arith.constant 1 : i32
    %add3A_38 = arith.addi %sub3A_29, %add3A_37 : i32
    %dma_wait3A_39 = arith.constant 0 : i32
    %dma_wait3A_40 = arith.constant 0 : i32
    %dma_wait3A_41 = tpu.memref_slice %arg6[%div3A_1, %add3A_38, %dma_wait3A_39, %dma_wait3A_40] : memref<16x192x96x96xf32, #tpu.memory_space<hbm>> -> memref<1x1x96x96xf32, #tpu.memory_space<hbm>>
    %dma_wait3A_42 = tpu.memref_squeeze %dma_wait3A_41 : memref<1x1x96x96xf32, #tpu.memory_space<hbm>> -> memref<96x96xf32, #tpu.memory_space<hbm>>
    %dma_wait3A_43 = arith.constant 0 : i32
    %dma_wait3A_44 = arith.constant 0 : i32
    %dma_wait3A_45 = tpu.memref_slice %arg6[%div3A_1, %add3A_38, %dma_wait3A_43, %dma_wait3A_44] : memref<16x192x96x96xf32, #tpu.memory_space<hbm>> -> memref<1x1x96x96xf32, #tpu.memory_space<hbm>>
    %dma_wait3A_46 = tpu.memref_squeeze %dma_wait3A_45 : memref<1x1x96x96xf32, #tpu.memory_space<hbm>> -> memref<96x96xf32, #tpu.memory_space<hbm>>
    tpu.wait_dma2 semaphore(%arg17 : memref<!tpu.dma_semaphore, #tpu.memory_space<semaphore_mem>>) src(%arg13 : memref<96x96xf32, #tpu.memory_space<vmem>>) dst(%dma_wait3A_46 : memref<96x96xf32, #tpu.memory_space<hbm>>)
    return
  }
}

</mosaic_0001>

<sc_bundles>
// kernel: kernel.3.cloned.1.call-start
scs
__scs_entry_jumppad:
0x0: {  	(pc) =	sbr.rel $0x88, $3  }
0x1: {  	(tag) =	ssettag $0x0;
	lr =	simm.s32 $0x1  }
0x2: {  	[smem:$0x3F9F] =	sst lr;
	_ =	strace $0xD0000000  }
0x3: {  	_ = 	snop  }
0x4: {  	_ = 	snop  }
0x5: {  	_ = 	snop  }
0x6: {  	_ = 	snop  }
0x7: {  	_ = 	snop  }
__scs_overlays_trampoline_lowered:
0x8: {  	[smem:$0x3FAE] =	sst s0  }
0x9: {  	[smem:$0x3FAF] =	sst s1  }
0xa: {  	[smem:$0x3FB0] =	sst s2  }
0xb: {  	[smem:$0x3FB1] =	sst s3  }
0xc: {  	[smem:$0x3FB2] =	sst s4  }
0xd: {  	[smem:$0x3FB3] =	sst s5  }
0xe: {  	[smem:$0x3FB4] =	sst s6  }
0xf: {  	[smem:$0x3FB5] =	sst s7  }
0x10: {  	[smem:$0x3FB6] =	sst s8  }
0x11: {  	[smem:$0x3FB7] =	sst s9;
	s0 =	simm.s32 @!p0 $0x0  }
0x12: {  	s1 =	sld [smem:$0x3F9D];
	s0 =	simm.s32 @p0 $0x1  }
0x13: {  	[smem:$0x3FB8] =	sst s0;
	s0 =	simm.s32 @!p1 $0x0  }
0x14: {  	s2 =	sld [smem:$0x3F9C];
	s0 =	simm.s32 @p1 $0x1  }
0x15: {  	[smem:$0x3FB9] =	sst s0;
	s0 =	simm.s32 @!p2 $0x0  }
0x16: {  	s3 =	sld [smem:$0x3FDB];
	s0 =	simm.s32 @p2 $0x1  }
0x17: {  	s4 =	simm.s32 $0x1BF5;
	[smem:$0x3FBB] =	sst s0  }
0x18: {  	s0 =	sld [smem:$0x3F9E];
	_ =	swait.ge [sflag:s4], $0x0  }
0x19: {  	s7 =	sld [smem:$0x3F9F]  }
0x1a: {  	s8 =	sadd.s32 $0xFFFFE003, lr  }
0x1b: {  	s9 =	sadd.s32 $0xFFFFFEF7, lr;
	s5 =	simm.s32 $0xFFFFFFFF;
	p2 =	slt.u32 s8, $0xFFFFF086  }
0x1c: {  	p1 =	slt.u32 s9, $0xF7A;
	s5 =	simm.s32 @!p2 $0x0  }
0x1d: {  	s5 =	simm.s32 @p1 $0x1;
	p0 =	seq.s32 s7, s2  }
0x1e: {  	s7 =	smul.u32 @!p0 $0xF7A, s2;
	p2 =	seq.s32 @!p0 s5, $0x0  }
0x1f: {  	s9 =	smul.u32 $0xF7A, s1;
	s8 =	simm.s32 @!p0 $0x1BF5;
	p2 =	por !p2, p0  }
0x20: {  	[sflag:s8] =	ssyncset.s32 @!p0 $0xFFFFF086;
	s6 =	sadd.s32 @!p0 s3, s7;
	s7 =	simm.s32 @!p0 $0x108  }
0x21: {  	s3 =	sadd.s32 s3, s9;
	s6 =	sadd.s32 @!p0 $0x88, s6;
	s7 =	simm.s32 @p2 $0x1082  }
0x22: {  	[simem:s7], [sflag:s8] =	dma.local @!p0 [hbm:s6], $0xF7A  }
0x23: {  	s9 =	sor.u32 $0xD0000000, s2;
	s6 =	simm.s32 $0x108;
	_ =	swait.ge @!p0 [sflag:s8], $0x0  }
0x24: {  	s3 =	sadd.s32 $0x88, s3;
	s6 =	simm.s32 @!p1 $0x1082;
	[sflag:s4] =	ssyncset.s32 $0xFFFFF086  }
0x25: {  	[simem:s6], [sflag:s4] =	dma.local [hbm:s3], $0xF7A  }
0x26: {  	[smem:$0x3F9F] =	sst s1;
	(tag) =	ssettag s2;
	_ =	strace s9  }
0x27: {  	s1 =	sld [smem:$0x3FAF]  }
0x28: {  	s2 =	sld [smem:$0x3FB0]  }
0x29: {  	s4 =	sld [smem:$0x3FB2]  }
0x2a: {  	p0 =	seq.s32 s5, $0x0;
	s5 =	sld [smem:$0x3FB3]  }
0x2b: {  	s6 =	sld [smem:$0x3FB4]  }
0x2c: {  	s7 =	sld [smem:$0x3FB5]  }
0x2d: {  	s3 =	simm.s32 $0x108;
	s8 =	sld [smem:$0x3FB6]  }
0x2e: {  	s3 =	simm.s32 @!p0 $0x1082;
	s9 =	sld [smem:$0x3FB7]  }
0x2f: {  	lr =	sadd.s32 s0, s3;
	s0 =	sld [smem:$0x3FAE]  }
0x30: {  	s3 =	sld [smem:$0x3FB1]  }
0x31: {  	[smem:$0x3FBA] =	sst s10  }
0x32: {  	s10 =	sld [smem:$0x3FB8];
	_ =	sdelay $0x3  }
0x33: {  	p0 =	seq.s32 s10, $0x1;
	s10 =	sld [smem:$0x3FBA];
	_ =	sdelay $0x3  }
0x34: {  	[smem:$0x3FBA] =	sst s10  }
0x35: {  	s10 =	sld [smem:$0x3FB9];
	_ =	sdelay $0x3  }
0x36: {  	p1 =	seq.s32 s10, $0x1;
	s10 =	sld [smem:$0x3FBA];
	_ =	sdelay $0x3  }
0x37: {  	[smem:$0x3FBA] =	sst s10  }
0x38: {  	s10 =	sld [smem:$0x3FBB]  }
0x39: {  	_ = 	snop;
	(pc) =	sbr.ind lr, $3  }
0x3a: {  	_ = 	snop  }
0x3b: {  	_ = 	snop  }
0x3c: {  	p2 =	seq.s32 s10, $0x1;
	s10 =	sld [smem:$0x3FBA]  }
0x3d: {  	_ =	shalt  }
0x3e: {  	_ =	shalt  }
0x3f: {  	_ =	shalt  }
0x40: {  	_ =	shalt  }
0x41: {  	_ =	shalt  }
0x42: {  	_ =	shalt  }
0x43: {  	_ =	shalt  }
0x44: {  	_ =	shalt  }
0x45: {  	_ =	shalt  }
0x46: {  	_ =	shalt  }
0x47: {  	_ =	shalt  }
0x48: {  	_ =	shalt  }
0x49: {  	_ =	shalt  }
0x4a: {  	_ =	shalt  }
0x4b: {  	_ =	shalt  }
0x4c: {  	_ =	shalt  }
0x4d: {  	_ =	shalt  }
0x4e: {  	_ =	shalt  }
0x4f: {  	_ =	shalt  }
0x50: {  	_ =	shalt  }
0x51: {  	_ =	shalt  }
0x52: {  	_ =	shalt  }
0x53: {  	_ =	shalt  }
0x54: {  	_ =	shalt  }
0x55: {  	_ =	shalt  }
0x56: {  	_ =	shalt  }
0x57: {  	_ =	shalt  }
0x58: {  	_ =	shalt  }
0x59: {  	_ =	shalt  }
0x5a: {  	_ =	shalt  }
0x5b: {  	_ =	shalt  }
0x5c: {  	_ =	shalt  }
0x5d: {  	_ =	shalt  }
0x5e: {  	_ =	shalt  }
0x5f: {  	_ =	shalt  }
0x60: {  	_ =	shalt  }
0x61: {  	_ =	shalt  }
0x62: {  	_ =	shalt  }
0x63: {  	_ =	shalt  }
0x64: {  	_ =	shalt  }
0x65: {  	_ =	shalt  }
0x66: {  	_ =	shalt  }
0x67: {  	_ =	shalt  }
0x68: {  	_ =	shalt  }
0x69: {  	_ =	shalt  }
0x6a: {  	_ =	shalt  }
0x6b: {  	_ =	shalt  }
0x6c: {  	_ =	shalt  }
0x6d: {  	_ =	shalt  }
0x6e: {  	_ =	shalt  }
0x6f: {  	_ =	shalt  }
0x70: {  	_ =	shalt  }
0x71: {  	_ =	shalt  }
0x72: {  	_ =	shalt  }
0x73: {  	_ =	shalt  }
0x74: {  	_ =	shalt  }
0x75: {  	_ =	shalt  }
0x76: {  	_ =	shalt  }
0x77: {  	_ =	shalt  }
0x78: {  	_ =	shalt  }
0x79: {  	_ =	shalt  }
0x7a: {  	_ =	shalt  }
0x7b: {  	_ =	shalt  }
0x7c: {  	_ =	shalt  }
0x7d: {  	_ =	shalt  }
0x7e: {  	_ =	shalt  }
0x7f: {  	_ =	shalt  }
0x80: {  	_ =	shalt  }
0x81: {  	_ =	shalt  }
0x82: {  	_ =	shalt  }
0x83: {  	_ =	shalt  }
0x84: {  	_ =	shalt  }
0x85: {  	_ =	shalt  }
0x86: {  	_ =	shalt  }
0x87: {  	_ =	shalt  }
.Lfunc_end0:
.L_simem_size_0:
called_computation_lowered:
.L_overlay_start_0:
0x88: {  	s2 =	sld [smem:$0x3FD9]  }
0x89: {  	s3 =	sld [smem:$0x3FFE];
	_ =	sdelay $0x1  }
0x8a: {  	s1 =	srdreg.scid  }
0x8b: {  	s0 =	sand.u32 $0x1, s1  }
0x8c: {  	s17 =	sshll.u32 s0, $0xA;
	s2 =	sadd.s32 s3, s2  }
0x8d: {  	s2 =	sadd.s32 s2, s17  }
0x8e: {  	[smem:$0x3FC6] =	sst s2  }
0x8f: {  	_ = 	snop  }
0x90: {  	s2 =	sld [smem:$0x3FC9]  }
0x91: {  	s18 =	sld [smem:$0x3FD0];
	(tm) =	ssettm $0x1  }
0x92: {  	s4 =	sld [smem:$0x3FFB];
	_ =	sdelay $0x3  }
0x93: {  	_ =	strace s4  }
0x94: {  	s4 =	sld [smem:$0x3FFC];
	_ =	sdelay $0x3  }
0x95: {  	_ =	strace s4  }
0x96: {  	s4 =	sld [smem:$0x3FFD];
	_ =	sdelay $0x3  }
0x97: {  	_ =	strace s4  }
0x98: {  	_ =	strace $0x8FFFFFFF  }
0x99: {  	s19 =	sld [smem:$0x3FDB];
	_ =	sdelay $0x1  }
0x9a: {  	s5 =	simm.s32 $_scs_section_size  }
0x9b: {  	s6 =	simm.s32 $_size__tile_overlayer_lowered;
	s7 =	simm.s32 $_tile_overlayer_lowered  }
0x9c: {  	s22 =	simm.s32 $0x1BFF;
	s21 =	sshll.u32 s7, $0x1;
	s4 =	sadd.s32 s5, s19  }
0x9d: {  	s8 =	simm.s32 $0x0;
	s20 =	sshll.u32 s6, $0x1;
	s6 =	sadd.s32 s21, s4  }
0x9e: {  	[timem:s8], [sflag:s22] =	dma.local [hbm:s6], s20  }
0x9f: {  	_ =	swait.ge [sflag:s22], s20  }
0xa0: {  	s5 =	ssub.s32 $0x0, s20;
	[sflag:s22] =	ssyncset.done $0x0  }
0xa1: {  	[sflag:s22] =	ssyncadd.s32 s5;
	_ =	sdelay $0x1  }
0xa2: {  	s23 =	simm.s32 $0x1B8B  }
0xa3: {  	_ =	swait.ge [sflag:s23], $0x1  }
0xa4: {  	[sflag:s23] =	ssyncset.done $0x0  }
0xa5: {  	s25 =	simm.s32 $0x1B8E;
	s24 =	sld [smem:$0x3FFE];
	[sflag:s23] =	ssyncadd.s32 $0xFFFFFFFF  }
0xa6: {  	s26 =	simm.s32 $execute0_lowered;
	[smem:$0x3FD2] =	sst s25  }
0xa7: {  	s6 =	sshll.u32 s26, $0x1;
	_ =	strace $0x80000046;
	[dreg:$0x1] =	wrdreg $0xFFFFFFFF  }
0xa8: {  	s28 =	simm.s32 $_size_execute0_lowered;
	s4 =	sadd.s32 s4, s6;
	[dreg:$0x0] =	wrdreg $0x0  }
0xa9: {  	s6 =	sshll.u32 s28, $0x1;
	[dreg:$0x2] =	wrdreg s4  }
0xaa: {  	[dreg:$0x3] =	wrdreg s6  }
0xab: {  	[dreg:$0x4] =	wrdreg $0xC0  }
0xac: {  	_ =	task [dreg:s8], $0x5FFFF  }
0xad: {  	[dreg:$0x1] =	wrdreg $0xFFFFFFFF  }
0xae: {  	[dreg:$0x0] =	wrdreg $0x60  }
0xaf: {  	[dreg:$0x2] =	wrdreg s2  }
0xb0: {  	[dreg:$0x3] =	wrdreg s24  }
0xb1: {  	[dreg:$0x4] =	wrdreg s18  }
0xb2: {  	[dreg:$0x5] =	wrdreg $0x9  }
0xb3: {  	_ =	task.clear_ibuf [dreg:s8], $0x6FFFF;
	_ =	strace $0x90000046  }
0xb4: {  	s29 =	simm.s32 $0x9;
	_ =	strace $0x80000048  }
0xb5: {  	_ =	swait.ge [sflag:s29], $0x1  }
0xb6: {  	[sflag:s29] =	ssyncadd.s32 $0xFFFFFFFF  }
0xb7: {  	_ =	strace $0x90000048  }
0xb8: {  	_ =	sfence  }
0xb9: {  	s30 =	sld [smem:$0x0];
	_ =	sdelay $0x2  }
0xba: {  	s31 =	sshll.u32 s1, $0xD;
	s1 =	sshrl.u32 s1, $0x2  }
0xbb: {  	s3 =	sand.u32 $0x4000, s31;
	s1 =	sadd.s32 s1, s30  }
0xbc: {  	s0 =	sor.u32 s3, s0;
	s1 =	sshll.u32 s1, $0x11  }
0xbd: {  	s0 =	sor.u32 s1, s0  }
0xbe: {  	s0 =	sadd.s32 $0x8F2B, s0  }
0xbf: {  	[sflag:s0] =	ssyncadd.remote.s32 $0x1  }
0xc0: {  	_ =	sfence.sel $0xFFFF  }
0xc1: {  	[dreg:$0x0] =	wrdreg $0xFFFFFFFF;
	(pc) =	sbr.abs _section_cstart, $3  }
0xc2: {  	[dreg:$0x1] =	wrdreg $0xFFFFFFFF  }
0xc3: {  	_ =	task.clear_ibuf [dreg:s8], $0x2FFFF;
	_ =	strace $0x9FFFFFFF  }
0xc4: {  	(tm) =	ssettm $0x7FFFFFFF  }
0xc5: {  	_ =	shalt  }
tec
execute0_lowered:
.L_overlay_start_1:
0x0: {  	(tag) =	ssettag $0x1  }
0x1: {  	s1 =	rddreg [dreg:$0x0]  }
0x2: {  	s0 =	rddreg [dreg:$0x1]  }
0x3: {  	s3 =	rddreg [dreg:$0x2]  }
0x4: {  	s2 =	srdreg.scid;
	s5 =	stileid.u32;
	s4 =	simm.s32 $0x0  }
0x5: {  	s15 =	simm.s32 $0x5;
	s16 =	simm.s32 $0x2F80;
	s17 =	simm.s32 $0x5F00  }
0x6: {  	s19 =	simm.s32 $0xBE80;
	s20 =	simm.s32 $0x1;
	s21 =	simm.s32 $0xEE80  }
0x7: {  	s22 =	simm.s32 $0x2;
	s23 =	simm.s32 $0x11E80;
	s24 =	simm.s32 $0x3  }
0x8: {  	s2 =	sand.u32 $0x1, s2;
	[smem:$0x7FF] =	sst s4;
	s7 =	sadd.s32 $0x1200, s0  }
0x9: {  	s25 =	sadd.s32 $0xC00, s0;
	_ =	strace $0x80000047;
	[dreg:$0x4] =	wrdreg s7  }
0xa: {  	s5 =	smul.u32 $0x240000, s5;
	s0 =	sadd.s32 $0x600, s0;
	[dreg:$0x5] =	wrdreg s25  }
0xb: {  	s6 =	smul.u32 $0x120000, s2;
	s26 =	ssub.s32 $0x2, s2;
	[dreg:$0x6] =	wrdreg s0  }
0xc: {  	s9 =	smul.u32 $0x60, s2;
	s25 =	simm.s32 $0x4;
	s28 =	sshrl.u32 s26, $0x1  }
.Ltmp0:
0xd: {  	s6 =	sadd.s32 s6, s5;
	s0 =	ssub.s32 s26, s28;
	(pc) =	sbr.rel .LBB2_1-.Ltmp0, $4  }
0xe: {  	s8 =	sor.u32 $0x3000, s6;
	s6 =	sshrl.u32 s6, $0x3;
	s0 =	smax.u32 s0, $0x1  }
0xf: {  	s29 =	sshrl.u32 s8, $0x3;
	s30 =	sadd.s32 s1, s6;
	[dreg:$0x9] =	wrdreg s0  }
0x10: {  	s12 =	sor.u32 $0x6000, s5;
	[dreg:$0x7] =	wrdreg s30;
	s31 =	sadd.s32 s1, s29  }
0x11: {  	s13 =	sor.u32 $0x9000, s5;
	s26 =	simm.s32 $0x0;
	[dreg:$0x8] =	wrdreg s31  }
.LBB2_8:
0x12: {  	_ =	swait.ge [sflag:s24], $0x3000  }
0x13: {  	[sflag:s24] =	ssyncset.done $0x0  }
0x14: {  	[sflag:s24] =	ssyncadd.s32 $0xFFFFD000  }
0x15: {  	_ =	swait.ge [sflag:s25], $0x3000  }
0x16: {  	s26 =	sadd.s32 $0x1, s26;
	s0 =	rddreg [dreg:$0x9]  }
0x17: {  	p0 =	sne.s32 s26, s0  }
.Ltmp1:
0x18: {  	_ = 	snop;
	(pc) =	sbr.rel @!p0 .LBB2_9-.Ltmp1, $3  }
0x19: {  	_ =	sdelay $0x1  }
0x1a: {  	[sflag:s25] =	ssyncset.done $0x0  }
0x1b: {  	[sflag:s25] =	ssyncadd.s32 $0xFFFFD000  }
.LBB2_1:
0x1c: {  	s0 =	rddreg [dreg:$0x4]  }
0x1d: {  	[tilespmem:s4], [sflag:$0x5] =	stream.linear.gather [hbm4b:s0+s4], $0x2F80, $0x38;
	[tilespmem:$0x14E80] =	vst v63  }
0x1e: {  	_ =	swait.ge [sflag:s15], $0x2F80  }
0x1f: {  	[sflag:s15] =	ssyncset.done $0x0  }
0x20: {  	s18 =	rddreg [dreg:$0x5];
	[sflag:s15] =	ssyncadd.s32 $0xFFFFD080  }
0x21: {  	[tilespmem:s16], [sflag:$0x5] =	stream.linear.gather [hbm4b:s18+s4], $0x2F80, $0x38;
	[tilespmem:$0x14E80] =	vst v63  }
0x22: {  	_ =	swait.ge [sflag:s15], $0x2F80  }
0x23: {  	[sflag:s15] =	ssyncset.done $0x0  }
0x24: {  	s29 =	rddreg [dreg:$0x6];
	[sflag:s15] =	ssyncadd.s32 $0xFFFFD080  }
0x25: {  	[tilespmem:s17], [sflag:$0x5] =	stream.linear.gather [hbm4b:s29+s4], $0x2F80, $0x38;
	[tilespmem:$0x14E80] =	vst v63  }
0x26: {  	_ =	swait.ge [sflag:s15], $0x2F80  }
0x27: {  	[sflag:s15] =	ssyncset.done $0x0  }
0x28: {  	s2 =	simm.s32 $0x8E80;
	s30 =	rddreg [dreg:$0x7];
	[sflag:s15] =	ssyncadd.s32 $0xFFFFD080  }
0x29: {  	[tilespmem:s2], [sflag:$0x1] =	stream.linear.gather [hbm4b:s30+s4], $0x3000, $0x38;
	[tilespmem:$0x14E80] =	vst v63  }
0x2a: {  	s28 =	simm.s32 $0x0;
	s31 =	rddreg [dreg:$0x8]  }
0x2b: {  	[tilespmem:s19], [sflag:$0x2] =	stream.linear.gather [hbm4b:s31+s4], $0x3000, $0x38;
	[tilespmem:$0x14E80] =	vst v63  }
.LBB2_2:
0x2c: {  	_ =	swait.ge [sflag:s20], $0x3000  }
0x2d: {  	p0 =	seq.s32 s28, $0x0;
	[sflag:s20] =	ssyncset.done $0x0  }
0x2e: {  	s0 =	simm.s32 @!p0 $0x3;
	[sflag:s20] =	ssyncadd.s32 $0xFFFFD000  }
0x2f: {  	_ =	swait.ge @!p0 [sflag:s0], $0x3000  }
0x30: {  	[sflag:s0] =	ssyncset.done @!p0 $0x0  }
0x31: {  	s2 =	simm.s32 $0x8F80;
	[sflag:s0] =	ssyncadd.s32 @!p0 $0xFFFFD000  }
0x32: {  	v0 =	vld [tilespmem:s2+$0x80];
	_ =	sdelay $0x4  }
0x33: {  	v1 =	vmul.f32 $7.750015740e+00, v0;
	_ =	sdelay $0x1  }
0x34: {  	v0 =	vadd.f32 $6.400000000e+01, v1;
	_ =	sdelay $0x1  }
0x35: {  	s18 =	sshll.u32 s28, $0x1;
	v0 =	vtrunc.f32 v0  }
0x36: {  	s30 =	sadd.s32 s9, s18;
	v0 =	vcvt.f32.s32 v0  }
0x37: {  	s0 =	smul.u32 $0x3F, s30  }
0x38: {  	vm0 =	vgt.s32 v0, $0x21  }
0x39: {  	s0 =	sadd.s32 $0xFFFFFFDF, s0;
	v2 =	vnsel vm0, $0x21, v0  }
0x3a: {  	v0 =	vmov s0;
	v2 =	vmin.u32 v2, $0x5D  }
0x3b: {  	v2 =	vadd.s32 v0, v2;
	_ =	sdelay $0x2  }
0x3c: {  	v3 =	vld [tilespmem:s2+$0xFFFFFF80]  }
0x3d: {  	v4 =	vld [tilespmem:s2+$0xFFFFFF00]  }
0x3e: {  	v5 =	vld.idx.msk [tilespmem:v2+s17+$0x0], $0xffff  }
0x3f: {  	v6 =	vld [tilespmem:s2+$0x0]  }
0x40: {  	v7 =	vld.idx.msk [tilespmem:v2+s16+$0x0], $0xffff;
	_ =	sdelay $0x1  }
0x41: {  	v3 =	vmul.f32 $7.750015740e+00, v3;
	v4 =	vmul.f32 $7.750015740e+00, v4  }
0x42: {  	v5 =	vmul.f32 v5, v1  }
0x43: {  	v8 =	vadd.f32 $6.400000000e+01, v3;
	v9 =	vadd.f32 $6.400000000e+01, v4;
	v2 =	vld.idx.msk [tilespmem:v2+s4+$0x0], $0xffff  }
0x44: {  	v6 =	vmul.f32 $7.750015740e+00, v6;
	v5 =	vadd.f32 v5, v7  }
0x45: {  	v7 =	vtrunc.f32 v8;
	v8 =	vtrunc.f32 v9  }
0x46: {  	v8 =	vcvt.f32.s32 v8;
	v1 =	vmul.f32 v5, v1  }
0x47: {  	v5 =	vcvt.f32.s32 v7  }
0x48: {  	v7 =	vadd.f32 $6.400000000e+01, v6;
	vm6 =	vgt.s32 v8, $0x21;
	v1 =	vadd.f32 v1, v2  }
0x49: {  	s29 =	simm.s32 $0xEF80;
	v2 =	vnsel vm6, $0x21, v8  }
0x4a: {  	vm1 =	vgt.s32 v5, $0x21;
	v7 =	vtrunc.f32 v7;
	v2 =	vmin.u32 v2, $0x5D;
	[tilespmem:s29+$0x80] =	vst v1  }
0x4b: {  	v5 =	vnsel vm1, $0x21, v5;
	v1 =	vcvt.f32.s32 v7;
	v2 =	vadd.s32 v0, v2;
	v7 =	vld [tilespmem:s2+$0x90]  }
0x4c: {  	v5 =	vmin.u32 v5, $0x5D  }
0x4d: {  	v5 =	vadd.s32 v0, v5;
	vm7 =	vgt.s32 v1, $0x21  }
0x4e: {  	v1 =	vnsel vm7, $0x21, v1  }
0x4f: {  	v1 =	vmin.u32 v1, $0x5D  }
0x50: {  	v1 =	vadd.s32 v0, v1;
	v8 =	vld.idx.msk [tilespmem:v2+s17+$0x0], $0xffff;
	v7 =	vmul.f32 $7.750015740e+00, v7  }
0x51: {  	v10 =	vld.idx.msk [tilespmem:v2+s16+$0x0], $0xffff  }
0x52: {  	v9 =	vld.idx.msk [tilespmem:v5+s17+$0x0], $0xffff;
	v11 =	vadd.f32 $6.400000000e+01, v7;
	_ =	sdelay $0x1  }
0x53: {  	v12 =	vld.idx.msk [tilespmem:v5+s16+$0x0], $0xffff;
	v11 =	vtrunc.f32 v11  }
0x54: {  	v13 =	vld.idx.msk [tilespmem:v1+s17+$0x0], $0xffff;
	v8 =	vmul.f32 v8, v4;
	v11 =	vcvt.f32.s32 v11  }
0x55: {  	v2 =	vld.idx.msk [tilespmem:v2+s4+$0x0], $0xffff  }
0x56: {  	v14 =	vld.idx.msk [tilespmem:v1+s16+$0x0], $0xffff;
	v9 =	vmul.f32 v9, v3;
	v8 =	vadd.f32 v8, v10;
	vm8 =	vgt.s32 v11, $0x21  }
0x57: {  	v5 =	vld.idx.msk [tilespmem:v5+s4+$0x0], $0xffff;
	v10 =	vnsel vm8, $0x21, v11  }
0x58: {  	v9 =	vadd.f32 v9, v12;
	v4 =	vmul.f32 v8, v4;
	v8 =	vmin.u32 v10, $0x5D  }
0x59: {  	v10 =	vmul.f32 v13, v6;
	v8 =	vadd.s32 v0, v8  }
0x5a: {  	v1 =	vld.idx.msk [tilespmem:v1+s4+$0x0], $0xffff;
	v3 =	vmul.f32 v9, v3;
	v2 =	vadd.f32 v4, v2  }
0x5b: {  	v4 =	vadd.f32 v10, v14  }
0x5c: {  	v3 =	vadd.f32 v3, v5;
	[tilespmem:s29+$0xFFFFFF00] =	vst v2  }
0x5d: {  	v2 =	vmul.f32 v4, v6;
	v4 =	vld [tilespmem:s2+$0xFFFFFF10]  }
0x5e: {  	[tilespmem:s29+$0xFFFFFF80] =	vst v3;
	v3 =	vld.idx.msk [tilespmem:v8+s17+$0x0], $0xffff  }
0x5f: {  	v1 =	vadd.f32 v2, v1;
	v2 =	vld [tilespmem:s2+$0xFFFFFF90]  }
0x60: {  	v5 =	vld.idx.msk [tilespmem:v8+s16+$0x0], $0xffff  }
0x61: {  	[tilespmem:s29+$0x0] =	vst v1  }
0x62: {  	v1 =	vld [tilespmem:s2+$0x10]  }
0x63: {  	v3 =	vmul.f32 v3, v7  }
0x64: {  	v6 =	vld.idx.msk [tilespmem:v8+s4+$0x0], $0xffff;
	v4 =	vmul.f32 $7.750015740e+00, v4;
	v2 =	vmul.f32 $7.750015740e+00, v2  }
0x65: {  	v3 =	vadd.f32 v3, v5  }
0x66: {  	v5 =	vadd.f32 $6.400000000e+01, v4;
	v8 =	vadd.f32 $6.400000000e+01, v2  }
0x67: {  	v1 =	vmul.f32 $7.750015740e+00, v1;
	v3 =	vmul.f32 v3, v7  }
0x68: {  	v5 =	vtrunc.f32 v5;
	v7 =	vtrunc.f32 v8  }
0x69: {  	v8 =	vadd.f32 $6.400000000e+01, v1;
	v5 =	vcvt.f32.s32 v5;
	v3 =	vadd.f32 v3, v6;
	_ =	sdelay $0x1  }
0x6a: {  	v6 =	vcvt.f32.s32 v7;
	v7 =	vtrunc.f32 v8;
	vm9 =	vgt.s32 v5, $0x21;
	[tilespmem:s29+$0x90] =	vst v3  }
0x6b: {  	v3 =	vcvt.f32.s32 v7;
	v5 =	vnsel vm9, $0x21, v5;
	v7 =	vld [tilespmem:s2+$0xA0]  }
0x6c: {  	v5 =	vmin.u32 v5, $0x5D  }
0x6d: {  	vm10 =	vgt.s32 v6, $0x21;
	v5 =	vadd.s32 v0, v5  }
0x6e: {  	v6 =	vnsel vm10, $0x21, v6;
	vm11 =	vgt.s32 v3, $0x21  }
0x6f: {  	v6 =	vmin.u32 v6, $0x5D;
	v3 =	vnsel vm11, $0x21, v3  }
0x70: {  	v6 =	vadd.s32 v0, v6;
	v3 =	vmin.u32 v3, $0x5D;
	v7 =	vmul.f32 $7.750015740e+00, v7  }
0x71: {  	v3 =	vadd.s32 v0, v3  }
0x72: {  	v8 =	vld.idx.msk [tilespmem:v5+s17+$0x0], $0xffff;
	v9 =	vadd.f32 $6.400000000e+01, v7  }
0x73: {  	v11 =	vld.idx.msk [tilespmem:v5+s16+$0x0], $0xffff  }
0x74: {  	v5 =	vld.idx.msk [tilespmem:v5+s4+$0x0], $0xffff;
	v9 =	vtrunc.f32 v9  }
0x75: {  	v10 =	vld.idx.msk [tilespmem:v6+s17+$0x0], $0xffff;
	v9 =	vcvt.f32.s32 v9  }
0x76: {  	v12 =	vld.idx.msk [tilespmem:v3+s17+$0x0], $0xffff  }
0x77: {  	v13 =	vld.idx.msk [tilespmem:v6+s16+$0x0], $0xffff;
	v8 =	vmul.f32 v8, v4;
	vm12 =	vgt.s32 v9, $0x21  }
0x78: {  	v14 =	vld.idx.msk [tilespmem:v3+s16+$0x0], $0xffff;
	v9 =	vnsel vm12, $0x21, v9  }
0x79: {  	v8 =	vadd.f32 v8, v11;
	v9 =	vmin.u32 v9, $0x5D  }
0x7a: {  	v10 =	vmul.f32 v10, v2;
	v9 =	vadd.s32 v0, v9  }
0x7b: {  	v6 =	vld.idx.msk [tilespmem:v6+s4+$0x0], $0xffff;
	v11 =	vmul.f32 v12, v1;
	v4 =	vmul.f32 v8, v4  }
0x7c: {  	v3 =	vld.idx.msk [tilespmem:v3+s4+$0x0], $0xffff;
	v8 =	vadd.f32 v10, v13  }
0x7d: {  	v10 =	vadd.f32 v11, v14;
	v4 =	vadd.f32 v4, v5  }
0x7e: {  	v2 =	vmul.f32 v8, v2  }
0x7f: {  	v1 =	vmul.f32 v10, v1;
	[tilespmem:s29+$0xFFFFFF10] =	vst v4;
	v4 =	vld.idx.msk [tilespmem:v9+s17+$0x0], $0xffff  }
0x80: {  	v2 =	vadd.f32 v2, v6  }
0x81: {  	s8 =	simm.s32 $0x9180;
	v1 =	vadd.f32 v1, v3;
	v3 =	vld.idx.msk [tilespmem:v9+s16+$0x0], $0xffff  }
0x82: {  	[tilespmem:s29+$0xFFFFFF90] =	vst v2;
	v2 =	vld [tilespmem:s8+$0x80]  }
0x83: {  	v6 =	vld [tilespmem:s2+$0xFFFFFFA0];
	[tilespmem:s29+$0x10] =	vst v1  }
0x84: {  	v8 =	vld [tilespmem:s2+$0x20];
	v4 =	vmul.f32 v4, v7  }
0x85: {  	v9 =	vld.idx.msk [tilespmem:v9+s4+$0x0], $0xffff  }
0x86: {  	v3 =	vadd.f32 v4, v3  }
0x87: {  	v4 =	vmul.f32 $7.750015740e+00, v2  }
0x88: {  	v2 =	vmul.f32 $7.750015740e+00, v6;
	v6 =	vmul.f32 v3, v7  }
0x89: {  	v12 =	vld [tilespmem:s8+$0xFFFFFF00];
	v3 =	vmul.f32 $7.750015740e+00, v8;
	v7 =	vadd.f32 $6.400000000e+01, v4  }
0x8a: {  	v11 =	vld [tilespmem:s8+$0x0];
	v6 =	vadd.f32 v6, v9  }
0x8b: {  	v9 =	vadd.f32 $6.400000000e+01, v3;
	v7 =	vtrunc.f32 v7  }
0x8c: {  	v10 =	vld [tilespmem:s8+$0xFFFFFF80];
	[tilespmem:s29+$0xA0] =	vst v6;
	v6 =	vcvt.f32.s32 v7  }
0x8d: {  	v7 =	vtrunc.f32 v9;
	v9 =	vld [tilespmem:s2+$0xB0]  }
0x8e: {  	v12 =	vmul.f32 $7.750015740e+00, v12;
	vm14 =	vgt.s32 v6, $0x21  }
0x8f: {  	v11 =	vmul.f32 $7.750015740e+00, v11;
	v6 =	vnsel vm14, $0x21, v6  }
0x90: {  	v5 =	vld [tilespmem:s2+$0xFFFFFF20];
	v15 =	vadd.f32 $6.400000000e+01, v12;
	v6 =	vmin.u32 v6, $0x5D  }
0x91: {  	v10 =	vmul.f32 $7.750015740e+00, v10;
	v14 =	vadd.f32 $6.400000000e+01, v11;
	v6 =	vadd.s32 v0, v6  }
0x92: {  	v15 =	vtrunc.f32 v15;
	v9 =	vmul.f32 $7.750015740e+00, v9  }
0x93: {  	v15 =	vcvt.f32.s32 v15;
	v13 =	vadd.f32 $6.400000000e+01, v10;
	v14 =	vtrunc.f32 v14  }
0x94: {  	v14 =	vcvt.f32.s32 v14;
	v16 =	vadd.f32 $6.400000000e+01, v9  }
0x95: {  	v1 =	vmul.f32 $7.750015740e+00, v5;
	vm5 =	vgt.s32 v15, $0x21;
	v13 =	vtrunc.f32 v13  }
0x96: {  	v15 =	vnsel vm5, $0x21, v15;
	vm8 =	vgt.s32 v14, $0x21;
	v16 =	vtrunc.f32 v16;
	v17 =	vld.idx.msk [tilespmem:v6+s17+$0x0], $0xffff  }
0x97: {  	v15 =	vmin.u32 v15, $0x5D;
	v14 =	vnsel vm8, $0x21, v14;
	v16 =	vcvt.f32.s32 v16  }
0x98: {  	v13 =	vcvt.f32.s32 v13;
	v15 =	vadd.s32 v0, v15;
	v14 =	vmin.u32 v14, $0x5D;
	v18 =	vld.idx.msk [tilespmem:v6+s16+$0x0], $0xffff  }
0x99: {  	v14 =	vadd.s32 v0, v14;
	vm7 =	vgt.s32 v16, $0x21  }
0x9a: {  	v5 =	vadd.f32 $6.400000000e+01, v1;
	vm6 =	vgt.s32 v13, $0x21;
	v16 =	vnsel vm7, $0x21, v16  }
0x9b: {  	v13 =	vnsel vm6, $0x21, v13;
	v16 =	vmin.u32 v16, $0x5D;
	v17 =	vmul.f32 v17, v4  }
0x9c: {  	v5 =	vtrunc.f32 v5;
	v13 =	vmin.u32 v13, $0x5D;
	v6 =	vld.idx.msk [tilespmem:v6+s4+$0x0], $0xffff;
	v16 =	vadd.s32 v0, v16  }
0x9d: {  	v5 =	vcvt.f32.s32 v5;
	v13 =	vadd.s32 v0, v13;
	v24 =	vld.idx.msk [tilespmem:v15+s16+$0x0], $0xffff;
	v17 =	vadd.f32 v17, v18  }
0x9e: {  	v8 =	vadd.f32 $6.400000000e+01, v2;
	v23 =	vld.idx.msk [tilespmem:v14+s17+$0x0], $0xffff  }
0x9f: {  	vm13 =	vgt.s32 v5, $0x21;
	v26 =	vld.idx.msk [tilespmem:v14+s16+$0x0], $0xffff;
	v4 =	vmul.f32 v17, v4  }
0xa0: {  	v8 =	vtrunc.f32 v8;
	v5 =	vnsel vm13, $0x21, v5;
	v17 =	vld.idx.msk [tilespmem:v15+s17+$0x0], $0xffff  }
0xa1: {  	v7 =	vcvt.f32.s32 v7;
	v5 =	vmin.u32 v5, $0x5D;
	v21 =	vld.idx.msk [tilespmem:v16+s17+$0x0], $0xffff;
	v4 =	vadd.f32 v4, v6  }
0xa2: {  	s0 =	simm.s32 $0xF180;
	v8 =	vcvt.f32.s32 v8;
	v5 =	vadd.s32 v0, v5;
	v6 =	vld.idx.msk [tilespmem:v13+s17+$0x0], $0xffff  }
0xa3: {  	vm4 =	vgt.s32 v7, $0x21;
	v22 =	vld.idx.msk [tilespmem:v16+s16+$0x0], $0xffff;
	[tilespmem:s0+$0x80] =	vst v4  }
0xa4: {  	vm15 =	vgt.s32 v8, $0x21;
	v7 =	vnsel vm4, $0x21, v7;
	v4 =	vld [tilespmem:s8+$0x90]  }
0xa5: {  	v8 =	vnsel vm15, $0x21, v8;
	v7 =	vmin.u32 v7, $0x5D;
	v25 =	vld.idx.msk [tilespmem:v13+s16+$0x0], $0xffff  }
0xa6: {  	v8 =	vmin.u32 v8, $0x5D;
	v14 =	vld.idx.msk [tilespmem:v14+s4+$0x0], $0xffff;
	v7 =	vadd.s32 v0, v7  }
0xa7: {  	v8 =	vadd.s32 v0, v8;
	v19 =	vld.idx.msk [tilespmem:v5+s17+$0x0], $0xffff;
	v21 =	vmul.f32 v21, v9  }
0xa8: {  	v16 =	vld.idx.msk [tilespmem:v16+s4+$0x0], $0xffff;
	v6 =	vmul.f32 v6, v10  }
0xa9: {  	v13 =	vld.idx.msk [tilespmem:v13+s4+$0x0], $0xffff;
	v17 =	vmul.f32 v17, v12;
	v21 =	vadd.f32 v21, v22;
	v4 =	vmul.f32 $7.750015740e+00, v4  }
0xaa: {  	v15 =	vld.idx.msk [tilespmem:v15+s4+$0x0], $0xffff;
	v6 =	vadd.f32 v6, v25  }
0xab: {  	v20 =	vld.idx.msk [tilespmem:v7+s17+$0x0], $0xffff;
	v17 =	vadd.f32 v17, v24;
	v9 =	vmul.f32 v21, v9;
	v21 =	vadd.f32 $6.400000000e+01, v4  }
0xac: {  	v23 =	vmul.f32 v23, v11;
	v18 =	vld.idx.msk [tilespmem:v8+s17+$0x0], $0xffff;
	v6 =	vmul.f32 v6, v10  }
0xad: {  	v22 =	vld.idx.msk [tilespmem:v5+s16+$0x0], $0xffff;
	v12 =	vmul.f32 v17, v12;
	v9 =	vadd.f32 v9, v16;
	v16 =	vtrunc.f32 v21  }
0xae: {  	v17 =	vld.idx.msk [tilespmem:v8+s16+$0x0], $0xffff;
	v10 =	vadd.f32 v23, v26;
	v6 =	vadd.f32 v6, v13;
	v16 =	vcvt.f32.s32 v16  }
0xaf: {  	v5 =	vld.idx.msk [tilespmem:v5+s4+$0x0], $0xffff;
	[tilespmem:s29+$0xB0] =	vst v9;
	v9 =	vadd.f32 v12, v15  }
0xb0: {  	v10 =	vmul.f32 v10, v11;
	[tilespmem:s0+$0xFFFFFF80] =	vst v6;
	v12 =	vld [tilespmem:s2+$0xC0];
	vm9 =	vgt.s32 v16, $0x21  }
0xb1: {  	v21 =	vld.idx.msk [tilespmem:v7+s16+$0x0], $0xffff;
	[tilespmem:s0+$0xFFFFFF00] =	vst v9;
	v9 =	vnsel vm9, $0x21, v16  }
0xb2: {  	v11 =	vmul.f32 v19, v1;
	v6 =	vadd.f32 v10, v14;
	v14 =	vld [tilespmem:s8+$0xFFFFFF90];
	v9 =	vmin.u32 v9, $0x5D  }
0xb3: {  	v10 =	vmul.f32 v18, v2;
	v13 =	vld [tilespmem:s8+$0xFFFFFF10];
	v9 =	vadd.s32 v0, v9  }
0xb4: {  	v8 =	vld.idx.msk [tilespmem:v8+s4+$0x0], $0xffff;
	v11 =	vadd.f32 v11, v22  }
0xb5: {  	v7 =	vld.idx.msk [tilespmem:v7+s4+$0x0], $0xffff;
	v15 =	vmul.f32 v20, v3;
	[tilespmem:s0+$0x0] =	vst v6;
	v6 =	vadd.f32 v10, v17;
	v10 =	vmul.f32 $7.750015740e+00, v12  }
0xb6: {  	v1 =	vmul.f32 v11, v1;
	v12 =	vld [tilespmem:s8+$0x10]  }
0xb7: {  	v15 =	vadd.f32 v15, v21;
	v2 =	vmul.f32 v6, v2;
	v6 =	vadd.f32 $6.400000000e+01, v10  }
0xb8: {  	v11 =	vmul.f32 $7.750015740e+00, v13;
	v13 =	vmul.f32 $7.750015740e+00, v14;
	v14 =	vld.idx.msk [tilespmem:v9+s17+$0x0], $0xffff  }
0xb9: {  	v1 =	vadd.f32 v1, v5;
	v3 =	vmul.f32 v15, v3;
	v5 =	vtrunc.f32 v6  }
0xba: {  	v6 =	vadd.f32 $6.400000000e+01, v11;
	v15 =	vadd.f32 $6.400000000e+01, v13;
	v16 =	vld.idx.msk [tilespmem:v9+s16+$0x0], $0xffff;
	v5 =	vcvt.f32.s32 v5  }
0xbb: {  	v2 =	vadd.f32 v2, v8;
	v3 =	vadd.f32 v3, v7;
	v12 =	vmul.f32 $7.750015740e+00, v12  }
0xbc: {  	v6 =	vtrunc.f32 v6;
	v7 =	vtrunc.f32 v15;
	vm10 =	vgt.s32 v5, $0x21  }
0xbd: {  	v8 =	vadd.f32 $6.400000000e+01, v12;
	v5 =	vnsel vm10, $0x21, v5;
	v14 =	vmul.f32 v14, v4  }
0xbe: {  	v9 =	vld.idx.msk [tilespmem:v9+s4+$0x0], $0xffff;
	v6 =	vcvt.f32.s32 v6;
	v7 =	vcvt.f32.s32 v7;
	v5 =	vmin.u32 v5, $0x5D  }
0xbf: {  	[tilespmem:s29+$0xFFFFFF20] =	vst v1;
	v8 =	vtrunc.f32 v8;
	v1 =	vadd.s32 v0, v5;
	v5 =	vadd.f32 v14, v16  }
0xc0: {  	vm11 =	vgt.s32 v6, $0x21;
	vm12 =	vgt.s32 v7, $0x21;
	v8 =	vcvt.f32.s32 v8;
	v14 =	vld [tilespmem:s2+$0xFFFFFF30]  }
0xc1: {  	[tilespmem:s29+$0xFFFFFFA0] =	vst v2;
	v6 =	vnsel vm11, $0x21, v6;
	v2 =	vnsel vm12, $0x21, v7;
	v4 =	vmul.f32 v5, v4  }
0xc2: {  	[tilespmem:s29+$0x20] =	vst v3;
	v3 =	vld [tilespmem:s2+$0xFFFFFFB0];
	v6 =	vmin.u32 v6, $0x5D;
	v2 =	vmin.u32 v2, $0x5D;
	vm13 =	vgt.s32 v8, $0x21  }
0xc3: {  	v2 =	vadd.s32 v0, v2;
	v5 =	vadd.s32 v0, v6;
	v6 =	vld [tilespmem:s2+$0x30];
	v4 =	vadd.f32 v4, v9  }
0xc4: {  	v7 =	vnsel vm13, $0x21, v8;
	v8 =	vld.idx.msk [tilespmem:v1+s17+$0x0], $0xffff  }
0xc5: {  	v7 =	vmin.u32 v7, $0x5D;
	v9 =	vmul.f32 $7.750015740e+00, v14;
	v14 =	vld.idx.msk [tilespmem:v1+s16+$0x0], $0xffff;
	[tilespmem:s0+$0x90] =	vst v4  }
0xc6: {  	v7 =	vadd.s32 v0, v7;
	v4 =	vld [tilespmem:s8+$0xA0]  }
0xc7: {  	v1 =	vld.idx.msk [tilespmem:v1+s4+$0x0], $0xffff;
	v15 =	vadd.f32 $6.400000000e+01, v9  }
0xc8: {  	v17 =	vld.idx.msk [tilespmem:v2+s17+$0x0], $0xffff  }
0xc9: {  	v16 =	vld.idx.msk [tilespmem:v5+s17+$0x0], $0xffff;
	v15 =	vtrunc.f32 v15  }
0xca: {  	v19 =	vld.idx.msk [tilespmem:v5+s16+$0x0], $0xffff;
	v8 =	vmul.f32 v8, v10;
	v15 =	vcvt.f32.s32 v15  }
0xcb: {  	v18 =	vld.idx.msk [tilespmem:v7+s17+$0x0], $0xffff;
	v20 =	vmul.f32 $7.750015740e+00, v4  }
0xcc: {  	vm14 =	vgt.s32 v15, $0x21;
	v4 =	vadd.f32 v8, v14;
	v8 =	vld.idx.msk [tilespmem:v2+s16+$0x0], $0xffff  }
0xcd: {  	v3 =	vmul.f32 $7.750015740e+00, v3;
	v14 =	vnsel vm14, $0x21, v15;
	v15 =	vld.idx.msk [tilespmem:v7+s16+$0x0], $0xffff;
	v21 =	vadd.f32 $6.400000000e+01, v20  }
0xce: {  	v16 =	vmul.f32 v16, v11;
	v14 =	vmin.u32 v14, $0x5D;
	v4 =	vmul.f32 v4, v10  }
0xcf: {  	v5 =	vld.idx.msk [tilespmem:v5+s4+$0x0], $0xffff;
	v10 =	vadd.s32 v0, v14;
	v14 =	vmul.f32 v17, v13;
	v17 =	vtrunc.f32 v21  }
0xd0: {  	v2 =	vld.idx.msk [tilespmem:v2+s4+$0x0], $0xffff;
	v18 =	vmul.f32 v18, v12;
	v16 =	vadd.f32 v16, v19;
	v17 =	vcvt.f32.s32 v17  }
0xd1: {  	v19 =	vmul.f32 $7.750015740e+00, v6;
	v1 =	vadd.f32 v4, v1;
	v4 =	vld.idx.msk [tilespmem:v7+s4+$0x0], $0xffff;
	v6 =	vadd.f32 v14, v8  }
0xd2: {  	s7 =	simm.s32 $0x9380;
	v7 =	vmul.f32 v16, v11;
	v8 =	vadd.f32 v18, v15;
	vm15 =	vgt.s32 v17, $0x21  }
0xd3: {  	v22 =	vld [tilespmem:s7+$0xFFFFFF00];
	v11 =	vadd.f32 $6.400000000e+01, v3;
	[tilespmem:s29+$0xC0] =	vst v1;
	v1 =	vmul.f32 v6, v13;
	v6 =	vnsel vm15, $0x21, v17  }
0xd4: {  	v5 =	vadd.f32 v7, v5;
	v7 =	vmul.f32 v8, v12;
	v12 =	vld.idx.msk [tilespmem:v10+s17+$0x0], $0xffff;
	v6 =	vmin.u32 v6, $0x5D  }
0xd5: {  	v8 =	vadd.f32 $6.400000000e+01, v19;
	v17 =	vld [tilespmem:s7+$0x80];
	v1 =	vadd.f32 v1, v2;
	v2 =	vadd.s32 v0, v6  }
0xd6: {  	[tilespmem:s0+$0xFFFFFF10] =	vst v5;
	v6 =	vtrunc.f32 v11;
	v11 =	vld.idx.msk [tilespmem:v10+s16+$0x0], $0xffff;
	v4 =	vadd.f32 v7, v4  }
0xd7: {  	v5 =	vtrunc.f32 v8;
	v7 =	vld [tilespmem:s8+$0xFFFFFF20];
	[tilespmem:s0+$0xFFFFFF90] =	vst v1  }
0xd8: {  	v6 =	vcvt.f32.s32 v6;
	v1 =	vcvt.f32.s32 v5;
	v5 =	vld [tilespmem:s8+$0xFFFFFFA0];
	[tilespmem:s0+$0x10] =	vst v4  }
0xd9: {  	v4 =	vld [tilespmem:s8+$0x20]  }
0xda: {  	v22 =	vmul.f32 $7.750015740e+00, v22;
	vm4 =	vgt.s32 v6, $0x21;
	v8 =	vld.idx.msk [tilespmem:v2+s17+$0x0], $0xffff  }
0xdb: {  	v13 =	vld [tilespmem:s2+$0xD0];
	vm5 =	vgt.s32 v1, $0x21;
	v12 =	vmul.f32 v12, v9;
	v6 =	vnsel vm4, $0x21, v6  }
0xdc: {  	v17 =	vmul.f32 $7.750015740e+00, v17;
	v1 =	vnsel vm5, $0x21, v1;
	v6 =	vmin.u32 v6, $0x5D;
	v15 =	vld.idx.msk [tilespmem:v2+s16+$0x0], $0xffff  }
0xdd: {  	v10 =	vld.idx.msk [tilespmem:v10+s4+$0x0], $0xffff;
	v1 =	vmin.u32 v1, $0x5D;
	v14 =	vadd.s32 v0, v6;
	v6 =	vmul.f32 $7.750015740e+00, v7  }
0xde: {  	v11 =	vadd.f32 v12, v11;
	v16 =	vadd.s32 v0, v1;
	v7 =	vmul.f32 $7.750015740e+00, v5  }
0xdf: {  	v5 =	vadd.f32 $6.400000000e+01, v6;
	v4 =	vmul.f32 $7.750015740e+00, v4;
	v8 =	vmul.f32 v8, v20  }
0xe0: {  	v2 =	vld.idx.msk [tilespmem:v2+s4+$0x0], $0xffff;
	v1 =	vmul.f32 $7.750015740e+00, v13;
	v9 =	vmul.f32 v11, v9;
	v12 =	vadd.f32 $6.400000000e+01, v7  }
0xe1: {  	v5 =	vtrunc.f32 v5;
	v13 =	vadd.f32 $6.400000000e+01, v4;
	v8 =	vadd.f32 v8, v15  }
0xe2: {  	v9 =	vadd.f32 v9, v10;
	v10 =	vld [tilespmem:s7+$0xFFFFFF80];
	v5 =	vcvt.f32.s32 v5;
	v12 =	vtrunc.f32 v12  }
0xe3: {  	v24 =	vadd.f32 $6.400000000e+01, v22;
	v18 =	vld.idx.msk [tilespmem:v14+s17+$0x0], $0xffff;
	v13 =	vtrunc.f32 v13;
	v8 =	vmul.f32 v8, v20  }
0xe4: {  	v11 =	vld.idx.msk [tilespmem:v16+s17+$0x0], $0xffff;
	v12 =	vcvt.f32.s32 v12;
	vm6 =	vgt.s32 v5, $0x21;
	v13 =	vcvt.f32.s32 v13  }
0xe5: {  	[tilespmem:s29+$0xFFFFFF30] =	vst v9;
	v9 =	vld [tilespmem:s7+$0x0];
	v5 =	vnsel vm6, $0x21, v5;
	v2 =	vadd.f32 v8, v2;
	v8 =	vadd.f32 $6.400000000e+01, v17  }
0xe6: {  	v15 =	vld.idx.msk [tilespmem:v14+s16+$0x0], $0xffff;
	vm7 =	vgt.s32 v12, $0x21;
	v5 =	vmin.u32 v5, $0x5D;
	vm8 =	vgt.s32 v13, $0x21  }
0xe7: {  	v20 =	vld.idx.msk [tilespmem:v16+s16+$0x0], $0xffff;
	v12 =	vnsel vm7, $0x21, v12;
	v5 =	vadd.s32 v0, v5;
	[tilespmem:s0+$0xA0] =	vst v2;
	v2 =	vtrunc.f32 v8  }
0xe8: {  	v13 =	vnsel vm8, $0x21, v13;
	v8 =	vmin.u32 v12, $0x5D;
	v12 =	vld [tilespmem:s8+$0xB0];
	v2 =	vcvt.f32.s32 v2  }
0xe9: {  	v24 =	vtrunc.f32 v24;
	v14 =	vld.idx.msk [tilespmem:v14+s4+$0x0], $0xffff;
	v18 =	vmul.f32 v18, v3;
	v13 =	vmin.u32 v13, $0x5D  }
0xea: {  	v16 =	vld.idx.msk [tilespmem:v16+s4+$0x0], $0xffff;
	v11 =	vmul.f32 v11, v19;
	v13 =	vadd.s32 v0, v13;
	vm9 =	vgt.s32 v2, $0x21  }
0xeb: {  	v10 =	vmul.f32 $7.750015740e+00, v10;
	v15 =	vadd.f32 v18, v15;
	v18 =	vld [tilespmem:s2+$0xFFFFFF40];
	v2 =	vnsel vm9, $0x21, v2  }
0xec: {  	v25 =	vmul.f32 $7.750015740e+00, v9;
	v11 =	vadd.f32 v11, v20;
	v20 =	vld.idx.msk [tilespmem:v5+s17+$0x0], $0xffff;
	v2 =	vmin.u32 v2, $0x5D  }
0xed: {  	v9 =	vadd.f32 $6.400000000e+01, v10;
	v26 =	vld.idx.msk [tilespmem:v5+s16+$0x0], $0xffff;
	v12 =	vmul.f32 $7.750015740e+00, v12;
	v2 =	vadd.s32 v0, v2  }
0xee: {  	v24 =	vcvt.f32.s32 v24;
	v8 =	vadd.s32 v0, v8;
	v11 =	vmul.f32 v11, v19;
	v30 =	vld.idx.msk [tilespmem:v5+s4+$0x0], $0xffff  }
0xef: {  	v9 =	vtrunc.f32 v9;
	v3 =	vmul.f32 v15, v3;
	v15 =	vld.idx.msk [tilespmem:v13+s17+$0x0], $0xffff;
	v19 =	vadd.f32 $6.400000000e+01, v12  }
0xf0: {  	v9 =	vcvt.f32.s32 v9;
	v11 =	vadd.f32 v11, v16;
	v16 =	vld.idx.msk [tilespmem:v13+s16+$0x0], $0xffff  }
0xf1: {  	vm10 =	vgt.s32 v24, $0x21;
	v27 =	vadd.f32 $6.400000000e+01, v25;
	v13 =	vld.idx.msk [tilespmem:v13+s4+$0x0], $0xffff;
	v19 =	vtrunc.f32 v19  }
0xf2: {  	v24 =	vnsel vm10, $0x21, v24;
	vm12 =	vgt.s32 v9, $0x21;
	v19 =	vcvt.f32.s32 v19;
	v28 =	vld.idx.msk [tilespmem:v2+s17+$0x0], $0xffff  }
0xf3: {  	v27 =	vtrunc.f32 v27;
	v3 =	vadd.f32 v3, v14;
	v9 =	vnsel vm12, $0x21, v9;
	v23 =	vld.idx.msk [tilespmem:v8+s17+$0x0], $0xffff  }
0xf4: {  	v5 =	vmin.u32 v24, $0x5D;
	v9 =	vmin.u32 v9, $0x5D;
	v29 =	vld.idx.msk [tilespmem:v2+s16+$0x0], $0xffff;
	vm11 =	vgt.s32 v19, $0x21  }
0xf5: {  	v14 =	vld.idx.msk [tilespmem:v8+s16+$0x0], $0xffff;
	[tilespmem:s29+$0xFFFFFFB0] =	vst v3;
	v3 =	vcvt.f32.s32 v27;
	v9 =	vadd.s32 v0, v9;
	v19 =	vnsel vm11, $0x21, v19  }
0xf6: {  	v21 =	vadd.f32 $6.400000000e+01, v1;
	v24 =	vadd.s32 v0, v5;
	v8 =	vld.idx.msk [tilespmem:v8+s4+$0x0], $0xffff;
	v5 =	vmin.u32 v19, $0x5D  }
0xf7: {  	[tilespmem:s29+$0x30] =	vst v11;
	v11 =	vld [tilespmem:s2+$0xFFFFFFC0];
	vm14 =	vgt.s32 v3, $0x21;
	v19 =	vadd.s32 v0, v5;
	v5 =	vmul.f32 v28, v17  }
0xf8: {  	v21 =	vtrunc.f32 v21;
	v3 =	vnsel vm14, $0x21, v3;
	v27 =	vld.idx.msk [tilespmem:v2+s4+$0x0], $0xffff  }
0xf9: {  	v15 =	vmul.f32 v15, v4;
	v2 =	vmul.f32 $7.750015740e+00, v18;
	v18 =	vld [tilespmem:s2+$0x40];
	v5 =	vadd.f32 v5, v29  }
0xfa: {  	v21 =	vcvt.f32.s32 v21;
	v20 =	vmul.f32 v20, v6;
	v3 =	vmin.u32 v3, $0x5D;
	v31 =	vld.idx.msk [tilespmem:v9+s17+$0x0], $0xffff  }
0xfb: {  	v23 =	vmul.f32 v23, v7;
	v15 =	vadd.f32 v15, v16;
	v16 =	vld.idx.msk [tilespmem:v24+s16+$0x0], $0xffff;
	v5 =	vmul.f32 v5, v17  }
0xfc: {  	vm13 =	vgt.s32 v21, $0x21;
	v20 =	vadd.f32 v20, v26;
	v32 =	vadd.s32 v0, v3;
	v29 =	vld.idx.msk [tilespmem:v19+s17+$0x0], $0xffff  }
0xfd: {  	v14 =	vadd.f32 v23, v14;
	v23 =	vld.idx.msk [tilespmem:v9+s16+$0x0], $0xffff;
	v27 =	vadd.f32 v5, v27;
	v5 =	vmul.f32 $7.750015740e+00, v11  }
0xfe: {  	s31 =	simm.s32 $0xF380;
	v21 =	vnsel vm13, $0x21, v21;
	v3 =	vmul.f32 $7.750015740e+00, v18;
	v11 =	vld.idx.msk [tilespmem:v19+s16+$0x0], $0xffff  }
0xff: {  	v21 =	vmin.u32 v21, $0x5D;
	v6 =	vmul.f32 v20, v6;
	v28 =	vld.idx.msk [tilespmem:v24+s17+$0x0], $0xffff;
	[tilespmem:s31+$0x80] =	vst v27;
	v18 =	vadd.f32 $6.400000000e+01, v5  }
0x100: {  	v4 =	vmul.f32 v15, v4;
	v7 =	vmul.f32 v14, v7;
	v14 =	vadd.f32 $6.400000000e+01, v3;
	v20 =	vld [tilespmem:s7+$0x90]  }
0x101: {  	v17 =	vadd.f32 $6.400000000e+01, v2;
	v26 =	vmul.f32 v29, v12;
	v15 =	vtrunc.f32 v18;
	v18 =	vld.idx.msk [tilespmem:v19+s4+$0x0], $0xffff  }
0x102: {  	v21 =	vadd.s32 v0, v21;
	v6 =	vadd.f32 v6, v30;
	v14 =	vtrunc.f32 v14;
	v19 =	vld.idx.msk [tilespmem:v32+s17+$0x0], $0xffff  }
0x103: {  	v14 =	vcvt.f32.s32 v14;
	v17 =	vtrunc.f32 v17;
	v11 =	vadd.f32 v26, v11  }
0x104: {  	v13 =	vadd.f32 v4, v13;
	v27 =	vmul.f32 v31, v10;
	v26 =	vmul.f32 v28, v22;
	v28 =	vld.idx.msk [tilespmem:v32+s16+$0x0], $0xffff  }
0x105: {  	v7 =	vadd.f32 v7, v8;
	v8 =	vld.idx.msk [tilespmem:v24+s4+$0x0], $0xffff;
	v11 =	vmul.f32 v11, v12;
	v12 =	vmul.f32 $7.750015740e+00, v20  }
0x106: {  	v17 =	vcvt.f32.s32 v17;
	v23 =	vadd.f32 v27, v23;
	v16 =	vadd.f32 v26, v16;
	v20 =	vld.idx.msk [tilespmem:v9+s4+$0x0], $0xffff  }
0x107: {  	v9 =	vld.idx.msk [tilespmem:v21+s17+$0x0], $0xffff;
	v4 =	vmul.f32 v19, v25;
	v11 =	vadd.f32 v11, v18;
	v18 =	vadd.f32 $6.400000000e+01, v12  }
0x108: {  	[tilespmem:s0+$0xFFFFFF20] =	vst v6;
	vm15 =	vgt.s32 v17, $0x21;
	v15 =	vcvt.f32.s32 v15;
	v19 =	vld.idx.msk [tilespmem:v32+s4+$0x0], $0xffff;
	v16 =	vmul.f32 v16, v22  }
0x109: {  	v22 =	vmul.f32 v23, v10;
	v4 =	vadd.f32 v4, v28;
	[tilespmem:s0+$0xB0] =	vst v11;
	v10 =	vtrunc.f32 v18;
	v18 =	vld [tilespmem:s8+$0xFFFFFF30]  }
0x10a: {  	v17 =	vnsel vm15, $0x21, v17;
	v8 =	vadd.f32 v16, v8;
	v11 =	vld [tilespmem:s8+$0xC0];
	v16 =	vcvt.f32.s32 v10  }
0x10b: {  	[tilespmem:s0+$0x20] =	vst v13;
	vm4 =	vgt.s32 v15, $0x21;
	v10 =	vld.idx.msk [tilespmem:v21+s16+$0x0], $0xffff;
	v6 =	vadd.f32 v22, v20;
	v4 =	vmul.f32 v4, v25  }
0x10c: {  	v22 =	vld [tilespmem:s8+$0x30];
	[tilespmem:s31+$0xFFFFFF00] =	vst v8;
	v8 =	vnsel vm4, $0x21, v15;
	v15 =	vmin.u32 v17, $0x5D;
	vm5 =	vgt.s32 v16, $0x21  }
0x10d: {  	v17 =	vld [tilespmem:s7+$0xFFFFFF10];
	[tilespmem:s31+$0xFFFFFF80] =	vst v6;
	v15 =	vadd.s32 v0, v15;
	v6 =	vnsel vm5, $0x21, v16  }
0x10e: {  	vm2 =	vgt.s32 v14, $0x21;
	v16 =	vadd.f32 v4, v19;
	v19 =	vld [tilespmem:s7+$0xFFFFFF90];
	v6 =	vmin.u32 v6, $0x5D  }
0x10f: {  	[tilespmem:s0+$0xFFFFFFA0] =	vst v7;
	v7 =	vmin.u32 v8, $0x5D;
	v4 =	vld.idx.msk [tilespmem:v21+s4+$0x0], $0xffff;
	v11 =	vmul.f32 $7.750015740e+00, v11;
	v20 =	vadd.s32 v0, v6  }
0x110: {  	v6 =	vnsel vm2, $0x21, v14;
	v14 =	vadd.s32 v0, v7;
	v7 =	vld [tilespmem:s8+$0xFFFFFFB0];
	[tilespmem:s31+$0x0] =	vst v16  }
0x111: {  	v13 =	vld [tilespmem:s7+$0x10];
	v16 =	vadd.f32 $6.400000000e+01, v11  }
0x112: {  	v8 =	vmul.f32 $7.750015740e+00, v18;
	v6 =	vmin.u32 v6, $0x5D;
	v17 =	vmul.f32 $7.750015740e+00, v17;
	v18 =	vld.idx.msk [tilespmem:v15+s17+$0x0], $0xffff  }
0x113: {  	v21 =	vadd.s32 v0, v6;
	v29 =	vld.idx.msk [tilespmem:v15+s16+$0x0], $0xffff;
	v19 =	vmul.f32 $7.750015740e+00, v19;
	v6 =	vtrunc.f32 v16  }
0x114: {  	v16 =	vadd.f32 $6.400000000e+01, v17;
	v23 =	vcvt.f32.s32 v6;
	v24 =	vld.idx.msk [tilespmem:v20+s17+$0x0], $0xffff  }
0x115: {  	v9 =	vmul.f32 v9, v1;
	v15 =	vld.idx.msk [tilespmem:v15+s4+$0x0], $0xffff;
	v6 =	vmul.f32 $7.750015740e+00, v7;
	v7 =	vadd.f32 $6.400000000e+01, v19  }
0x116: {  	v27 =	vld.idx.msk [tilespmem:v20+s16+$0x0], $0xffff;
	v13 =	vmul.f32 $7.750015740e+00, v13;
	v16 =	vtrunc.f32 v16;
	vm6 =	vgt.s32 v23, $0x21  }
0x117: {  	v25 =	vld.idx.msk [tilespmem:v14+s17+$0x0], $0xffff;
	v7 =	vtrunc.f32 v7;
	v16 =	vcvt.f32.s32 v16;
	v23 =	vnsel vm6, $0x21, v23  }
0x118: {  	v20 =	vld.idx.msk [tilespmem:v20+s4+$0x0], $0xffff;
	v30 =	vadd.f32 $6.400000000e+01, v13;
	v31 =	vcvt.f32.s32 v7;
	v7 =	vmin.u32 v23, $0x5D  }
0x119: {  	v28 =	vld.idx.msk [tilespmem:v21+s17+$0x0], $0xffff;
	vm7 =	vgt.s32 v16, $0x21;
	v62 =	vadd.s32 v0, v7;
	v7 =	vmul.f32 v24, v12  }
0x11a: {  	v9 =	vadd.f32 v9, v10;
	v23 =	vld.idx.msk [tilespmem:v14+s16+$0x0], $0xffff;
	v16 =	vnsel vm7, $0x21, v16  }
0x11b: {  	v14 =	vld.idx.msk [tilespmem:v14+s4+$0x0], $0xffff;
	v24 =	vtrunc.f32 v30;
	v16 =	vmin.u32 v16, $0x5D;
	v27 =	vadd.f32 v7, v27  }
0x11c: {  	vm8 =	vgt.s32 v31, $0x21;
	v30 =	vld.idx.msk [tilespmem:v21+s16+$0x0], $0xffff;
	v24 =	vcvt.f32.s32 v24;
	v16 =	vadd.s32 v0, v16  }
0x11d: {  	v21 =	vld.idx.msk [tilespmem:v21+s4+$0x0], $0xffff;
	v7 =	vmul.f32 $7.750015740e+00, v22;
	v22 =	vnsel vm8, $0x21, v31;
	v12 =	vmul.f32 v27, v12  }
0x11e: {  	v26 =	vadd.f32 $6.400000000e+01, v8;
	vm9 =	vgt.s32 v24, $0x21;
	v22 =	vmin.u32 v22, $0x5D;
	v31 =	vld.idx.msk [tilespmem:v62+s17+$0x0], $0xffff  }
0x11f: {  	v27 =	vadd.f32 $6.400000000e+01, v6;
	v22 =	vadd.s32 v0, v22;
	v32 =	vld.idx.msk [tilespmem:v62+s4+$0x0], $0xffff;
	v12 =	vadd.f32 v12, v20  }
0x120: {  	v24 =	vnsel vm9, $0x21, v24;
	v33 =	vadd.f32 $6.400000000e+01, v7;
	v20 =	vtrunc.f32 v26;
	v26 =	vld.idx.msk [tilespmem:v62+s16+$0x0], $0xffff  }
0x121: {  	v24 =	vmin.u32 v24, $0x5D;
	v27 =	vtrunc.f32 v27;
	v34 =	vld.idx.msk [tilespmem:v16+s17+$0x0], $0xffff;
	[tilespmem:s31+$0x90] =	vst v12;
	v12 =	vcvt.f32.s32 v20  }
0x122: {  	v24 =	vadd.s32 v0, v24;
	v63 =	vld.idx.msk [tilespmem:v16+s16+$0x0], $0xffff;
	v20 =	vcvt.f32.s32 v27  }
0x123: {  	v9 =	vmul.f32 v9, v1;
	v33 =	vtrunc.f32 v33;
	v27 =	vld [tilespmem:s7+$0xA0];
	vm10 =	vgt.s32 v12, $0x21  }
0x124: {  	v35 =	vld.idx.msk [tilespmem:v22+s17+$0x0], $0xffff;
	v31 =	vmul.f32 v31, v11;
	vm11 =	vgt.s32 v20, $0x21;
	v12 =	vnsel vm10, $0x21, v12  }
0x125: {  	v33 =	vcvt.f32.s32 v33;
	v16 =	vld.idx.msk [tilespmem:v16+s4+$0x0], $0xffff;
	v20 =	vnsel vm11, $0x21, v20;
	v12 =	vmin.u32 v12, $0x5D  }
0x126: {  	v37 =	vld.idx.msk [tilespmem:v22+s16+$0x0], $0xffff;
	v26 =	vadd.f32 v31, v26;
	v20 =	vmin.u32 v20, $0x5D;
	v12 =	vadd.s32 v0, v12  }
0x127: {  	vm12 =	vgt.s32 v33, $0x21;
	v36 =	vld.idx.msk [tilespmem:v24+s17+$0x0], $0xffff;
	v34 =	vmul.f32 v34, v17;
	v20 =	vadd.s32 v0, v20  }
0x128: {  	v22 =	vld.idx.msk [tilespmem:v22+s4+$0x0], $0xffff;
	v31 =	vnsel vm12, $0x21, v33;
	v11 =	vmul.f32 v26, v11;
	v26 =	vmul.f32 $7.750015740e+00, v27  }
0x129: {  	v27 =	vmin.u32 v31, $0x5D;
	v31 =	vld.idx.msk [tilespmem:v24+s16+$0x0], $0xffff;
	v35 =	vmul.f32 v35, v19;
	v33 =	vadd.f32 v34, v63  }
0x12a: {  	v10 =	vmul.f32 v18, v2;
	v24 =	vld.idx.msk [tilespmem:v24+s4+$0x0], $0xffff;
	v27 =	vadd.s32 v0, v27;
	v11 =	vadd.f32 v11, v32  }
0x12b: {  	v39 =	vadd.f32 $6.400000000e+01, v26;
	v18 =	vadd.f32 v35, v37;
	v17 =	vmul.f32 v33, v17;
	v42 =	vld.idx.msk [tilespmem:v12+s17+$0x0], $0xffff  }
0x12c: {  	v4 =	vadd.f32 v9, v4;
	v40 =	vmul.f32 v36, v13;
	v43 =	vld.idx.msk [tilespmem:v20+s17+$0x0], $0xffff  }
0x12d: {  	[tilespmem:s0+$0xC0] =	vst v11;
	v11 =	vtrunc.f32 v39;
	v18 =	vmul.f32 v18, v19;
	v16 =	vadd.f32 v17, v16;
	v17 =	vld.idx.msk [tilespmem:v12+s16+$0x0], $0xffff  }
0x12e: {  	v10 =	vadd.f32 v10, v29;
	v25 =	vmul.f32 v25, v5;
	v12 =	vld.idx.msk [tilespmem:v12+s4+$0x0], $0xffff;
	v11 =	vcvt.f32.s32 v11  }
0x12f: {  	v41 =	vld [tilespmem:s8+$0xD0];
	v31 =	vadd.f32 v40, v31;
	v18 =	vadd.f32 v18, v22  }
0x130: {  	v2 =	vmul.f32 v10, v2;
	v23 =	vadd.f32 v25, v23;
	v19 =	vld.idx.msk [tilespmem:v27+s17+$0x0], $0xffff;
	vm13 =	vgt.s32 v11, $0x21  }
0x131: {  	v28 =	vmul.f32 v28, v3;
	v22 =	vld.idx.msk [tilespmem:v20+s16+$0x0], $0xffff;
	v13 =	vmul.f32 v31, v13;
	v11 =	vnsel vm13, $0x21, v11;
	[tilespmem:s31+$0xFFFFFF90] =	vst v18  }
0x132: {  	v2 =	vadd.f32 v2, v15;
	v5 =	vmul.f32 v23, v5;
	[tilespmem:s31+$0xFFFFFF10] =	vst v16;
	v11 =	vmin.u32 v11, $0x5D;
	v10 =	vld [tilespmem:s7+$0xFFFFFFA0]  }
0x133: {  	v16 =	vld.idx.msk [tilespmem:v27+s16+$0x0], $0xffff;
	v18 =	vadd.f32 v28, v30;
	v13 =	vadd.f32 v13, v24;
	v11 =	vadd.s32 v0, v11  }
0x134: {  	[tilespmem:s29+$0xFFFFFF40] =	vst v2;
	v5 =	vadd.f32 v5, v14;
	v24 =	vld [tilespmem:s7+$0xFFFFFF20];
	v14 =	vmul.f32 v43, v6;
	v1 =	vmul.f32 $7.750015740e+00, v41  }
0x135: {  	v2 =	vld.idx.msk [tilespmem:v27+s4+$0x0], $0xffff;
	v3 =	vmul.f32 v18, v3;
	[tilespmem:s31+$0x10] =	vst v13;
	v13 =	vmul.f32 v42, v8  }
0x136: {  	v18 =	vmul.f32 v19, v7;
	v22 =	vadd.f32 v14, v22;
	v9 =	vadd.f32 $6.400000000e+01, v1;
	v23 =	vld [tilespmem:s7+$0x20]  }
0x137: {  	v3 =	vadd.f32 v3, v21;
	v17 =	vadd.f32 v13, v17;
	v13 =	vmul.f32 $7.750015740e+00, v10;
	v10 =	vld.idx.msk [tilespmem:v20+s4+$0x0], $0xffff  }
0x138: {  	[tilespmem:s29+$0xFFFFFFC0] =	vst v5;
	v16 =	vadd.f32 v18, v16;
	v6 =	vmul.f32 v22, v6;
	v9 =	vtrunc.f32 v9;
	v15 =	vld.idx.msk [tilespmem:v11+s17+$0x0], $0xffff  }
0x139: {  	[tilespmem:s29+$0x40] =	vst v3;
	v3 =	vld [tilespmem:s2+$0xFFFFFFD0];
	v19 =	vcvt.f32.s32 v9;
	v9 =	vmul.f32 $7.750015740e+00, v24  }
0x13a: {  	s6 =	simm.s32 $0x9580;
	v21 =	vld.idx.msk [tilespmem:v11+s16+$0x0], $0xffff;
	v8 =	vmul.f32 v17, v8;
	v7 =	vmul.f32 v16, v7  }
0x13b: {  	v16 =	vld [tilespmem:s6+$0x0];
	vm14 =	vgt.s32 v19, $0x21;
	v18 =	vadd.f32 $6.400000000e+01, v9;
	v14 =	vmul.f32 $7.750015740e+00, v23  }
0x13c: {  	v8 =	vadd.f32 v8, v12;
	v2 =	vadd.f32 v7, v2;
	v17 =	vnsel vm14, $0x21, v19  }
0x13d: {  	v23 =	vld [tilespmem:s6+$0x80];
	v19 =	vadd.f32 $6.400000000e+01, v13;
	v18 =	vtrunc.f32 v18;
	v15 =	vmul.f32 v15, v26  }
0x13e: {  	v11 =	vld.idx.msk [tilespmem:v11+s4+$0x0], $0xffff;
	v20 =	vadd.f32 $6.400000000e+01, v14;
	v6 =	vadd.f32 v6, v10;
	v10 =	vmul.f32 $7.750015740e+00, v3  }
0x13f: {  	v18 =	vcvt.f32.s32 v18;
	v19 =	vtrunc.f32 v19;
	v15 =	vadd.f32 v15, v21  }
0x140: {  	v17 =	vmin.u32 v17, $0x5D;
	v16 =	vmul.f32 $7.750015740e+00, v16;
	v20 =	vtrunc.f32 v20  }
0x141: {  	v5 =	vadd.s32 v0, v17;
	v19 =	vcvt.f32.s32 v19;
	v15 =	vmul.f32 v15, v26  }
0x142: {  	[tilespmem:s0+$0xFFFFFF30] =	vst v8;
	v17 =	vld [tilespmem:s2+$0xFFFFFF50];
	vm15 =	vgt.s32 v18, $0x21;
	v20 =	vcvt.f32.s32 v20;
	v22 =	vmul.f32 $7.750015740e+00, v23  }
0x143: {  	v7 =	vld [tilespmem:s8+$0xFFFFFF40];
	v31 =	vadd.f32 $6.400000000e+01, v16;
	vm4 =	vgt.s32 v19, $0x21;
	v11 =	vadd.f32 v15, v11  }
0x144: {  	v23 =	vld [tilespmem:s6+$0xFFFFFF00];
	v18 =	vnsel vm15, $0x21, v18;
	vm5 =	vgt.s32 v20, $0x21;
	v19 =	vnsel vm4, $0x21, v19  }
0x145: {  	v18 =	vmin.u32 v18, $0x5D;
	v15 =	vld [tilespmem:s6+$0xFFFFFF80];
	[tilespmem:s31+$0xA0] =	vst v11;
	v11 =	vmin.u32 v19, $0x5D;
	v19 =	vadd.f32 $6.400000000e+01, v22  }
0x146: {  	v31 =	vtrunc.f32 v31;
	v20 =	vnsel vm5, $0x21, v20;
	v18 =	vadd.s32 v0, v18;
	v24 =	vld [tilespmem:s7+$0xB0]  }
0x147: {  	v12 =	vld.idx.msk [tilespmem:v5+s17+$0x0], $0xffff;
	v31 =	vcvt.f32.s32 v31;
	v20 =	vmin.u32 v20, $0x5D;
	v19 =	vtrunc.f32 v19  }
0x148: {  	[tilespmem:s0+$0xFFFFFFB0] =	vst v6;
	v21 =	vld [tilespmem:s2+$0x50];
	v25 =	vadd.s32 v0, v11;
	v11 =	vmul.f32 $7.750015740e+00, v17;
	v17 =	vcvt.f32.s32 v19  }
0x149: {  	[tilespmem:s0+$0x30] =	vst v2;
	v48 =	vld [tilespmem:s8+$0xFFFFFFC0];
	v2 =	vmul.f32 $7.750015740e+00, v7;
	v20 =	vadd.s32 v0, v20;
	v19 =	vmul.f32 $7.750015740e+00, v23  }
0x14a: {  	v8 =	vld.idx.msk [tilespmem:v5+s16+$0x0], $0xffff;
	vm10 =	vgt.s32 v31, $0x21;
	v15 =	vmul.f32 $7.750015740e+00, v15;
	vm6 =	vgt.s32 v17, $0x21  }
0x14b: {  	v7 =	vld [tilespmem:s8+$0x40];
	v26 =	vadd.f32 $6.400000000e+01, v19;
	v23 =	vmul.f32 $7.750015740e+00, v24;
	v17 =	vnsel vm6, $0x21, v17  }
0x14c: {  	v3 =	vld.idx.msk [tilespmem:v18+s17+$0x0], $0xffff;
	v12 =	vmul.f32 v12, v1;
	v29 =	vadd.f32 $6.400000000e+01, v15;
	v17 =	vmin.u32 v17, $0x5D  }
0x14d: {  	v30 =	vld.idx.msk [tilespmem:v18+s16+$0x0], $0xffff;
	v26 =	vtrunc.f32 v26;
	v28 =	vadd.f32 $6.400000000e+01, v23;
	v17 =	vadd.s32 v0, v17  }
0x14e: {  	v31 =	vnsel vm10, $0x21, v31;
	v24 =	vld.idx.msk [tilespmem:v25+s17+$0x0], $0xffff;
	v29 =	vtrunc.f32 v29;
	v26 =	vcvt.f32.s32 v26  }
0x14f: {  	v18 =	vld.idx.msk [tilespmem:v18+s4+$0x0], $0xffff;
	v8 =	vadd.f32 v12, v8;
	v29 =	vcvt.f32.s32 v29;
	v28 =	vtrunc.f32 v28  }
0x150: {  	v27 =	vld.idx.msk [tilespmem:v20+s17+$0x0], $0xffff;
	v12 =	vmul.f32 $7.750015740e+00, v21;
	v21 =	vmin.u32 v31, $0x5D;
	v28 =	vcvt.f32.s32 v28  }
0x151: {  	v21 =	vadd.s32 v0, v21;
	v44 =	vld.idx.msk [tilespmem:v25+s16+$0x0], $0xffff;
	vm7 =	vgt.s32 v26, $0x21;
	vm9 =	vgt.s32 v29, $0x21  }
0x152: {  	v26 =	vnsel vm7, $0x21, v26;
	v29 =	vnsel vm9, $0x21, v29;
	vm8 =	vgt.s32 v28, $0x21;
	v47 =	vld.idx.msk [tilespmem:v17+s17+$0x0], $0xffff  }
0x153: {  	v46 =	vld.idx.msk [tilespmem:v20+s16+$0x0], $0xffff;
	v24 =	vmul.f32 v24, v13;
	v26 =	vmin.u32 v26, $0x5D;
	v28 =	vnsel vm8, $0x21, v28  }
0x154: {  	v6 =	vmin.u32 v29, $0x5D;
	v26 =	vadd.s32 v0, v26;
	v29 =	vld.idx.msk [tilespmem:v17+s16+$0x0], $0xffff;
	v28 =	vmin.u32 v28, $0x5D  }
0x155: {  	v20 =	vld.idx.msk [tilespmem:v20+s4+$0x0], $0xffff;
	v28 =	vadd.s32 v0, v28  }
0x156: {  	v25 =	vld.idx.msk [tilespmem:v25+s4+$0x0], $0xffff;
	v3 =	vmul.f32 v3, v9;
	v6 =	vadd.s32 v0, v6;
	v24 =	vadd.f32 v24, v44  }
0x157: {  	v8 =	vmul.f32 v8, v1;
	v17 =	vld.idx.msk [tilespmem:v17+s4+$0x0], $0xffff;
	v1 =	vmul.f32 v47, v22  }
0x158: {  	v45 =	vadd.f32 $6.400000000e+01, v11;
	v30 =	vadd.f32 v3, v30;
	v13 =	vmul.f32 v24, v13;
	v24 =	vld.idx.msk [tilespmem:v21+s17+$0x0], $0xffff  }
0x159: {  	v50 =	vadd.f32 $6.400000000e+01, v2;
	v27 =	vmul.f32 v27, v14;
	v49 =	vld.idx.msk [tilespmem:v26+s17+$0x0], $0xffff;
	v29 =	vadd.f32 v1, v29  }
0x15a: {  	v31 =	vadd.f32 $6.400000000e+01, v10;
	v54 =	vtrunc.f32 v45;
	v9 =	vmul.f32 v30, v9;
	v38 =	vld.idx.msk [tilespmem:v28+s17+$0x0], $0xffff  }
0x15b: {  	v51 =	vld.idx.msk [tilespmem:v6+s17+$0x0], $0xffff;
	v1 =	vmul.f32 $7.750015740e+00, v7;
	v7 =	vadd.f32 v27, v46;
	v22 =	vmul.f32 v29, v22  }
0x15c: {  	v3 =	vmul.f32 $7.750015740e+00, v48;
	v9 =	vadd.f32 v9, v18;
	v13 =	vadd.f32 v13, v25;
	v27 =	vld.idx.msk [tilespmem:v28+s16+$0x0], $0xffff  }
0x15d: {  	v30 =	vld.idx.msk [tilespmem:v26+s16+$0x0], $0xffff;
	v7 =	vmul.f32 v7, v14;
	v14 =	vadd.f32 $6.400000000e+01, v1;
	v17 =	vadd.f32 v22, v17  }
0x15e: {  	s2 =	simm.s32 $0xF580;
	v18 =	vld.idx.msk [tilespmem:v6+s16+$0x0], $0xffff;
	[tilespmem:s31+$0xFFFFFFA0] =	vst v13;
	v13 =	vtrunc.f32 v31;
	v29 =	vadd.f32 $6.400000000e+01, v3;
	v22 =	vtrunc.f32 v50  }
0x15f: {  	v7 =	vadd.f32 v7, v20;
	v14 =	vtrunc.f32 v14;
	[tilespmem:s2+$0x80] =	vst v17;
	v17 =	vld.idx.msk [tilespmem:v28+s4+$0x0], $0xffff;
	v20 =	vmul.f32 v38, v23  }
0x160: {  	v25 =	vtrunc.f32 v29;
	v14 =	vcvt.f32.s32 v14;
	v29 =	vld [tilespmem:s6+$0x90]  }
0x161: {  	v52 =	vmul.f32 v49, v19;
	v22 =	vcvt.f32.s32 v22;
	v20 =	vadd.f32 v20, v27  }
0x162: {  	v53 =	vld.idx.msk [tilespmem:v21+s16+$0x0], $0xffff;
	v25 =	vcvt.f32.s32 v25;
	vm13 =	vgt.s32 v14, $0x21;
	v27 =	vmul.f32 v51, v15  }
0x163: {  	v26 =	vld.idx.msk [tilespmem:v26+s4+$0x0], $0xffff;
	v30 =	vadd.f32 v52, v30;
	v14 =	vnsel vm13, $0x21, v14;
	v20 =	vmul.f32 v20, v23  }
0x164: {  	v6 =	vld.idx.msk [tilespmem:v6+s4+$0x0], $0xffff;
	v14 =	vmin.u32 v14, $0x5D;
	v23 =	vmul.f32 v24, v16;
	v18 =	vadd.f32 v27, v18  }
0x165: {  	v14 =	vadd.s32 v0, v14;
	v24 =	vmul.f32 $7.750015740e+00, v29;
	v17 =	vadd.f32 v20, v17  }
0x166: {  	vm11 =	vgt.s32 v22, $0x21;
	v19 =	vmul.f32 v30, v19;
	v20 =	vld.idx.msk [tilespmem:v21+s4+$0x0], $0xffff;
	v15 =	vmul.f32 v18, v15  }
0x167: {  	v18 =	vadd.f32 v23, v53;
	v21 =	vnsel vm11, $0x21, v22;
	v22 =	vadd.f32 $6.400000000e+01, v24;
	[tilespmem:s31+$0xB0] =	vst v17  }
0x168: {  	v28 =	vadd.f32 $6.400000000e+01, v12;
	vm12 =	vgt.s32 v25, $0x21;
	v17 =	vadd.f32 v19, v26;
	v23 =	vld [tilespmem:s7+$0xC0]  }
0x169: {  	v5 =	vld.idx.msk [tilespmem:v5+s4+$0x0], $0xffff;
	[tilespmem:s31+$0xFFFFFF20] =	vst v9;
	v6 =	vadd.f32 v15, v6;
	v15 =	vmul.f32 v18, v16;
	v16 =	vtrunc.f32 v22  }
0x16a: {  	v21 =	vmin.u32 v21, $0x5D;
	v19 =	vnsel vm12, $0x21, v25;
	v59 =	vld.idx.msk [tilespmem:v14+s16+$0x0], $0xffff;
	[tilespmem:s2+$0xFFFFFF00] =	vst v17;
	v16 =	vcvt.f32.s32 v16  }
0x16b: {  	v17 =	vmin.u32 v19, $0x5D;
	[tilespmem:s2+$0xFFFFFF80] =	vst v6;
	v6 =	vadd.s32 v0, v21;
	v18 =	vld [tilespmem:s6+$0xFFFFFF10];
	v9 =	vadd.f32 v15, v20  }
0x16c: {  	v22 =	vcvt.f32.s32 v54;
	v17 =	vadd.s32 v0, v17;
	v15 =	vld [tilespmem:s6+$0xFFFFFF90];
	vm14 =	vgt.s32 v16, $0x21  }
0x16d: {  	v21 =	vld [tilespmem:s7+$0xFFFFFFB0];
	v20 =	vtrunc.f32 v28;
	[tilespmem:s2+$0x0] =	vst v9;
	v9 =	vnsel vm14, $0x21, v16;
	v16 =	vmul.f32 $7.750015740e+00, v23  }
0x16e: {  	v19 =	vld [tilespmem:s7+$0xFFFFFF30];
	v20 =	vcvt.f32.s32 v20;
	vm15 =	vgt.s32 v22, $0x21;
	v9 =	vmin.u32 v9, $0x5D  }
0x16f: {  	[tilespmem:s31+$0x20] =	vst v7;
	v22 =	vnsel vm15, $0x21, v22;
	v25 =	vld [tilespmem:s6+$0x10];
	v26 =	vadd.s32 v0, v9;
	v7 =	vadd.f32 $6.400000000e+01, v16  }
0x170: {  	v23 =	vcvt.f32.s32 v13;
	v13 =	vadd.f32 v8, v5;
	v5 =	vld [tilespmem:s7+$0x30];
	v18 =	vmul.f32 $7.750015740e+00, v18  }
0x171: {  	vm8 =	vgt.s32 v20, $0x21;
	v27 =	vld.idx.msk [tilespmem:v6+s17+$0x0], $0xffff;
	v15 =	vmul.f32 $7.750015740e+00, v15;
	v7 =	vtrunc.f32 v7  }
0x172: {  	v8 =	vmul.f32 $7.750015740e+00, v21;
	v21 =	vld.idx.msk [tilespmem:v14+s17+$0x0], $0xffff;
	v28 =	vadd.f32 $6.400000000e+01, v18;
	v7 =	vcvt.f32.s32 v7  }
0x173: {  	v22 =	vmin.u32 v22, $0x5D;
	v31 =	vld.idx.msk [tilespmem:v6+s16+$0x0], $0xffff;
	v9 =	vmul.f32 $7.750015740e+00, v19;
	v29 =	vadd.f32 $6.400000000e+01, v15  }
0x174: {  	v25 =	vmul.f32 $7.750015740e+00, v25;
	v28 =	vtrunc.f32 v28;
	v30 =	vld.idx.msk [tilespmem:v26+s17+$0x0], $0xffff;
	vm7 =	vgt.s32 v7, $0x21  }
0x175: {  	v6 =	vld.idx.msk [tilespmem:v6+s4+$0x0], $0xffff;
	v29 =	vtrunc.f32 v29;
	v28 =	vcvt.f32.s32 v28;
	v7 =	vnsel vm7, $0x21, v7  }
0x176: {  	v55 =	vadd.f32 $6.400000000e+01, v25;
	v29 =	vcvt.f32.s32 v29;
	v56 =	vld.idx.msk [tilespmem:v26+s16+$0x0], $0xffff;
	v7 =	vmin.u32 v7, $0x5D  }
0x177: {  	v14 =	vld.idx.msk [tilespmem:v14+s4+$0x0], $0xffff;
	v62 =	vadd.f32 $6.400000000e+01, v8;
	vm3 =	vgt.s32 v28, $0x21;
	v58 =	vadd.s32 v0, v7  }
0x178: {  	v19 =	vld.idx.msk [tilespmem:v17+s17+$0x0], $0xffff;
	v32 =	vtrunc.f32 v55;
	vm9 =	vgt.s32 v29, $0x21;
	v7 =	vnsel vm3, $0x21, v28  }
0x179: {  	v57 =	vld.idx.msk [tilespmem:v17+s16+$0x0], $0xffff;
	v29 =	vnsel vm9, $0x21, v29;
	v60 =	vmin.u32 v7, $0x5D;
	v30 =	vmul.f32 v30, v24  }
0x17a: {  	v7 =	vmul.f32 $7.750015740e+00, v5;
	v5 =	vld.idx.msk [tilespmem:v26+s4+$0x0], $0xffff;
	v29 =	vmin.u32 v29, $0x5D;
	v26 =	vadd.s32 v0, v60  }
0x17b: {  	v17 =	vld.idx.msk [tilespmem:v17+s4+$0x0], $0xffff;
	v28 =	vcvt.f32.s32 v32;
	v29 =	vadd.s32 v0, v29;
	v30 =	vadd.f32 v30, v56  }
0x17c: {  	s18 =	simm.s32 $0x9780;
	v20 =	vnsel vm8, $0x21, v20;
	v61 =	vadd.f32 $6.400000000e+01, v9;
	v43 =	vtrunc.f32 v62;
	v63 =	vld.idx.msk [tilespmem:v58+s17+$0x0], $0xffff  }
0x17d: {  	v55 =	vld [tilespmem:s18+$0x0];
	vm10 =	vgt.s32 v28, $0x21;
	v42 =	vadd.f32 $6.400000000e+01, v7;
	v24 =	vmul.f32 v30, v24  }
0x17e: {  	v27 =	vmul.f32 v27, v2;
	v19 =	vmul.f32 v19, v3;
	v28 =	vnsel vm10, $0x21, v28;
	v44 =	vld.idx.msk [tilespmem:v58+s16+$0x0], $0xffff  }
0x17f: {  	v28 =	vmin.u32 v28, $0x5D;
	v38 =	vtrunc.f32 v42;
	v39 =	vld.idx.msk [tilespmem:v26+s17+$0x0], $0xffff;
	v5 =	vadd.f32 v24, v5  }
0x180: {  	v28 =	vadd.s32 v0, v28;
	v30 =	vtrunc.f32 v61;
	v45 =	vcvt.f32.s32 v38;
	v46 =	vld.idx.msk [tilespmem:v29+s17+$0x0], $0xffff  }
0x181: {  	vm6 =	vgt.s32 v23, $0x21;
	v30 =	vcvt.f32.s32 v30;
	[tilespmem:s2+$0x90] =	vst v5;
	v5 =	vld.idx.msk [tilespmem:v58+s4+$0x0], $0xffff;
	v47 =	vmul.f32 v63, v16  }
0x182: {  	v19 =	vadd.f32 v19, v57;
	v24 =	vcvt.f32.s32 v43;
	vm13 =	vgt.s32 v45, $0x21;
	v48 =	vld [tilespmem:s6+$0xA0]  }
0x183: {  	v49 =	vld.idx.msk [tilespmem:v26+s16+$0x0], $0xffff;
	vm11 =	vgt.s32 v30, $0x21;
	v32 =	vnsel vm13, $0x21, v45;
	v33 =	vadd.f32 v47, v44  }
0x184: {  	v41 =	vld.idx.msk [tilespmem:v29+s16+$0x0], $0xffff;
	vm12 =	vgt.s32 v24, $0x21;
	v30 =	vnsel vm11, $0x21, v30;
	v32 =	vmin.u32 v32, $0x5D  }
0x185: {  	v40 =	vld.idx.msk [tilespmem:v28+s17+$0x0], $0xffff;
	v24 =	vnsel vm12, $0x21, v24;
	v30 =	vmin.u32 v30, $0x5D;
	v16 =	vmul.f32 v33, v16  }
0x186: {  	v26 =	vld.idx.msk [tilespmem:v26+s4+$0x0], $0xffff;
	v24 =	vmin.u32 v24, $0x5D;
	v30 =	vadd.s32 v0, v30;
	v39 =	vmul.f32 v39, v18  }
0x187: {  	v50 =	vld.idx.msk [tilespmem:v28+s16+$0x0], $0xffff;
	v24 =	vadd.s32 v0, v24;
	v37 =	vmul.f32 $7.750015740e+00, v48;
	v5 =	vadd.f32 v16, v5  }
0x188: {  	v16 =	vmul.f32 v21, v1;
	v21 =	vadd.f32 v27, v31;
	v27 =	vld.idx.msk [tilespmem:v29+s4+$0x0], $0xffff;
	v29 =	vmul.f32 v46, v15  }
0x189: {  	v28 =	vld.idx.msk [tilespmem:v28+s4+$0x0], $0xffff;
	v32 =	vadd.s32 v0, v32;
	v31 =	vadd.f32 $6.400000000e+01, v37;
	[tilespmem:s31+$0xC0] =	vst v5;
	v5 =	vadd.f32 v39, v49  }
0x18a: {  	v3 =	vmul.f32 v19, v3;
	v51 =	vmul.f32 v40, v25;
	v29 =	vadd.f32 v29, v41;
	v52 =	vld [tilespmem:s7+$0xD0]  }
0x18b: {  	v20 =	vmin.u32 v20, $0x5D;
	v53 =	vld.idx.msk [tilespmem:v30+s17+$0x0], $0xffff;
	v31 =	vtrunc.f32 v31;
	v5 =	vmul.f32 v5, v18  }
0x18c: {  	v54 =	vld.idx.msk [tilespmem:v24+s17+$0x0], $0xffff;
	v18 =	vadd.f32 v51, v50;
	v15 =	vmul.f32 v29, v15;
	v31 =	vcvt.f32.s32 v31  }
0x18d: {  	v16 =	vadd.f32 v16, v59;
	v2 =	vmul.f32 v21, v2;
	v21 =	vld.idx.msk [tilespmem:v30+s16+$0x0], $0xffff;
	v5 =	vadd.f32 v5, v26  }
0x18e: {  	v29 =	vld.idx.msk [tilespmem:v32+s17+$0x0], $0xffff;
	v18 =	vmul.f32 v18, v25;
	v15 =	vadd.f32 v15, v27;
	vm14 =	vgt.s32 v31, $0x21  }
0x18f: {  	v3 =	vadd.f32 v3, v17;
	v26 =	vld.idx.msk [tilespmem:v24+s16+$0x0], $0xffff;
	v25 =	vnsel vm14, $0x21, v31;
	v27 =	vmul.f32 $7.750015740e+00, v52;
	[tilespmem:s2+$0xFFFFFF10] =	vst v5  }
0x190: {  	v1 =	vmul.f32 v16, v1;
	v18 =	vadd.f32 v18, v28;
	[tilespmem:s2+$0xFFFFFF90] =	vst v15;
	v5 =	vmin.u32 v25, $0x5D;
	v19 =	vld [tilespmem:s6+$0xFFFFFF20]  }
0x191: {  	v17 =	vmul.f32 v53, v9;
	v16 =	vld [tilespmem:s6+$0xFFFFFFA0];
	v15 =	vadd.s32 v0, v5;
	v28 =	vadd.f32 $6.400000000e+01, v27  }
0x192: {  	v23 =	vnsel vm6, $0x21, v23;
	v2 =	vadd.f32 v2, v6;
	v1 =	vadd.f32 v1, v14;
	v24 =	vld.idx.msk [tilespmem:v24+s4+$0x0], $0xffff;
	[tilespmem:s2+$0x10] =	vst v18  }
0x193: {  	v14 =	vmul.f32 v54, v8;
	v17 =	vadd.f32 v17, v21;
	v18 =	vld [tilespmem:s6+$0x20];
	v6 =	vtrunc.f32 v28  }
0x194: {  	v23 =	vmin.u32 v23, $0x5D;
	v25 =	vld.idx.msk [tilespmem:v32+s16+$0x0], $0xffff;
	v5 =	vadd.s32 v0, v22;
	v22 =	vcvt.f32.s32 v6  }
0x195: {  	[tilespmem:s0+$0xFFFFFF40] =	vst v2;
	v2 =	vmul.f32 v17, v9;
	v14 =	vadd.f32 v14, v26;
	v28 =	vld.idx.msk [tilespmem:v30+s4+$0x0], $0xffff;
	v19 =	vmul.f32 $7.750015740e+00, v19  }
0x196: {  	v6 =	vadd.s32 v0, v23;
	v21 =	vmul.f32 $7.750015740e+00, v16;
	v26 =	vld.idx.msk [tilespmem:v15+s17+$0x0], $0xffff;
	vm15 =	vgt.s32 v22, $0x21  }
0x197: {  	v23 =	vmul.f32 v29, v7;
	v16 =	vld.idx.msk [tilespmem:v32+s4+$0x0], $0xffff;
	v29 =	vnsel vm15, $0x21, v22;
	v30 =	vadd.f32 $6.400000000e+01, v19  }
0x198: {  	[tilespmem:s0+$0xFFFFFFC0] =	vst v3;
	v9 =	vld.idx.msk [tilespmem:v15+s16+$0x0], $0xffff;
	v22 =	vmul.f32 $7.750015740e+00, v18;
	v3 =	vadd.f32 $6.400000000e+01, v21;
	v17 =	vmin.u32 v29, $0x5D  }
0x199: {  	v14 =	vmul.f32 v14, v8;
	v23 =	vadd.f32 v23, v25;
	v15 =	vld.idx.msk [tilespmem:v15+s4+$0x0], $0xffff;
	v17 =	vadd.s32 v0, v17  }
0x19a: {  	v18 =	vld [tilespmem:s8+$0xFFFFFF50];
	v29 =	vtrunc.f32 v30;
	v8 =	vadd.f32 $6.400000000e+01, v22;
	v3 =	vtrunc.f32 v3  }
0x19b: {  	v14 =	vadd.f32 v14, v24;
	v30 =	vld [tilespmem:s8+$0xFFFFFFD0];
	v29 =	vcvt.f32.s32 v29;
	v25 =	vmul.f32 v26, v37  }
0x19c: {  	[tilespmem:s0+$0x40] =	vst v1;
	v2 =	vadd.f32 v2, v28;
	v3 =	vcvt.f32.s32 v3;
	v1 =	vtrunc.f32 v8;
	v8 =	vld [tilespmem:s18+$0x80]  }
0x19d: {  	v7 =	vmul.f32 v23, v7;
	v26 =	vld [tilespmem:s8+$0x50];
	vm4 =	vgt.s32 v29, $0x21;
	v9 =	vadd.f32 v25, v9  }
0x19e: {  	v1 =	vcvt.f32.s32 v1;
	vm5 =	vgt.s32 v3, $0x21;
	v29 =	vnsel vm4, $0x21, v29;
	v25 =	vld.idx.msk [tilespmem:v17+s17+$0x0], $0xffff  }
0x19f: {  	v3 =	vnsel vm5, $0x21, v3;
	v28 =	vmin.u32 v29, $0x5D;
	v29 =	vld [tilespmem:s18+$0xFFFFFF80];
	v9 =	vmul.f32 v9, v37  }
0x1a0: {  	vm6 =	vgt.s32 v1, $0x21;
	v31 =	vld.idx.msk [tilespmem:v17+s16+$0x0], $0xffff;
	v3 =	vmin.u32 v3, $0x5D;
	v28 =	vadd.s32 v0, v28  }
0x1a1: {  	[tilespmem:s31+$0xFFFFFF30] =	vst v2;
	v57 =	vadd.s32 v0, v3;
	v56 =	vmul.f32 $7.750015740e+00, v8;
	v8 =	vadd.f32 v9, v15;
	v15 =	vld [tilespmem:s18+$0xFFFFFF00]  }
0x1a2: {  	v16 =	vadd.f32 v7, v16;
	v59 =	vld [tilespmem:s7+$0xFFFFFF40];
	v2 =	vmul.f32 $7.750015740e+00, v18;
	v1 =	vnsel vm6, $0x21, v1  }
0x1a3: {  	v17 =	vld.idx.msk [tilespmem:v17+s4+$0x0], $0xffff;
	v1 =	vmin.u32 v1, $0x5D;
	v3 =	vmul.f32 $7.750015740e+00, v26;
	v9 =	vadd.f32 $6.400000000e+01, v56;
	[tilespmem:s2+$0xA0] =	vst v8  }
0x1a4: {  	v8 =	vadd.s32 v0, v20;
	v23 =	vmul.f32 $7.750015740e+00, v29;
	v18 =	vmul.f32 v25, v27;
	v20 =	vld [tilespmem:s6+$0xB0]  }
0x1a5: {  	v58 =	vadd.s32 v0, v1;
	v24 =	vtrunc.f32 v9;
	v9 =	vmul.f32 $7.750015740e+00, v55;
	v25 =	vld.idx.msk [tilespmem:v28+s17+$0x0], $0xffff  }
0x1a6: {  	v29 =	vld.idx.msk [tilespmem:v57+s17+$0x0], $0xffff;
	v24 =	vcvt.f32.s32 v24;
	v18 =	vadd.f32 v18, v31;
	v26 =	vmul.f32 $7.750015740e+00, v15  }
0x1a7: {  	v1 =	vmul.f32 $7.750015740e+00, v30;
	v61 =	vld.idx.msk [tilespmem:v28+s16+$0x0], $0xffff;
	v15 =	vadd.f32 $6.400000000e+01, v23;
	v30 =	vadd.f32 $6.400000000e+01, v9  }
0x1a8: {  	v28 =	vld.idx.msk [tilespmem:v28+s4+$0x0], $0xffff;
	vm7 =	vgt.s32 v24, $0x21;
	v18 =	vmul.f32 v18, v27;
	v60 =	vadd.f32 $6.400000000e+01, v26  }
0x1a9: {  	v34 =	vld.idx.msk [tilespmem:v57+s4+$0x0], $0xffff;
	v24 =	vnsel vm7, $0x21, v24;
	v15 =	vtrunc.f32 v15;
	v30 =	vtrunc.f32 v30  }
0x1aa: {  	v31 =	vld.idx.msk [tilespmem:v58+s17+$0x0], $0xffff;
	v37 =	vmul.f32 $7.750015740e+00, v20;
	v20 =	vmin.u32 v24, $0x5D;
	v50 =	vcvt.f32.s32 v15  }
0x1ab: {  	[tilespmem:s31+$0xFFFFFFB0] =	vst v14;
	v62 =	vld.idx.msk [tilespmem:v58+s16+$0x0], $0xffff;
	v15 =	vadd.f32 v18, v17;
	v14 =	vcvt.f32.s32 v30;
	v63 =	vadd.s32 v0, v20  }
0x1ac: {  	v27 =	vld.idx.msk [tilespmem:v57+s16+$0x0], $0xffff;
	v18 =	vmul.f32 v25, v19;
	v24 =	vtrunc.f32 v60;
	v20 =	vadd.f32 $6.400000000e+01, v37  }
0x1ad: {  	[tilespmem:s31+$0x30] =	vst v16;
	v30 =	vld.idx.msk [tilespmem:v58+s4+$0x0], $0xffff;
	v29 =	vmul.f32 v29, v21;
	v24 =	vcvt.f32.s32 v24;
	vm9 =	vgt.s32 v50, $0x21  }
0x1ae: {  	v25 =	vld [tilespmem:s7+$0x40];
	vm11 =	vgt.s32 v14, $0x21;
	v41 =	vnsel vm9, $0x21, v50;
	v20 =	vtrunc.f32 v20  }
0x1af: {  	v14 =	vnsel vm11, $0x21, v14;
	vm8 =	vgt.s32 v24, $0x21;
	v17 =	vcvt.f32.s32 v20;
	v20 =	vld [tilespmem:s7+$0xFFFFFFC0]  }
0x1b0: {  	v41 =	vmin.u32 v41, $0x5D;
	v14 =	vmin.u32 v14, $0x5D;
	v16 =	vnsel vm8, $0x21, v24;
	v24 =	vld.idx.msk [tilespmem:v63+s17+$0x0], $0xffff  }
0x1b1: {  	v41 =	vadd.s32 v0, v41;
	v45 =	vadd.s32 v0, v14;
	v14 =	vld.idx.msk [tilespmem:v8+s17+$0x0], $0xffff;
	vm10 =	vgt.s32 v17, $0x21  }
0x1b2: {  	v16 =	vmin.u32 v16, $0x5D;
	v43 =	vld.idx.msk [tilespmem:v63+s16+$0x0], $0xffff;
	v17 =	vnsel vm10, $0x21, v17  }
0x1b3: {  	v27 =	vadd.f32 v29, v27;
	v29 =	vld.idx.msk [tilespmem:v63+s4+$0x0], $0xffff;
	v42 =	vadd.s32 v0, v16;
	v17 =	vmin.u32 v17, $0x5D  }
0x1b4: {  	v48 =	vadd.f32 $6.400000000e+01, v2;
	v16 =	vld.idx.msk [tilespmem:v5+s17+$0x0], $0xffff;
	v44 =	vadd.s32 v0, v17  }
0x1b5: {  	v7 =	vmul.f32 $7.750015740e+00, v59;
	v17 =	vld.idx.msk [tilespmem:v6+s17+$0x0], $0xffff;
	v24 =	vmul.f32 v24, v56  }
0x1b6: {  	v59 =	vtrunc.f32 v48;
	v31 =	vmul.f32 v31, v22;
	v36 =	vadd.f32 v18, v61;
	v55 =	vld.idx.msk [tilespmem:v41+s17+$0x0], $0xffff  }
0x1b7: {  	v51 =	vadd.f32 $6.400000000e+01, v7;
	v18 =	vmul.f32 $7.750015740e+00, v25;
	v60 =	vld.idx.msk [tilespmem:v41+s16+$0x0], $0xffff;
	v24 =	vadd.f32 v24, v43  }
0x1b8: {  	v19 =	vmul.f32 v36, v19;
	v25 =	vadd.f32 v31, v62;
	v21 =	vmul.f32 v27, v21;
	v31 =	vld.idx.msk [tilespmem:v42+s17+$0x0], $0xffff  }
0x1b9: {  	v49 =	vadd.f32 $6.400000000e+01, v1;
	v27 =	vadd.f32 $6.400000000e+01, v18;
	v54 =	vld.idx.msk [tilespmem:v44+s17+$0x0], $0xffff;
	v24 =	vmul.f32 v24, v56  }
0x1ba: {  	v22 =	vmul.f32 v25, v22;
	v25 =	vadd.f32 v19, v28;
	v21 =	vadd.f32 v21, v34;
	v47 =	vld.idx.msk [tilespmem:v45+s4+$0x0], $0xffff  }
0x1bb: {  	v27 =	vtrunc.f32 v27;
	v20 =	vmul.f32 $7.750015740e+00, v20;
	v28 =	vld.idx.msk [tilespmem:v44+s16+$0x0], $0xffff;
	v24 =	vadd.f32 v24, v29  }
0x1bc: {  	s8 =	simm.s32 $0xF780;
	v52 =	vtrunc.f32 v51;
	v22 =	vadd.f32 v22, v30;
	[tilespmem:s2+$0xFFFFFFA0] =	vst v21;
	v27 =	vcvt.f32.s32 v27;
	v57 =	vld.idx.msk [tilespmem:v42+s16+$0x0], $0xffff  }
0x1bd: {  	v21 =	vtrunc.f32 v49;
	v53 =	vadd.f32 $6.400000000e+01, v20;
	v56 =	vld.idx.msk [tilespmem:v45+s17+$0x0], $0xffff;
	v29 =	vcvt.f32.s32 v52;
	[tilespmem:s8+$0x80] =	vst v24  }
0x1be: {  	vm14 =	vgt.s32 v27, $0x21;
	v24 =	vmul.f32 v31, v26;
	v31 =	vmul.f32 v54, v37;
	v61 =	vld [tilespmem:s18+$0x90]  }
0x1bf: {  	v27 =	vnsel vm14, $0x21, v27;
	v19 =	vtrunc.f32 v53;
	v62 =	vld.idx.msk [tilespmem:v44+s4+$0x0], $0xffff;
	vm12 =	vgt.s32 v29, $0x21  }
0x1c0: {  	v42 =	vld.idx.msk [tilespmem:v42+s4+$0x0], $0xffff;
	v27 =	vmin.u32 v27, $0x5D;
	v29 =	vnsel vm12, $0x21, v29;
	v28 =	vadd.f32 v31, v28  }
0x1c1: {  	[tilespmem:s2+$0xFFFFFF20] =	vst v25;
	v30 =	vcvt.f32.s32 v19;
	v38 =	vmul.f32 v55, v23;
	v29 =	vmin.u32 v29, $0x5D;
	v31 =	vld.idx.msk [tilespmem:v45+s16+$0x0], $0xffff  }
0x1c2: {  	v24 =	vadd.f32 v24, v57;
	v25 =	vadd.s32 v0, v29;
	v29 =	vld.idx.msk [tilespmem:v41+s4+$0x0], $0xffff;
	v28 =	vmul.f32 v28, v37  }
0x1c3: {  	v49 =	vld [tilespmem:s6+$0xFFFFFFB0];
	v27 =	vadd.s32 v0, v27;
	v46 =	vadd.f32 v38, v60;
	v63 =	vmul.f32 $7.750015740e+00, v61  }
0x1c4: {  	[tilespmem:s2+$0x20] =	vst v22;
	v33 =	vmul.f32 v56, v9;
	v24 =	vmul.f32 v24, v26;
	v26 =	vld [tilespmem:s6+$0xFFFFFF30];
	v28 =	vadd.f32 v28, v62  }
0x1c5: {  	v35 =	vcvt.f32.s32 v59;
	v51 =	vld [tilespmem:s6+$0x30];
	v23 =	vmul.f32 v46, v23;
	v48 =	vadd.f32 $6.400000000e+01, v63  }
0x1c6: {  	v19 =	vld.idx.msk [tilespmem:v5+s16+$0x0], $0xffff;
	vm13 =	vgt.s32 v30, $0x21;
	v24 =	vadd.f32 v24, v42;
	v22 =	vadd.f32 v33, v31;
	[tilespmem:s2+$0xB0] =	vst v28  }
0x1c7: {  	v30 =	vnsel vm13, $0x21, v30;
	v23 =	vadd.f32 v23, v29;
	v28 =	vld [tilespmem:s6+$0xC0];
	v31 =	vtrunc.f32 v48  }
0x1c8: {  	v30 =	vmin.u32 v30, $0x5D;
	v34 =	vld.idx.msk [tilespmem:v27+s17+$0x0], $0xffff;
	[tilespmem:s8+$0xFFFFFF00] =	vst v24;
	v9 =	vmul.f32 v22, v9;
	v29 =	vcvt.f32.s32 v31  }
0x1c9: {  	v30 =	vadd.s32 v0, v30;
	v22 =	vmul.f32 $7.750015740e+00, v26;
	v26 =	vld [tilespmem:s18+$0xFFFFFF10];
	[tilespmem:s8+$0xFFFFFF80] =	vst v23  }
0x1ca: {  	vm15 =	vgt.s32 v35, $0x21;
	v52 =	vld [tilespmem:s18+$0xFFFFFF90];
	v9 =	vadd.f32 v9, v47;
	vm4 =	vgt.s32 v29, $0x21  }
0x1cb: {  	v35 =	vnsel vm15, $0x21, v35;
	v58 =	vadd.f32 $6.400000000e+01, v3;
	v60 =	vld.idx.msk [tilespmem:v27+s16+$0x0], $0xffff;
	v24 =	vnsel vm4, $0x21, v29  }
0x1cc: {  	v35 =	vmin.u32 v35, $0x5D;
	v27 =	vld.idx.msk [tilespmem:v27+s4+$0x0], $0xffff;
	[tilespmem:s8+$0x0] =	vst v9;
	v28 =	vmul.f32 $7.750015740e+00, v28;
	v54 =	vmin.u32 v24, $0x5D  }
0x1cd: {  	v50 =	vtrunc.f32 v58;
	v23 =	vmul.f32 $7.750015740e+00, v49;
	v55 =	vld [tilespmem:s18+$0x10];
	v38 =	vadd.s32 v0, v54  }
0x1ce: {  	v21 =	vcvt.f32.s32 v21;
	v59 =	vld.idx.msk [tilespmem:v30+s16+$0x0], $0xffff;
	v26 =	vmul.f32 $7.750015740e+00, v26;
	v56 =	vadd.f32 $6.400000000e+01, v28  }
0x1cf: {  	v33 =	vcvt.f32.s32 v50;
	v58 =	vld.idx.msk [tilespmem:v25+s16+$0x0], $0xffff;
	v9 =	vadd.f32 $6.400000000e+01, v23;
	v36 =	vmul.f32 $7.750015740e+00, v52  }
0x1d0: {  	v31 =	vld.idx.msk [tilespmem:v25+s17+$0x0], $0xffff;
	v24 =	vmul.f32 $7.750015740e+00, v51;
	v61 =	vadd.f32 $6.400000000e+01, v26;
	v40 =	vtrunc.f32 v56  }
0x1d1: {  	v25 =	vld.idx.msk [tilespmem:v25+s4+$0x0], $0xffff;
	v9 =	vtrunc.f32 v9;
	v46 =	vadd.f32 $6.400000000e+01, v36;
	v40 =	vcvt.f32.s32 v40  }
0x1d2: {  	v53 =	vadd.f32 $6.400000000e+01, v22;
	v45 =	vtrunc.f32 v61;
	v39 =	vmul.f32 $7.750015740e+00, v55;
	v47 =	vld.idx.msk [tilespmem:v38+s17+$0x0], $0xffff  }
0x1d3: {  	v29 =	vld.idx.msk [tilespmem:v30+s17+$0x0], $0xffff;
	v46 =	vtrunc.f32 v46;
	v45 =	vcvt.f32.s32 v45;
	vm7 =	vgt.s32 v40, $0x21  }
0x1d4: {  	v50 =	vcvt.f32.s32 v9;
	v48 =	vld.idx.msk [tilespmem:v38+s16+$0x0], $0xffff;
	v9 =	vcvt.f32.s32 v46;
	v40 =	vnsel vm7, $0x21, v40  }
0x1d5: {  	v30 =	vld.idx.msk [tilespmem:v30+s4+$0x0], $0xffff;
	v49 =	vadd.f32 $6.400000000e+01, v39;
	vm8 =	vgt.s32 v45, $0x21;
	v40 =	vmin.u32 v40, $0x5D  }
0x1d6: {  	v51 =	vld.idx.msk [tilespmem:v5+s4+$0x0], $0xffff;
	v45 =	vnsel vm8, $0x21, v45;
	vm9 =	vgt.s32 v9, $0x21;
	v40 =	vadd.s32 v0, v40  }
0x1d7: {  	v38 =	vld.idx.msk [tilespmem:v38+s4+$0x0], $0xffff;
	v62 =	vtrunc.f32 v49;
	v45 =	vmin.u32 v45, $0x5D;
	v47 =	vmul.f32 v47, v63  }
0x1d8: {  	v49 =	vld.idx.msk [tilespmem:v6+s16+$0x0], $0xffff;
	v9 =	vnsel vm9, $0x21, v9;
	v46 =	vcvt.f32.s32 v62;
	v45 =	vadd.s32 v0, v45  }
0x1d9: {  	v57 =	vadd.f32 $6.400000000e+01, v24;
	v5 =	vmin.u32 v9, $0x5D;
	v9 =	vld.idx.msk [tilespmem:v6+s4+$0x0], $0xffff;
	v47 =	vadd.f32 v47, v48  }
0x1da: {  	v31 =	vmul.f32 v31, v7;
	v52 =	vadd.s32 v0, v5;
	vm10 =	vgt.s32 v46, $0x21;
	v48 =	vld.idx.msk [tilespmem:v8+s16+$0x0], $0xffff  }
0x1db: {  	v41 =	vtrunc.f32 v57;
	v46 =	vnsel vm10, $0x21, v46;
	v5 =	vmul.f32 v47, v63;
	v63 =	vld.idx.msk [tilespmem:v40+s17+$0x0], $0xffff  }
0x1dc: {  	v37 =	vtrunc.f32 v53;
	v41 =	vcvt.f32.s32 v41;
	v6 =	vmin.u32 v46, $0x5D;
	v53 =	vld.idx.msk [tilespmem:v40+s16+$0x0], $0xffff  }
0x1dd: {  	v54 =	vadd.s32 v0, v6;
	v6 =	vmul.f32 v29, v20;
	v29 =	vadd.f32 v31, v58;
	v31 =	vld.idx.msk [tilespmem:v45+s17+$0x0], $0xffff  }
0x1de: {  	vm5 =	vgt.s32 v21, $0x21;
	v16 =	vmul.f32 v16, v11;
	vm13 =	vgt.s32 v41, $0x21;
	v56 =	vld.idx.msk [tilespmem:v40+s4+$0x0], $0xffff  }
0x1df: {  	v21 =	vnsel vm5, $0x21, v21;
	v17 =	vmul.f32 v17, v10;
	v41 =	vnsel vm13, $0x21, v41;
	v55 =	vld.idx.msk [tilespmem:v52+s17+$0x0], $0xffff  }
0x1e0: {  	v16 =	vadd.f32 v16, v19;
	v57 =	vmin.u32 v41, $0x5D;
	v61 =	vld.idx.msk [tilespmem:v52+s16+$0x0], $0xffff;
	v38 =	vadd.f32 v5, v38  }
0x1e1: {  	v34 =	vmul.f32 v34, v18;
	v37 =	vcvt.f32.s32 v37;
	v40 =	vadd.s32 v0, v57;
	v5 =	vld.idx.msk [tilespmem:v8+s4+$0x0], $0xffff  }
0x1e2: {  	vm12 =	vgt.s32 v50, $0x21;
	v7 =	vmul.f32 v29, v7;
	v29 =	vld.idx.msk [tilespmem:v45+s16+$0x0], $0xffff;
	[tilespmem:s8+$0x90] =	vst v38;
	v32 =	vmul.f32 v63, v28  }
0x1e3: {  	vm11 =	vgt.s32 v37, $0x21;
	v8 =	vnsel vm12, $0x21, v50;
	v6 =	vadd.f32 v6, v59;
	v58 =	vld [tilespmem:s18+$0xA0]  }
0x1e4: {  	v37 =	vnsel vm11, $0x21, v37;
	v8 =	vmin.u32 v8, $0x5D;
	v59 =	vld.idx.msk [tilespmem:v54+s17+$0x0], $0xffff;
	v32 =	vadd.f32 v32, v53  }
0x1e5: {  	v37 =	vmin.u32 v37, $0x5D;
	v43 =	vadd.s32 v0, v8;
	v20 =	vmul.f32 v6, v20;
	v63 =	vld.idx.msk [tilespmem:v54+s16+$0x0], $0xffff  }
0x1e6: {  	v8 =	vadd.f32 v34, v60;
	v57 =	vld.idx.msk [tilespmem:v40+s17+$0x0], $0xffff;
	v50 =	vmul.f32 v55, v36;
	v28 =	vmul.f32 v32, v28  }
0x1e7: {  	v37 =	vadd.s32 v0, v37;
	v31 =	vmul.f32 v31, v26;
	v30 =	vadd.f32 v20, v30;
	v20 =	vld.idx.msk [tilespmem:v52+s4+$0x0], $0xffff  }
0x1e8: {  	v8 =	vmul.f32 v8, v18;
	v18 =	vld.idx.msk [tilespmem:v45+s4+$0x0], $0xffff;
	v53 =	vadd.f32 v50, v61;
	v28 =	vadd.f32 v28, v56  }
0x1e9: {  	vm6 =	vgt.s32 v33, $0x21;
	v60 =	vmin.u32 v21, $0x5D;
	v52 =	vld.idx.msk [tilespmem:v54+s4+$0x0], $0xffff;
	v21 =	vmul.f32 $7.750015740e+00, v58  }
0x1ea: {  	v29 =	vadd.f32 v31, v29;
	v56 =	vmul.f32 v14, v12;
	v14 =	vmul.f32 v53, v36;
	[tilespmem:s2+$0xC0] =	vst v28  }
0x1eb: {  	v27 =	vadd.f32 v8, v27;
	v8 =	vadd.f32 $6.400000000e+01, v21;
	v28 =	vmul.f32 v59, v39;
	v31 =	vld [tilespmem:s6+$0xD0]  }
0x1ec: {  	v16 =	vmul.f32 v16, v11;
	v33 =	vnsel vm6, $0x21, v33;
	v54 =	vld.idx.msk [tilespmem:v37+s17+$0x0], $0xffff;
	v20 =	vadd.f32 v14, v20  }
0x1ed: {  	v26 =	vmul.f32 v29, v26;
	v55 =	vld.idx.msk [tilespmem:v43+s17+$0x0], $0xffff;
	v8 =	vtrunc.f32 v8;
	v28 =	vadd.f32 v28, v63  }
0x1ee: {  	v62 =	vmin.u32 v33, $0x5D;
	v17 =	vadd.f32 v17, v49;
	v58 =	vld.idx.msk [tilespmem:v43+s16+$0x0], $0xffff;
	v29 =	vcvt.f32.s32 v8;
	[tilespmem:s8+$0xFFFFFF90] =	vst v20  }
0x1ef: {  	v25 =	vadd.f32 v7, v25;
	v18 =	vadd.f32 v26, v18;
	v59 =	vld [tilespmem:s18+$0xFFFFFFA0];
	v26 =	vmul.f32 v28, v39  }
0x1f0: {  	v7 =	vadd.s32 v0, v60;
	vm14 =	vgt.s32 v29, $0x21;
	v28 =	vld.idx.msk [tilespmem:v37+s16+$0x0], $0xffff;
	v14 =	vmul.f32 $7.750015740e+00, v31  }
0x1f1: {  	v34 =	vmul.f32 v57, v24;
	[tilespmem:s8+$0xFFFFFF10] =	vst v18;
	v29 =	vnsel vm14, $0x21, v29;
	v18 =	vadd.f32 v26, v52;
	v26 =	vld.idx.msk [tilespmem:v40+s16+$0x0], $0xffff  }
0x1f2: {  	v32 =	vadd.f32 v56, v48;
	v19 =	vmin.u32 v29, $0x5D;
	v29 =	vld [tilespmem:s18+$0xFFFFFF20];
	v20 =	vadd.f32 $6.400000000e+01, v14  }
0x1f3: {  	v8 =	vadd.s32 v0, v62;
	v31 =	vadd.s32 v0, v19;
	v19 =	vmul.f32 v54, v22;
	[tilespmem:s8+$0x10] =	vst v18  }
0x1f4: {  	v63 =	vadd.f32 v16, v51;
	v18 =	vmul.f32 v55, v23;
	v60 =	vld [tilespmem:s18+$0x20];
	v11 =	vtrunc.f32 v20  }
0x1f5: {  	[tilespmem:s29+$0xD0] =	vst v4;
	v62 =	vld.idx.msk [tilespmem:v43+s4+$0x0], $0xffff;
	v28 =	vadd.f32 v19, v28;
	v20 =	vmul.f32 $7.750015740e+00, v59;
	v61 =	vcvt.f32.s32 v11  }
0x1f6: {  	v37 =	vld.idx.msk [tilespmem:v37+s4+$0x0], $0xffff;
	v18 =	vadd.f32 v18, v58;
	v11 =	vmul.f32 v17, v10;
	v10 =	vmul.f32 v32, v12  }
0x1f7: {  	[tilespmem:s0+$0xD0] =	vst v13;
	v19 =	vmul.f32 $7.750015740e+00, v29;
	v4 =	vadd.f32 v34, v26;
	v17 =	vld.idx.msk [tilespmem:v40+s4+$0x0], $0xffff;
	vm15 =	vgt.s32 v61, $0x21  }
0x1f8: {  	[tilespmem:s31+$0xFFFFFF40] =	vst v25;
	v12 =	vmul.f32 v28, v22;
	v29 =	vld.idx.msk [tilespmem:v31+s17+$0x0], $0xffff;
	v28 =	vadd.f32 $6.400000000e+01, v20;
	v13 =	vnsel vm15, $0x21, v61  }
0x1f9: {  	[tilespmem:s31+$0xFFFFFFC0] =	vst v30;
	v26 =	vld.idx.msk [tilespmem:v31+s16+$0x0], $0xffff;
	v25 =	vadd.f32 $6.400000000e+01, v19;
	v22 =	vmul.f32 $7.750015740e+00, v60;
	v13 =	vmin.u32 v13, $0x5D  }
0x1fa: {  	v30 =	vmul.f32 v18, v23;
	v18 =	vmul.f32 v4, v24;
	v4 =	vld [tilespmem:s7+$0xFFFFFFD0];
	v16 =	vadd.s32 v0, v13  }
0x1fb: {  	v6 =	vadd.s32 v0, v35;
	[tilespmem:s31+$0x40] =	vst v27;
	v23 =	vtrunc.f32 v25;
	v13 =	vld [tilespmem:s7+$0xFFFFFF50];
	v25 =	vadd.f32 $6.400000000e+01, v22  }
0x1fc: {  	[tilespmem:s31+$0xD0] =	vst v15;
	v27 =	vtrunc.f32 v28;
	v24 =	vcvt.f32.s32 v23;
	v23 =	vadd.f32 v12, v37;
	v12 =	vld [tilespmem:s7+$0x50]  }
0x1fd: {  	s10 =	simm.s32 $0x10;
	s11 =	simm.s32 $0x9980;
	[tilespmem:s29+$0xFFFFFF50] =	vst v63;
	v15 =	vadd.f32 v30, v62;
	s7 =	simm.s32 $0xF780;
	v29 =	vmul.f32 v29, v21;
	v28 =	vtrunc.f32 v25;
	v25 =	vld.idx.msk [tilespmem:v31+s4+$0x0], $0xffff  }
.LBB2_3:
0x1fe: {  	v30 =	vld [tilespmem:s11+$0x80];
	s10 =	sadd.s32 $0x4, s10;
	vm0 =	vgt.s32 v24, $0x21;
	v27 =	vcvt.f32.s32 v27;
	v28 =	vcvt.f32.s32 v28;
	[tilespmem:s2+$0xFFFFFF30] =	vst v23  }
0x1ff: {  	p1 =	slt.u32 s10, $0x5C;
	v23 =	vnsel vm0, $0x21, v24;
	v24 =	vadd.f32 v29, v26;
	[tilespmem:s2+$0xFFFFFFB0] =	vst v15;
	v15 =	vadd.f32 v18, v17;
	v17 =	vld.idx.msk [tilespmem:v16+s17+$0x0], $0xffff  }
0x200: {  	v18 =	vld [tilespmem:s11+$0xFFFFFF80];
	v23 =	vmin.u32 v23, $0x5D;
	vm0 =	vgt.s32 v27, $0x21;
	vm1 =	vgt.s32 v28, $0x21  }
0x201: {  	v26 =	vnsel vm0, $0x21, v27;
	v27 =	vnsel vm1, $0x21, v28;
	v21 =	vmul.f32 v24, v21;
	[tilespmem:s2+$0x30] =	vst v15;
	v15 =	vld.idx.msk [tilespmem:v16+s16+$0x0], $0xffff  }
0x202: {  	v23 =	vadd.s32 v0, v23;
	v24 =	vld [tilespmem:s11+$0x0];
	v26 =	vmin.u32 v26, $0x5D;
	v27 =	vmin.u32 v27, $0x5D  }
0x203: {  	v28 =	vld [tilespmem:s11+$0xFFFFFF00];
	v29 =	vmul.f32 $7.750015740e+00, v30;
	v30 =	vadd.s32 v0, v26;
	v21 =	vadd.f32 v21, v25  }
0x204: {  	v13 =	vmul.f32 $7.750015740e+00, v13;
	v4 =	vmul.f32 $7.750015740e+00, v4;
	v31 =	vadd.s32 v0, v27;
	v32 =	vld [tilespmem:s6+$0xFFFFFF40]  }
0x205: {  	v17 =	vmul.f32 v17, v14;
	v25 =	vmul.f32 $7.750015740e+00, v18;
	v18 =	vadd.f32 $6.400000000e+01, v29;
	[tilespmem:s8+$0xA0] =	vst v21;
	v16 =	vld.idx.msk [tilespmem:v16+s4+$0x0], $0xffff  }
0x206: {  	v33 =	vadd.f32 $6.400000000e+01, v13;
	v12 =	vmul.f32 $7.750015740e+00, v12;
	v26 =	vadd.f32 $6.400000000e+01, v4;
	v21 =	vld [tilespmem:s18+$0xB0]  }
0x207: {  	v17 =	vadd.f32 v17, v15;
	v24 =	vmul.f32 $7.750015740e+00, v24;
	v18 =	vtrunc.f32 v18;
	v34 =	vld.idx.msk [tilespmem:v23+s17+$0x0], $0xffff  }
0x208: {  	v27 =	vmul.f32 $7.750015740e+00, v28;
	v28 =	vadd.f32 $6.400000000e+01, v25;
	v18 =	vcvt.f32.s32 v18;
	v35 =	vld.idx.msk [tilespmem:v30+s17+$0x0], $0xffff  }
0x209: {  	v14 =	vmul.f32 v17, v14;
	v36 =	vadd.f32 $6.400000000e+01, v24;
	v37 =	vld.idx.msk [tilespmem:v31+s17+$0x0], $0xffff;
	v15 =	vmul.f32 $7.750015740e+00, v32  }
0x20a: {  	v17 =	vadd.f32 $6.400000000e+01, v27;
	v32 =	vtrunc.f32 v28;
	vm0 =	vgt.s32 v18, $0x21;
	v38 =	vld.idx.msk [tilespmem:v23+s16+$0x0], $0xffff  }
0x20b: {  	v14 =	vadd.f32 v14, v16;
	v18 =	vnsel vm0, $0x21, v18;
	v39 =	vld.idx.msk [tilespmem:v30+s16+$0x0], $0xffff;
	v28 =	vmul.f32 $7.750015740e+00, v21  }
0x20c: {  	v16 =	vtrunc.f32 v17;
	v17 =	vtrunc.f32 v36;
	v18 =	vmin.u32 v18, $0x5D;
	v36 =	vld.idx.msk [tilespmem:v31+s16+$0x0], $0xffff  }
0x20d: {  	v16 =	vcvt.f32.s32 v16;
	v40 =	vadd.s32 v0, v18;
	v41 =	vld.idx.msk [tilespmem:v23+s4+$0x0], $0xffff;
	v18 =	vadd.f32 $6.400000000e+01, v28;
	[tilespmem:s2+$0xD0] =	vst v14  }
0x20e: {  	v14 =	vcvt.f32.s32 v32;
	v17 =	vcvt.f32.s32 v17;
	v32 =	vadd.f32 $6.400000000e+01, v15;
	v30 =	vld.idx.msk [tilespmem:v30+s4+$0x0], $0xffff  }
0x20f: {  	v21 =	vmul.f32 v34, v19;
	vm0 =	vgt.s32 v16, $0x21;
	v31 =	vld.idx.msk [tilespmem:v31+s4+$0x0], $0xffff;
	v18 =	vtrunc.f32 v18  }
0x210: {  	vm1 =	vgt.s32 v14, $0x21;
	vm2 =	vgt.s32 v17, $0x21;
	v18 =	vcvt.f32.s32 v18;
	v23 =	vld [tilespmem:s6+$0xFFFFFFC0]  }
0x211: {  	v16 =	vnsel vm0, $0x21, v16;
	v14 =	vnsel vm1, $0x21, v14;
	v17 =	vnsel vm2, $0x21, v17;
	v34 =	vld [tilespmem:s6+$0x40]  }
0x212: {  	v16 =	vmin.u32 v16, $0x5D;
	v42 =	vmin.u32 v14, $0x5D;
	v43 =	vld.idx.msk [tilespmem:v40+s17+$0x0], $0xffff;
	vm0 =	vgt.s32 v18, $0x21  }
0x213: {  	v44 =	vadd.s32 v0, v16;
	v16 =	vmin.u32 v17, $0x5D;
	v17 =	vnsel vm0, $0x21, v18;
	v14 =	vld.idx.msk [tilespmem:v6+s17+$0x0], $0xffff  }
0x214: {  	v42 =	vadd.s32 v0, v42;
	v45 =	vadd.s32 v0, v16;
	v46 =	vld.idx.msk [tilespmem:v40+s16+$0x0], $0xffff;
	v16 =	vmin.u32 v17, $0x5D  }
0x215: {  	v35 =	vmul.f32 v35, v20;
	v37 =	vmul.f32 v37, v22;
	v47 =	vadd.s32 v0, v16;
	v18 =	vld.idx.msk [tilespmem:v7+s17+$0x0], $0xffff  }
0x216: {  	v38 =	vadd.f32 v21, v38;
	v23 =	vmul.f32 $7.750015740e+00, v23;
	v21 =	vmul.f32 $7.750015740e+00, v34;
	v17 =	vld.idx.msk [tilespmem:v8+s17+$0x0], $0xffff  }
0x217: {  	v32 =	vtrunc.f32 v32;
	v34 =	vadd.f32 v35, v39;
	v35 =	vadd.f32 v37, v36;
	v16 =	vld.idx.msk [tilespmem:v6+s16+$0x0], $0xffff  }
0x218: {  	v19 =	vmul.f32 v38, v19;
	v37 =	vmul.f32 v43, v29;
	v38 =	vadd.f32 $6.400000000e+01, v23;
	v36 =	vld.idx.msk [tilespmem:v40+s4+$0x0], $0xffff  }
0x219: {  	v20 =	vmul.f32 v34, v20;
	v22 =	vmul.f32 v35, v22;
	v34 =	vadd.f32 $6.400000000e+01, v21;
	v39 =	vld.idx.msk [tilespmem:v44+s17+$0x0], $0xffff  }
0x21a: {  	v19 =	vadd.f32 v19, v41;
	v35 =	vadd.f32 v37, v46;
	v38 =	vtrunc.f32 v38;
	v37 =	vld.idx.msk [tilespmem:v47+s17+$0x0], $0xffff  }
0x21b: {  	v20 =	vadd.f32 v20, v30;
	v22 =	vadd.f32 v22, v31;
	v30 =	vtrunc.f32 v34;
	v40 =	vld.idx.msk [tilespmem:v42+s17+$0x0], $0xffff  }
0x21c: {  	v31 =	vcvt.f32.s32 v32;
	v32 =	vadd.f32 $6.400000000e+01, v12;
	v29 =	vmul.f32 v35, v29;
	[tilespmem:s8+$0xFFFFFF20] =	vst v19;
	v19 =	vld.idx.msk [tilespmem:v47+s16+$0x0], $0xffff  }
0x21d: {  	v9 =	vadd.f32 v11, v9;
	v30 =	vcvt.f32.s32 v30;
	v34 =	vld.idx.msk [tilespmem:v45+s17+$0x0], $0xffff;
	[tilespmem:s8+$0xFFFFFFA0] =	vst v20;
	v20 =	vcvt.f32.s32 v38  }
0x21e: {  	vm0 =	vgt.s32 v31, $0x21;
	v29 =	vadd.f32 v29, v36;
	v11 =	vld.idx.msk [tilespmem:v44+s16+$0x0], $0xffff;
	[tilespmem:s8+$0x20] =	vst v22;
	v22 =	vtrunc.f32 v33  }
0x21f: {  	vm2 =	vgt.s32 v30, $0x21;
	v33 =	vmul.f32 v39, v27;
	s8 =	sadd.s32 $0x200, s8;
	v35 =	vld.idx.msk [tilespmem:v42+s16+$0x0], $0xffff;
	vm1 =	vgt.s32 v20, $0x21;
	[tilespmem:s29+$0xFFFFFFD0] =	vst v9  }
0x220: {  	v31 =	vnsel vm0, $0x21, v31;
	[tilespmem:s8+$0x80] =	vst v29;
	v9 =	vld.idx.msk [tilespmem:v47+s4+$0x0], $0xffff;
	v29 =	vmul.f32 v37, v28;
	v20 =	vnsel vm1, $0x21, v20  }
0x221: {  	v31 =	vmin.u32 v31, $0x5D;
	v30 =	vnsel vm2, $0x21, v30;
	v36 =	vmul.f32 v40, v25;
	v37 =	vld [tilespmem:s11+$0x90]  }
0x222: {  	v20 =	vmin.u32 v20, $0x5D;
	v38 =	vld.idx.msk [tilespmem:v45+s16+$0x0], $0xffff;
	v19 =	vadd.f32 v29, v19;
	v29 =	vmin.u32 v30, $0x5D  }
0x223: {  	v31 =	vadd.s32 v0, v31;
	v34 =	vmul.f32 v34, v24;
	v39 =	vadd.s32 v0, v20;
	v30 =	vld.idx.msk [tilespmem:v44+s4+$0x0], $0xffff  }
0x224: {  	v11 =	vadd.f32 v33, v11;
	v20 =	vld.idx.msk [tilespmem:v42+s4+$0x0], $0xffff;
	v19 =	vmul.f32 v19, v28;
	v28 =	vadd.s32 v0, v29  }
0x225: {  	v26 =	vtrunc.f32 v26;
	v32 =	vtrunc.f32 v32;
	v29 =	vadd.f32 v36, v35;
	v33 =	vld.idx.msk [tilespmem:v45+s4+$0x0], $0xffff  }
0x226: {  	v11 =	vmul.f32 v11, v27;
	v27 =	vmul.f32 $7.750015740e+00, v37;
	v35 =	vld [tilespmem:s18+$0xFFFFFF30];
	v9 =	vadd.f32 v19, v9  }
0x227: {  	v5 =	vadd.f32 v10, v5;
	v19 =	vmul.f32 v29, v25;
	v29 =	vcvt.f32.s32 v22;
	v25 =	vld [tilespmem:s18+$0xFFFFFFB0]  }
0x228: {  	v10 =	vadd.f32 v34, v38;
	v22 =	vadd.f32 $6.400000000e+01, v27;
	v34 =	vld [tilespmem:s18+$0x30];
	[tilespmem:s7+$0xB0] =	vst v9;
	v9 =	vcvt.f32.s32 v26  }
0x229: {  	v11 =	vadd.f32 v11, v30;
	vm1 =	vgt.s32 v29, $0x21;
	v26 =	vcvt.f32.s32 v32;
	v30 =	vld [tilespmem:s18+$0xC0];
	[tilespmem:s29+$0x50] =	vst v5;
	s29 =	smov.u32 s0;
	s0 =	smov.u32 s31;
	s31 =	smov.u32 s2  }
0x22a: {  	v5 =	vadd.f32 v19, v20;
	v10 =	vmul.f32 v10, v24;
	s2 =	smov.u32 s7;
	s7 =	smov.u32 s8;
	v19 =	vtrunc.f32 v22;
	v32 =	vld.idx.msk [tilespmem:v31+s17+$0x0], $0xffff  }
0x22b: {  	vm2 =	vgt.s32 v9, $0x21;
	[tilespmem:s8+$0xFFFFFF00] =	vst v11;
	v11 =	vcvt.f32.s32 v19;
	v22 =	vmul.f32 $7.750015740e+00, v35;
	v35 =	vld.idx.msk [tilespmem:v39+s17+$0x0], $0xffff  }
0x22c: {  	vm0 =	vgt.s32 v26, $0x21;
	v19 =	vld [tilespmem:s11+$0xFFFFFF10];
	[tilespmem:s8+$0xFFFFFF80] =	vst v5;
	v5 =	vadd.f32 v10, v33;
	v24 =	vmul.f32 $7.750015740e+00, v25  }
0x22d: {  	v10 =	vld [tilespmem:s11+$0xFFFFFF90];
	vm3 =	vgt.s32 v11, $0x21;
	v20 =	vadd.f32 $6.400000000e+01, v22;
	v25 =	vmul.f32 $7.750015740e+00, v34  }
0x22e: {  	[tilespmem:s8+$0x0] =	vst v5;
	v5 =	vnsel vm3, $0x21, v11;
	v11 =	vadd.f32 $6.400000000e+01, v24;
	v30 =	vmul.f32 $7.750015740e+00, v30;
	v33 =	vld.idx.msk [tilespmem:v28+s17+$0x0], $0xffff  }
0x22f: {  	v34 =	vld [tilespmem:s11+$0x10];
	v5 =	vmin.u32 v5, $0x5D;
	v20 =	vtrunc.f32 v20;
	v36 =	vadd.f32 $6.400000000e+01, v25  }
0x230: {  	v5 =	vadd.s32 v0, v5;
	v37 =	vtrunc.f32 v11;
	v38 =	vadd.f32 $6.400000000e+01, v30;
	v40 =	vld.idx.msk [tilespmem:v31+s16+$0x0], $0xffff  }
0x231: {  	v29 =	vnsel vm1, $0x21, v29;
	v11 =	vmul.f32 $7.750015740e+00, v19;
	v36 =	vtrunc.f32 v36;
	v41 =	vld.idx.msk [tilespmem:v39+s16+$0x0], $0xffff  }
0x232: {  	v42 =	vnsel vm2, $0x21, v9;
	v19 =	vmul.f32 $7.750015740e+00, v10;
	v10 =	vtrunc.f32 v38;
	v38 =	vld.idx.msk [tilespmem:v28+s16+$0x0], $0xffff  }
0x233: {  	v43 =	vcvt.f32.s32 v20;
	v9 =	vadd.f32 $6.400000000e+01, v11;
	v10 =	vcvt.f32.s32 v10;
	v31 =	vld.idx.msk [tilespmem:v31+s4+$0x0], $0xffff  }
0x234: {  	v44 =	vadd.f32 $6.400000000e+01, v19;
	v20 =	vmul.f32 $7.750015740e+00, v34;
	v34 =	vcvt.f32.s32 v37;
	v37 =	vld.idx.msk [tilespmem:v39+s4+$0x0], $0xffff  }
0x235: {  	v36 =	vcvt.f32.s32 v36;
	v9 =	vtrunc.f32 v9;
	v39 =	vld.idx.msk [tilespmem:v5+s17+$0x0], $0xffff;
	vm1 =	vgt.s32 v10, $0x21  }
0x236: {  	v44 =	vtrunc.f32 v44;
	v45 =	vadd.f32 $6.400000000e+01, v20;
	v10 =	vnsel vm1, $0x21, v10;
	v46 =	vld.idx.msk [tilespmem:v28+s4+$0x0], $0xffff  }
0x237: {  	v9 =	vcvt.f32.s32 v9;
	v44 =	vcvt.f32.s32 v44;
	v47 =	vld.idx.msk [tilespmem:v5+s16+$0x0], $0xffff;
	v10 =	vmin.u32 v10, $0x5D  }
0x238: {  	vm1 =	vgt.s32 v43, $0x21;
	v28 =	vtrunc.f32 v45;
	v45 =	vadd.s32 v0, v10;
	v48 =	vld.idx.msk [tilespmem:v7+s16+$0x0], $0xffff  }
0x239: {  	vm2 =	vgt.s32 v9, $0x21;
	vm3 =	vgt.s32 v44, $0x21;
	v49 =	vcvt.f32.s32 v28;
	v28 =	vld.idx.msk [tilespmem:v8+s16+$0x0], $0xffff  }
0x23a: {  	v9 =	vnsel vm2, $0x21, v9;
	vm2 =	vgt.s32 v34, $0x21;
	v44 =	vnsel vm3, $0x21, v44;
	v10 =	vld.idx.msk [tilespmem:v6+s4+$0x0], $0xffff  }
0x23b: {  	v6 =	vmin.u32 v9, $0x5D;
	vm3 =	vgt.s32 v49, $0x21;
	v50 =	vld.idx.msk [tilespmem:v5+s4+$0x0], $0xffff;
	v5 =	vmul.f32 v39, v27  }
0x23c: {  	v39 =	vadd.s32 v0, v6;
	v6 =	vmin.u32 v44, $0x5D;
	v44 =	vnsel vm3, $0x21, v49;
	v9 =	vld.idx.msk [tilespmem:v7+s4+$0x0], $0xffff  }
0x23d: {  	v7 =	vadd.s32 v0, v6;
	v6 =	vmin.u32 v44, $0x5D;
	v44 =	vadd.f32 v5, v47;
	v47 =	vld.idx.msk [tilespmem:v45+s17+$0x0], $0xffff  }
0x23e: {  	v49 =	vadd.s32 v0, v6;
	v6 =	vnsel vm1, $0x21, v43;
	vm1 =	vgt.s32 v36, $0x21;
	v5 =	vld.idx.msk [tilespmem:v8+s4+$0x0], $0xffff  }
0x23f: {  	v8 =	vmul.f32 v44, v27;
	v27 =	vnsel vm2, $0x21, v34;
	v34 =	vnsel vm1, $0x21, v36;
	v36 =	vld.idx.msk [tilespmem:v45+s16+$0x0], $0xffff  }
0x240: {  	v6 =	vmin.u32 v6, $0x5D;
	v27 =	vmin.u32 v27, $0x5D;
	v34 =	vmin.u32 v34, $0x5D  }
0x241: {  	v44 =	vadd.s32 v0, v6;
	v43 =	vld.idx.msk [tilespmem:v39+s17+$0x0], $0xffff;
	v8 =	vadd.f32 v8, v50;
	v27 =	vadd.s32 v0, v27  }
0x242: {  	v6 =	vmul.f32 v32, v15;
	v32 =	vmul.f32 v35, v23;
	v34 =	vadd.s32 v0, v34;
	v50 =	vld.idx.msk [tilespmem:v7+s17+$0x0], $0xffff  }
0x243: {  	v26 =	vnsel vm0, $0x21, v26;
	v33 =	vmul.f32 v33, v21;
	v35 =	vmul.f32 v47, v30;
	[tilespmem:s8+$0x90] =	vst v8;
	v8 =	vld.idx.msk [tilespmem:v45+s4+$0x0], $0xffff  }
0x244: {  	v29 =	vmin.u32 v29, $0x5D;
	v6 =	vadd.f32 v6, v40;
	v32 =	vadd.f32 v32, v41;
	v45 =	vld [tilespmem:s11+$0xA0]  }
0x245: {  	v33 =	vadd.f32 v33, v38;
	v35 =	vadd.f32 v35, v36;
	v36 =	vmin.u32 v42, $0x5D;
	v40 =	vld.idx.msk [tilespmem:v49+s17+$0x0], $0xffff  }
0x246: {  	v26 =	vmin.u32 v26, $0x5D;
	v15 =	vmul.f32 v6, v15;
	v23 =	vmul.f32 v32, v23;
	v38 =	vld.idx.msk [tilespmem:v39+s16+$0x0], $0xffff  }
0x247: {  	v6 =	vadd.s32 v0, v29;
	v32 =	vmul.f32 v43, v11;
	v30 =	vmul.f32 v35, v30;
	v41 =	vld.idx.msk [tilespmem:v7+s16+$0x0], $0xffff  }
0x248: {  	v15 =	vadd.f32 v15, v31;
	v31 =	vmul.f32 v33, v21;
	v29 =	vmul.f32 v50, v19;
	v35 =	vld.idx.msk [tilespmem:v49+s16+$0x0], $0xffff  }
0x249: {  	v23 =	vadd.f32 v23, v37;
	v8 =	vadd.f32 v30, v8;
	v33 =	vld.idx.msk [tilespmem:v39+s4+$0x0], $0xffff;
	v21 =	vmul.f32 $7.750015740e+00, v45  }
0x24a: {  	v30 =	vld.idx.msk [tilespmem:v7+s4+$0x0], $0xffff;
	[tilespmem:s31+$0xFFFFFF40] =	vst v15;
	v15 =	vadd.f32 v31, v46;
	v7 =	vadd.s32 v0, v36  }
0x24b: {  	v36 =	vmul.f32 v40, v20;
	v31 =	vld.idx.msk [tilespmem:v49+s4+$0x0], $0xffff;
	v37 =	vadd.f32 $6.400000000e+01, v21;
	[tilespmem:s2+$0xC0] =	vst v8;
	v8 =	vadd.s32 v0, v26  }
0x24c: {  	v14 =	vmul.f32 v14, v2;
	v18 =	vmul.f32 v18, v1;
	v26 =	vadd.f32 v32, v38;
	v32 =	vld [tilespmem:s18+$0xD0];
	[tilespmem:s31+$0xFFFFFFC0] =	vst v23  }
0x24d: {  	v23 =	vadd.f32 v29, v41;
	v29 =	vtrunc.f32 v37;
	v37 =	vld.idx.msk [tilespmem:v44+s17+$0x0], $0xffff;
	[tilespmem:s31+$0x40] =	vst v15;
	v15 =	vmul.f32 v17, v3  }
0x24e: {  	v11 =	vmul.f32 v26, v11;
	v17 =	vadd.f32 v36, v35;
	v26 =	vcvt.f32.s32 v29;
	v29 =	vld.idx.msk [tilespmem:v27+s17+$0x0], $0xffff  }
0x24f: {  	v16 =	vadd.f32 v14, v16;
	v18 =	vadd.f32 v18, v48;
	v19 =	vmul.f32 v23, v19;
	v23 =	vld.idx.msk [tilespmem:v34+s17+$0x0], $0xffff  }
0x250: {  	v11 =	vadd.f32 v11, v33;
	v17 =	vmul.f32 v17, v20;
	vm0 =	vgt.s32 v26, $0x21;
	v20 =	vld.idx.msk [tilespmem:v44+s16+$0x0], $0xffff  }
0x251: {  	v19 =	vadd.f32 v19, v30;
	v26 =	vnsel vm0, $0x21, v26;
	v30 =	vld.idx.msk [tilespmem:v27+s16+$0x0], $0xffff;
	v14 =	vmul.f32 $7.750015740e+00, v32  }
0x252: {  	v15 =	vadd.f32 v15, v28;
	[tilespmem:s8+$0xFFFFFF10] =	vst v11;
	v11 =	vadd.f32 v17, v31;
	v17 =	vmin.u32 v26, $0x5D;
	v26 =	vld.idx.msk [tilespmem:v34+s16+$0x0], $0xffff  }
0x253: {  	v28 =	vld [tilespmem:s11+$0xFFFFFF20];
	[tilespmem:s8+$0xFFFFFF90] =	vst v19;
	v31 =	vadd.s32 v0, v17;
	v17 =	vmul.f32 v37, v22;
	v19 =	vadd.f32 $6.400000000e+01, v14  }
0x254: {  	v16 =	vmul.f32 v16, v2;
	v2 =	vmov v13;
	v29 =	vmul.f32 v29, v24;
	v32 =	vld [tilespmem:s11+$0xFFFFFFA0];
	[tilespmem:s8+$0x10] =	vst v11  }
0x255: {  	v23 =	vmul.f32 v23, v25;
	v13 =	vld [tilespmem:s11+$0x20];
	v11 =	vtrunc.f32 v19  }
0x256: {  	v17 =	vadd.f32 v17, v20;
	v33 =	vld.idx.msk [tilespmem:v44+s4+$0x0], $0xffff;
	v35 =	vcvt.f32.s32 v11;
	v11 =	vmul.f32 v18, v1;
	v1 =	vmovc v4  }
0x257: {  	v16 =	vadd.f32 v16, v10;
	v10 =	vmul.f32 v15, v3;
	v4 =	vadd.f32 v29, v30;
	v36 =	vld.idx.msk [tilespmem:v27+s4+$0x0], $0xffff  }
0x258: {  	v3 =	vmovc v12;
	v18 =	vadd.f32 v23, v26;
	v19 =	vmul.f32 $7.750015740e+00, v28;
	v15 =	vld.idx.msk [tilespmem:v31+s17+$0x0], $0xffff;
	vm0 =	vgt.s32 v35, $0x21  }
0x259: {  	v12 =	vmul.f32 v17, v22;
	v20 =	vmul.f32 $7.750015740e+00, v32;
	v17 =	vld.idx.msk [tilespmem:v34+s4+$0x0], $0xffff;
	v23 =	vnsel vm0, $0x21, v35;
	[tilespmem:s29+$0xFFFFFF50] =	vst v16  }
.Ltmp2:
0x25a: {  	v27 =	vadd.f32 $6.400000000e+01, v19;
	v22 =	vmul.f32 $7.750015740e+00, v13;
	v26 =	vld.idx.msk [tilespmem:v31+s16+$0x0], $0xffff;
	v13 =	vmin.u32 v23, $0x5D;
	(pc) =	sbr.rel @p1 .LBB2_3-.Ltmp2, $4  }
0x25b: {  	v30 =	vmul.f32 v4, v24;
	v23 =	vadd.f32 $6.400000000e+01, v20;
	v16 =	vadd.s32 v0, v13;
	v13 =	vld [tilespmem:s6+$0xFFFFFF50]  }
0x25c: {  	v18 =	vmul.f32 v18, v25;
	v24 =	vtrunc.f32 v27;
	v28 =	vadd.f32 $6.400000000e+01, v22;
	v4 =	vld [tilespmem:s6+$0xFFFFFFD0]  }
0x25d: {  	v24 =	vcvt.f32.s32 v24;
	v27 =	vtrunc.f32 v23;
	v23 =	vadd.f32 v12, v33;
	v12 =	vld [tilespmem:s6+$0x50];
	s6 =	smov.u32 s18;
	s18 =	smov.u32 s11  }
0x25e: {  	v29 =	vmul.f32 v15, v21;
	s11 =	sadd.s32 $0x200, s11;
	v15 =	vadd.f32 v30, v36;
	v28 =	vtrunc.f32 v28;
	v25 =	vld.idx.msk [tilespmem:v31+s4+$0x0], $0xffff  }
0x25f: {  	_ = 	snop  }
0x260: {  	v26 =	vadd.f32 v29, v26;
	_ =	sdelay $0x1  }
0x261: {  	v21 =	vmul.f32 v26, v21;
	_ =	sdelay $0x1  }
0x262: {  	v21 =	vadd.f32 v21, v25;
	_ =	sdelay $0x1  }
0x263: {  	[tilespmem:s8+$0xA0] =	vst v21  }
0x264: {  	v21 =	vld [tilespmem:s18+$0xB0];
	_ =	sdelay $0x3  }
0x265: {  	v26 =	vcvt.f32.s32 v27  }
0x266: {  	vm0 =	vgt.s32 v24, $0x21;
	v21 =	vmul.f32 $7.750015740e+00, v21  }
0x267: {  	v24 =	vnsel vm0, $0x21, v24;
	vm1 =	vgt.s32 v26, $0x21  }
0x268: {  	v24 =	vmin.u32 v24, $0x5D;
	v26 =	vnsel vm1, $0x21, v26;
	v25 =	vadd.f32 $6.400000000e+01, v21  }
0x269: {  	v24 =	vadd.s32 v0, v24;
	v26 =	vmin.u32 v26, $0x5D  }
0x26a: {  	v26 =	vadd.s32 v0, v26;
	v25 =	vtrunc.f32 v25  }
0x26b: {  	v25 =	vcvt.f32.s32 v25;
	_ =	sdelay $0x1  }
0x26c: {  	vm6 =	vgt.s32 v25, $0x21  }
0x26d: {  	v27 =	vcvt.f32.s32 v28;
	v28 =	vld.idx.msk [tilespmem:v24+s17+$0x0], $0xffff;
	v25 =	vnsel vm6, $0x21, v25  }
0x26e: {  	v30 =	vld.idx.msk [tilespmem:v26+s17+$0x0], $0xffff;
	v25 =	vmin.u32 v25, $0x5D  }
0x26f: {  	v33 =	vld.idx.msk [tilespmem:v24+s16+$0x0], $0xffff;
	v25 =	vadd.s32 v0, v25  }
0x270: {  	vm7 =	vgt.s32 v27, $0x21;
	v34 =	vld.idx.msk [tilespmem:v26+s16+$0x0], $0xffff  }
0x271: {  	[tilespmem:s2+$0xFFFFFF30] =	vst v23;
	v27 =	vnsel vm7, $0x21, v27  }
0x272: {  	[tilespmem:s2+$0xFFFFFFB0] =	vst v15;
	v23 =	vmin.u32 v27, $0x5D;
	v15 =	vld.idx.msk [tilespmem:v24+s4+$0x0], $0xffff;
	v24 =	vmul.f32 v28, v19  }
0x273: {  	v23 =	vadd.s32 v0, v23;
	v26 =	vld.idx.msk [tilespmem:v26+s4+$0x0], $0xffff;
	v28 =	vmul.f32 v30, v20  }
0x274: {  	v24 =	vadd.f32 v24, v33;
	v29 =	vld.idx.msk [tilespmem:v25+s17+$0x0], $0xffff  }
0x275: {  	v28 =	vadd.f32 v28, v34  }
0x276: {  	v24 =	vmul.f32 v24, v19;
	v31 =	vld.idx.msk [tilespmem:v25+s16+$0x0], $0xffff  }
0x277: {  	v20 =	vmul.f32 v28, v20  }
0x278: {  	v32 =	vld.idx.msk [tilespmem:v23+s17+$0x0], $0xffff;
	v15 =	vadd.f32 v24, v15  }
0x279: {  	v35 =	vld.idx.msk [tilespmem:v23+s16+$0x0], $0xffff;
	v20 =	vadd.f32 v20, v26;
	v29 =	vmul.f32 v29, v21  }
0x27a: {  	[tilespmem:s8+$0xFFFFFF20] =	vst v15;
	v25 =	vld.idx.msk [tilespmem:v25+s4+$0x0], $0xffff  }
0x27b: {  	[tilespmem:s8+$0xFFFFFFA0] =	vst v20;
	v20 =	vld [tilespmem:s18+$0xFFFFFF30];
	v29 =	vadd.f32 v29, v31  }
0x27c: {  	v27 =	vld [tilespmem:s6+$0xFFFFFF40]  }
0x27d: {  	v17 =	vadd.f32 v18, v17;
	v18 =	vld [tilespmem:s6+$0xFFFFFFC0];
	v21 =	vmul.f32 v29, v21  }
0x27e: {  	v29 =	vmul.f32 v32, v22  }
0x27f: {  	v23 =	vld.idx.msk [tilespmem:v23+s4+$0x0], $0xffff;
	v21 =	vadd.f32 v21, v25  }
0x280: {  	[tilespmem:s2+$0x30] =	vst v17;
	v20 =	vmul.f32 $7.750015740e+00, v20;
	v29 =	vadd.f32 v29, v35  }
0x281: {  	v17 =	vmul.f32 $7.750015740e+00, v27;
	[tilespmem:s7+$0xB0] =	vst v21  }
0x282: {  	v19 =	vmul.f32 $7.750015740e+00, v18;
	v27 =	vadd.f32 $6.400000000e+01, v20;
	v18 =	vmul.f32 v29, v22;
	v21 =	vld [tilespmem:s18+$0xC0];
	_ =	sdelay $0x1  }
0x283: {  	v27 =	vtrunc.f32 v27;
	v23 =	vadd.f32 v18, v23  }
0x284: {  	v27 =	vcvt.f32.s32 v27;
	v22 =	vadd.f32 $6.400000000e+01, v17  }
0x285: {  	v24 =	vadd.f32 $6.400000000e+01, v19;
	[tilespmem:s8+$0x20] =	vst v23;
	v23 =	vld [tilespmem:s18+$0xFFFFFFB0]  }
0x286: {  	vm11 =	vgt.s32 v27, $0x21;
	v15 =	vtrunc.f32 v22;
	v21 =	vmul.f32 $7.750015740e+00, v21  }
0x287: {  	v27 =	vnsel vm11, $0x21, v27;
	v22 =	vtrunc.f32 v24;
	v15 =	vcvt.f32.s32 v15;
	v24 =	vld [tilespmem:s18+$0x30]  }
0x288: {  	v27 =	vmin.u32 v27, $0x5D;
	v26 =	vadd.f32 $6.400000000e+01, v21  }
0x289: {  	v27 =	vadd.s32 v0, v27;
	vm8 =	vgt.s32 v15, $0x21  }
0x28a: {  	v15 =	vnsel vm8, $0x21, v15;
	v23 =	vmul.f32 $7.750015740e+00, v23;
	v26 =	vtrunc.f32 v26  }
0x28b: {  	v22 =	vcvt.f32.s32 v22;
	v15 =	vmin.u32 v15, $0x5D;
	v26 =	vcvt.f32.s32 v26  }
0x28c: {  	v28 =	vadd.s32 v0, v15;
	v24 =	vmul.f32 $7.750015740e+00, v24;
	v15 =	vadd.f32 $6.400000000e+01, v23  }
0x28d: {  	v25 =	vld [tilespmem:s6+$0x40];
	vm9 =	vgt.s32 v22, $0x21;
	vm10 =	vgt.s32 v26, $0x21  }
0x28e: {  	v29 =	vadd.f32 $6.400000000e+01, v24;
	v15 =	vtrunc.f32 v15;
	v26 =	vnsel vm10, $0x21, v26  }
0x28f: {  	v22 =	vnsel vm9, $0x21, v22;
	v31 =	vcvt.f32.s32 v15;
	v15 =	vmin.u32 v26, $0x5D  }
0x290: {  	v30 =	vld.idx.msk [tilespmem:v16+s17+$0x0], $0xffff;
	v22 =	vmin.u32 v22, $0x5D;
	v29 =	vtrunc.f32 v29;
	v56 =	vadd.s32 v0, v15  }
0x291: {  	v37 =	vld.idx.msk [tilespmem:v27+s17+$0x0], $0xffff;
	v22 =	vadd.s32 v0, v22;
	v29 =	vcvt.f32.s32 v29;
	vm12 =	vgt.s32 v31, $0x21  }
0x292: {  	v18 =	vmul.f32 $7.750015740e+00, v25;
	v40 =	vld.idx.msk [tilespmem:v27+s16+$0x0], $0xffff;
	v31 =	vnsel vm12, $0x21, v31  }
0x293: {  	v27 =	vld.idx.msk [tilespmem:v27+s4+$0x0], $0xffff;
	vm13 =	vgt.s32 v29, $0x21;
	v31 =	vmin.u32 v31, $0x5D  }
0x294: {  	v25 =	vadd.f32 $6.400000000e+01, v18;
	v57 =	vld.idx.msk [tilespmem:v28+s17+$0x0], $0xffff;
	v29 =	vnsel vm13, $0x21, v29;
	v31 =	vadd.s32 v0, v31  }
0x295: {  	v29 =	vmin.u32 v29, $0x5D;
	v59 =	vld.idx.msk [tilespmem:v56+s17+$0x0], $0xffff  }
0x296: {  	v25 =	vtrunc.f32 v25;
	v58 =	vld.idx.msk [tilespmem:v22+s17+$0x0], $0xffff;
	v29 =	vadd.s32 v0, v29  }
0x297: {  	v25 =	vcvt.f32.s32 v25;
	v36 =	vld.idx.msk [tilespmem:v56+s16+$0x0], $0xffff  }
0x298: {  	v32 =	vld.idx.msk [tilespmem:v56+s4+$0x0], $0xffff  }
0x299: {  	vm14 =	vgt.s32 v25, $0x21;
	v38 =	vld.idx.msk [tilespmem:v31+s17+$0x0], $0xffff  }
0x29a: {  	v25 =	vnsel vm14, $0x21, v25;
	v60 =	vld.idx.msk [tilespmem:v31+s16+$0x0], $0xffff;
	v35 =	vmul.f32 v59, v21  }
0x29b: {  	v25 =	vmin.u32 v25, $0x5D;
	v39 =	vld.idx.msk [tilespmem:v29+s17+$0x0], $0xffff  }
0x29c: {  	v25 =	vadd.s32 v0, v25;
	v44 =	vld.idx.msk [tilespmem:v22+s16+$0x0], $0xffff;
	v35 =	vadd.f32 v35, v36  }
0x29d: {  	v61 =	vmul.f32 v37, v20;
	v41 =	vld.idx.msk [tilespmem:v29+s16+$0x0], $0xffff  }
0x29e: {  	v15 =	vld.idx.msk [tilespmem:v6+s17+$0x0], $0xffff;
	v62 =	vmul.f32 v38, v23;
	v21 =	vmul.f32 v35, v21  }
0x29f: {  	v13 =	vmul.f32 $7.750015740e+00, v13;
	v31 =	vld.idx.msk [tilespmem:v31+s4+$0x0], $0xffff;
	v35 =	vadd.f32 v61, v40  }
0x2a0: {  	v26 =	vld.idx.msk [tilespmem:v16+s16+$0x0], $0xffff;
	v63 =	vmul.f32 v39, v24;
	v36 =	vadd.f32 v62, v60;
	v21 =	vadd.f32 v21, v32  }
0x2a1: {  	v9 =	vadd.f32 v11, v9;
	v4 =	vmul.f32 $7.750015740e+00, v4;
	v42 =	vld.idx.msk [tilespmem:v25+s17+$0x0], $0xffff;
	v20 =	vmul.f32 v35, v20  }
0x2a2: {  	v12 =	vmul.f32 $7.750015740e+00, v12;
	v29 =	vld.idx.msk [tilespmem:v29+s4+$0x0], $0xffff;
	v23 =	vmul.f32 v36, v23;
	[tilespmem:s7+$0xC0] =	vst v21;
	v21 =	vadd.f32 v63, v41  }
0x2a3: {  	v11 =	vmul.f32 v15, v2;
	v41 =	vadd.f32 $6.400000000e+01, v13;
	v20 =	vadd.f32 v20, v27;
	v43 =	vld [tilespmem:s18+$0xD0]  }
0x2a4: {  	v40 =	vld.idx.msk [tilespmem:v28+s16+$0x0], $0xffff;
	v23 =	vadd.f32 v23, v31;
	v31 =	vmul.f32 v58, v19;
	v21 =	vmul.f32 v21, v24  }
0x2a5: {  	v5 =	vadd.f32 v10, v5;
	v24 =	vmul.f32 v30, v14;
	v27 =	vtrunc.f32 v41;
	v30 =	vld.idx.msk [tilespmem:v25+s16+$0x0], $0xffff;
	[tilespmem:s7+$0xFFFFFF30] =	vst v20  }
0x2a6: {  	v47 =	vmul.f32 v42, v18;
	v27 =	vcvt.f32.s32 v27;
	[tilespmem:s7+$0xFFFFFFB0] =	vst v23;
	v23 =	vld [tilespmem:s18+$0xFFFFFF40];
	v31 =	vadd.f32 v31, v44  }
0x2a7: {  	v22 =	vld.idx.msk [tilespmem:v22+s4+$0x0], $0xffff;
	v20 =	vadd.f32 v21, v29;
	v29 =	vmul.f32 v57, v17;
	v24 =	vadd.f32 v24, v26  }
0x2a8: {  	v28 =	vld.idx.msk [tilespmem:v28+s4+$0x0], $0xffff;
	v21 =	vadd.f32 $6.400000000e+01, v4;
	v26 =	vadd.f32 $6.400000000e+01, v12;
	v45 =	vmul.f32 $7.750015740e+00, v43  }
0x2a9: {  	v19 =	vmul.f32 v31, v19;
	[tilespmem:s7+$0x30] =	vst v20;
	v20 =	vld [tilespmem:s18+$0xFFFFFFC0];
	v29 =	vadd.f32 v29, v40;
	v14 =	vmul.f32 v24, v14  }
0x2aa: {  	v21 =	vtrunc.f32 v21;
	v46 =	vld [tilespmem:s18+$0x40];
	v30 =	vadd.f32 v47, v30;
	v35 =	vadd.f32 $6.400000000e+01, v45  }
0x2ab: {  	v25 =	vld.idx.msk [tilespmem:v25+s4+$0x0], $0xffff;
	vm15 =	vgt.s32 v27, $0x21;
	v17 =	vmul.f32 v29, v17;
	v23 =	vmul.f32 $7.750015740e+00, v23  }
0x2ac: {  	v48 =	vld.idx.msk [tilespmem:v7+s17+$0x0], $0xffff;
	v27 =	vnsel vm15, $0x21, v27;
	v18 =	vmul.f32 v30, v18;
	v31 =	vtrunc.f32 v35  }
0x2ad: {  	v49 =	vld.idx.msk [tilespmem:v6+s16+$0x0], $0xffff;
	v17 =	vadd.f32 v17, v28;
	v30 =	vadd.f32 $6.400000000e+01, v23;
	v28 =	vcvt.f32.s32 v31  }
0x2ae: {  	v50 =	vld.idx.msk [tilespmem:v7+s16+$0x0], $0xffff;
	v27 =	vmin.u32 v27, $0x5D;
	v19 =	vadd.f32 v19, v22;
	v20 =	vmul.f32 $7.750015740e+00, v20  }
0x2af: {  	v51 =	vld.idx.msk [tilespmem:v8+s16+$0x0], $0xffff;
	v31 =	vmul.f32 $7.750015740e+00, v46;
	v30 =	vtrunc.f32 v30;
	vm4 =	vgt.s32 v28, $0x21  }
0x2b0: {  	v16 =	vld.idx.msk [tilespmem:v16+s4+$0x0], $0xffff;
	[tilespmem:s2+$0xFFFFFF40] =	vst v17;
	v17 =	vadd.f32 v18, v25;
	v22 =	vadd.f32 $6.400000000e+01, v20;
	v28 =	vnsel vm4, $0x21, v28  }
0x2b1: {  	v7 =	vld.idx.msk [tilespmem:v7+s4+$0x0], $0xffff;
	v30 =	vcvt.f32.s32 v30;
	v52 =	vadd.f32 $6.400000000e+01, v31;
	v28 =	vmin.u32 v28, $0x5D  }
0x2b2: {  	v6 =	vld.idx.msk [tilespmem:v6+s4+$0x0], $0xffff;
	v25 =	vadd.s32 v0, v27;
	v22 =	vtrunc.f32 v22;
	v28 =	vadd.s32 v0, v28  }
0x2b3: {  	v29 =	vld.idx.msk [tilespmem:v8+s17+$0x0], $0xffff;
	vm5 =	vgt.s32 v30, $0x21;
	v37 =	vtrunc.f32 v52;
	v22 =	vcvt.f32.s32 v22  }
0x2b4: {  	v26 =	vtrunc.f32 v26;
	v8 =	vld.idx.msk [tilespmem:v8+s4+$0x0], $0xffff;
	v27 =	vnsel vm5, $0x21, v30;
	v18 =	vcvt.f32.s32 v37  }
0x2b5: {  	v14 =	vadd.f32 v14, v16;
	[tilespmem:s2+$0xFFFFFFC0] =	vst v19;
	v19 =	vld [tilespmem:s6+$0xFFFFFF50];
	v27 =	vmin.u32 v27, $0x5D;
	vm6 =	vgt.s32 v22, $0x21  }
0x2b6: {  	[tilespmem:s2+$0x40] =	vst v17;
	v17 =	vld [tilespmem:s6+$0xFFFFFFD0];
	v27 =	vadd.s32 v0, v27;
	vm7 =	vgt.s32 v18, $0x21;
	v22 =	vnsel vm6, $0x21, v22  }
0x2b7: {  	v16 =	vcvt.f32.s32 v21;
	v18 =	vnsel vm7, $0x21, v18;
	v22 =	vmin.u32 v22, $0x5D;
	v24 =	vld.idx.msk [tilespmem:v28+s17+$0x0], $0xffff  }
0x2b8: {  	v21 =	vcvt.f32.s32 v26;
	v10 =	vld.idx.msk [tilespmem:v25+s17+$0x0], $0xffff;
	v18 =	vmin.u32 v18, $0x5D;
	v22 =	vadd.s32 v0, v22  }
0x2b9: {  	v11 =	vadd.f32 v11, v49;
	v53 =	vld.idx.msk [tilespmem:v28+s16+$0x0], $0xffff;
	v18 =	vadd.s32 v0, v18  }
0x2ba: {  	vm8 =	vgt.s32 v16, $0x21;
	vm9 =	vgt.s32 v21, $0x21;
	v26 =	vld.idx.msk [tilespmem:v28+s4+$0x0], $0xffff  }
0x2bb: {  	v2 =	vmul.f32 v11, v2;
	[tilespmem:s2+$0xD0] =	vst v14;
	v14 =	vnsel vm8, $0x21, v16;
	v16 =	vnsel vm9, $0x21, v21;
	v15 =	vld.idx.msk [tilespmem:v27+s17+$0x0], $0xffff  }
0x2bc: {  	[tilespmem:s29+$0x50] =	vst v5;
	v5 =	vmin.u32 v16, $0x5D;
	v16 =	vmul.f32 v29, v3;
	v29 =	vld.idx.msk [tilespmem:v27+s16+$0x0], $0xffff;
	v21 =	vmul.f32 v24, v45  }
0x2bd: {  	[tilespmem:s29+$0xFFFFFFD0] =	vst v9;
	v2 =	vadd.f32 v2, v6;
	v9 =	vmin.u32 v14, $0x5D;
	v14 =	vmul.f32 v48, v1;
	v24 =	vld.idx.msk [tilespmem:v22+s17+$0x0], $0xffff  }
0x2be: {  	v28 =	vld.idx.msk [tilespmem:v18+s17+$0x0], $0xffff;
	v21 =	vadd.f32 v21, v53  }
0x2bf: {  	[tilespmem:s0+$0xFFFFFF50] =	vst v2;
	v14 =	vadd.f32 v14, v50;
	v11 =	vld.idx.msk [tilespmem:v22+s16+$0x0], $0xffff  }
0x2c0: {  	v9 =	vadd.s32 v0, v9;
	v16 =	vadd.f32 v16, v51;
	v54 =	vld.idx.msk [tilespmem:v18+s16+$0x0], $0xffff;
	v21 =	vmul.f32 v21, v45  }
0x2c1: {  	v5 =	vadd.s32 v0, v5;
	v1 =	vmul.f32 v14, v1;
	v6 =	vld.idx.msk [tilespmem:v25+s16+$0x0], $0xffff;
	v14 =	vmul.f32 v15, v23  }
0x2c2: {  	v3 =	vmul.f32 v16, v3;
	v16 =	vld.idx.msk [tilespmem:v27+s4+$0x0], $0xffff;
	v15 =	vadd.f32 v21, v26;
	v21 =	vmul.f32 v24, v20  }
0x2c3: {  	v1 =	vadd.f32 v1, v7;
	v2 =	vld.idx.msk [tilespmem:v22+s4+$0x0], $0xffff;
	v14 =	vadd.f32 v14, v29;
	v22 =	vmul.f32 v28, v31  }
0x2c4: {  	v10 =	vmul.f32 v10, v13;
	[tilespmem:s7+$0xD0] =	vst v15;
	v15 =	vld.idx.msk [tilespmem:v18+s4+$0x0], $0xffff;
	v11 =	vadd.f32 v21, v11  }
0x2c5: {  	v7 =	vld.idx.msk [tilespmem:v25+s4+$0x0], $0xffff;
	v3 =	vadd.f32 v3, v8;
	v14 =	vmul.f32 v14, v23;
	v18 =	vadd.f32 v22, v54  }
0x2c6: {  	v30 =	vld [tilespmem:s6+$0x50];
	[tilespmem:s0+$0xFFFFFFD0] =	vst v1;
	v6 =	vadd.f32 v10, v6;
	v8 =	vmul.f32 v11, v20  }
0x2c7: {  	[tilespmem:s0+$0x50] =	vst v3;
	v3 =	vld.idx.msk [tilespmem:v9+s16+$0x0], $0xffff;
	v1 =	vadd.f32 v14, v16;
	v11 =	vmul.f32 v18, v31  }
0x2c8: {  	v10 =	vld.idx.msk [tilespmem:v5+s17+$0x0], $0xffff;
	v6 =	vmul.f32 v6, v13;
	v2 =	vadd.f32 v8, v2  }
0x2c9: {  	v13 =	vmul.f32 $7.750015740e+00, v17;
	v21 =	vld.idx.msk [tilespmem:v9+s17+$0x0], $0xffff;
	[tilespmem:s7+$0xFFFFFF40] =	vst v1;
	v8 =	vmul.f32 $7.750015740e+00, v19;
	v1 =	vadd.f32 v11, v15  }
0x2ca: {  	v14 =	vld.idx.msk [tilespmem:v5+s16+$0x0], $0xffff;
	[tilespmem:s7+$0xFFFFFFC0] =	vst v2;
	v2 =	vadd.f32 v6, v7  }
0x2cb: {  	v9 =	vld.idx.msk [tilespmem:v9+s4+$0x0], $0xffff;
	v6 =	vadd.f32 $6.400000000e+01, v8;
	v7 =	vadd.f32 $6.400000000e+01, v13;
	[tilespmem:s7+$0x40] =	vst v1  }
0x2cc: {  	v5 =	vld.idx.msk [tilespmem:v5+s4+$0x0], $0xffff;
	v11 =	vmul.f32 $7.750015740e+00, v30;
	[tilespmem:s31+$0xFFFFFF50] =	vst v2  }
0x2cd: {  	v2 =	vtrunc.f32 v6;
	v6 =	vtrunc.f32 v7;
	v7 =	vld [tilespmem:s18+$0xFFFFFF50]  }
0x2ce: {  	v15 =	vld [tilespmem:s18+$0xFFFFFFD0]  }
0x2cf: {  	v1 =	vadd.f32 $6.400000000e+01, v11;
	v2 =	vcvt.f32.s32 v2;
	v6 =	vcvt.f32.s32 v6;
	v16 =	vld [tilespmem:s18+$0x50];
	_ =	sdelay $0x1  }
0x2d0: {  	v1 =	vtrunc.f32 v1;
	vm10 =	vgt.s32 v2, $0x21;
	vm11 =	vgt.s32 v6, $0x21  }
0x2d1: {  	v2 =	vnsel vm10, $0x21, v2;
	v6 =	vnsel vm11, $0x21, v6;
	v7 =	vmul.f32 $7.750015740e+00, v7  }
0x2d2: {  	v2 =	vmin.u32 v2, $0x5D;
	v6 =	vmin.u32 v6, $0x5D;
	v15 =	vmul.f32 $7.750015740e+00, v15  }
0x2d3: {  	v2 =	vadd.s32 v0, v2;
	v16 =	vmul.f32 $7.750015740e+00, v16;
	v17 =	vadd.f32 $6.400000000e+01, v7  }
0x2d4: {  	v1 =	vcvt.f32.s32 v1;
	v6 =	vadd.s32 v0, v6;
	v18 =	vadd.f32 $6.400000000e+01, v15  }
0x2d5: {  	v19 =	vadd.f32 $6.400000000e+01, v16;
	v17 =	vtrunc.f32 v17  }
0x2d6: {  	vm2 =	vgt.s32 v1, $0x21;
	v18 =	vtrunc.f32 v18;
	v17 =	vcvt.f32.s32 v17  }
0x2d7: {  	v1 =	vnsel vm2, $0x21, v1;
	v19 =	vtrunc.f32 v19;
	v18 =	vcvt.f32.s32 v18  }
0x2d8: {  	v1 =	vmin.u32 v1, $0x5D;
	v20 =	vld.idx.msk [tilespmem:v2+s17+$0x0], $0xffff;
	v19 =	vcvt.f32.s32 v19;
	vm12 =	vgt.s32 v17, $0x21  }
0x2d9: {  	v1 =	vadd.s32 v0, v1;
	v22 =	vld.idx.msk [tilespmem:v6+s17+$0x0], $0xffff;
	vm13 =	vgt.s32 v18, $0x21;
	v17 =	vnsel vm12, $0x21, v17  }
0x2da: {  	v24 =	vld.idx.msk [tilespmem:v2+s16+$0x0], $0xffff;
	vm14 =	vgt.s32 v19, $0x21;
	v18 =	vnsel vm13, $0x21, v18;
	v17 =	vmin.u32 v17, $0x5D  }
0x2db: {  	v25 =	vld.idx.msk [tilespmem:v6+s16+$0x0], $0xffff;
	v19 =	vnsel vm14, $0x21, v19;
	v18 =	vmin.u32 v18, $0x5D;
	v17 =	vadd.s32 v0, v17  }
0x2dc: {  	v2 =	vld.idx.msk [tilespmem:v2+s4+$0x0], $0xffff;
	v19 =	vmin.u32 v19, $0x5D;
	v18 =	vadd.s32 v0, v18  }
0x2dd: {  	v21 =	vmul.f32 v21, v4;
	v6 =	vld.idx.msk [tilespmem:v6+s4+$0x0], $0xffff;
	v0 =	vadd.s32 v0, v19  }
0x2de: {  	v23 =	vld.idx.msk [tilespmem:v1+s17+$0x0], $0xffff  }
0x2df: {  	v3 =	vadd.f32 v21, v3;
	v26 =	vld.idx.msk [tilespmem:v1+s16+$0x0], $0xffff  }
0x2e0: {  	v10 =	vmul.f32 v10, v12;
	v19 =	vld.idx.msk [tilespmem:v17+s17+$0x0], $0xffff  }
0x2e1: {  	v3 =	vmul.f32 v3, v4;
	v4 =	vld.idx.msk [tilespmem:v18+s17+$0x0], $0xffff  }
0x2e2: {  	v10 =	vadd.f32 v10, v14;
	v14 =	vld.idx.msk [tilespmem:v0+s17+$0x0], $0xffff  }
0x2e3: {  	v3 =	vadd.f32 v3, v9;
	v9 =	vmul.f32 v20, v8;
	v20 =	vld.idx.msk [tilespmem:v17+s16+$0x0], $0xffff  }
0x2e4: {  	v10 =	vmul.f32 v10, v12;
	v12 =	vmul.f32 v22, v13;
	v21 =	vld.idx.msk [tilespmem:v18+s16+$0x0], $0xffff  }
0x2e5: {  	[tilespmem:s31+$0xFFFFFFD0] =	vst v3;
	v3 =	vmul.f32 v23, v11;
	v9 =	vadd.f32 v9, v24;
	v22 =	vld.idx.msk [tilespmem:v0+s16+$0x0], $0xffff  }
0x2e6: {  	v5 =	vadd.f32 v10, v5;
	v1 =	vld.idx.msk [tilespmem:v1+s4+$0x0], $0xffff;
	v10 =	vadd.f32 v12, v25;
	v12 =	vmul.f32 v19, v7  }
0x2e7: {  	v3 =	vadd.f32 v3, v26;
	v8 =	vmul.f32 v9, v8;
	v9 =	vld.idx.msk [tilespmem:v17+s4+$0x0], $0xffff;
	v4 =	vmul.f32 v4, v15  }
0x2e8: {  	v10 =	vmul.f32 v10, v13;
	v13 =	vld.idx.msk [tilespmem:v18+s4+$0x0], $0xffff;
	v14 =	vmul.f32 v14, v16;
	v12 =	vadd.f32 v12, v20  }
0x2e9: {  	v3 =	vmul.f32 v3, v11;
	v0 =	vld.idx.msk [tilespmem:v0+s4+$0x0], $0xffff;
	v2 =	vadd.f32 v8, v2;
	v4 =	vadd.f32 v4, v21  }
0x2ea: {  	[tilespmem:s31+$0x50] =	vst v5;
	v5 =	vadd.f32 v10, v6;
	v6 =	vadd.f32 v14, v22;
	v7 =	vmul.f32 v12, v7  }
0x2eb: {  	v1 =	vadd.f32 v3, v1;
	[tilespmem:s2+$0xFFFFFF50] =	vst v2;
	v2 =	vmul.f32 v4, v15  }
0x2ec: {  	s29 =	smul.u32 $0x3000, s30;
	[tilespmem:s2+$0xFFFFFFD0] =	vst v5;
	v4 =	vmul.f32 v6, v16;
	v3 =	vadd.f32 v7, v9  }
0x2ed: {  	[tilespmem:s2+$0x50] =	vst v1;
	v1 =	vadd.f32 v2, v13  }
0x2ee: {  	s6 =	sadd.s32 s5, s29;
	v0 =	vadd.f32 v4, v0;
	[tilespmem:s7+$0xFFFFFF50] =	vst v3  }
0x2ef: {  	s0 =	sshrl.u32 s6, $0x3;
	[tilespmem:s7+$0xFFFFFFD0] =	vst v1  }
0x2f0: {  	p1 =	seq.s32 s28, $0x2F;
	s0 =	sadd.s32 s3, s0;
	[tilespmem:s7+$0x50] =	vst v0  }
0x2f1: {  	[hbm4b:s0+s4] =	stream.linear.scatter [tilespmem:s21], [sflag:$0x3], $0x3000, $0x38;
	[tilespmem:$0x14E80] =	vst v63  }
0x2f2: {  	s0 =	sadd.s32 @!p1 s29, s12  }
0x2f3: {  	s0 =	sshrl.u32 @!p1 s0, $0x3  }
0x2f4: {  	s6 =	simm.s32 @!p1 $0x8E80;
	s2 =	simm.s32 @!p1 $0x0;
	s0 =	sadd.s32 @!p1 s1, s0  }
0x2f5: {  	[tilespmem:s6], [sflag:$0x1] =	stream.linear.gather @!p1 [hbm4b:s0+s2], $0x3000, $0x38;
	[tilespmem:$0x14E80] =	vst v63  }
0x2f6: {  	_ =	swait.ge [sflag:s22], $0x3000  }
0x2f7: {  	[sflag:s22] =	ssyncset.done $0x0  }
0x2f8: {  	s0 =	simm.s32 @!p0 $0x4;
	[sflag:s22] =	ssyncadd.s32 $0xFFFFD000  }
0x2f9: {  	_ =	swait.ge @!p0 [sflag:s0], $0x3000  }
0x2fa: {  	[sflag:s0] =	ssyncset.done @!p0 $0x0  }
0x2fb: {  	s8 =	simm.s32 $0xBF80;
	[sflag:s0] =	ssyncadd.s32 @!p0 $0xFFFFD000  }
0x2fc: {  	v0 =	vld [tilespmem:s8+$0x80];
	_ =	sdelay $0x4  }
0x2fd: {  	v1 =	vmul.f32 $7.750015740e+00, v0;
	_ =	sdelay $0x1  }
0x2fe: {  	v0 =	vadd.f32 $6.400000000e+01, v1;
	_ =	sdelay $0x1  }
0x2ff: {  	v0 =	vtrunc.f32 v0  }
0x300: {  	s30 =	sor.u32 $0x1, s30;
	v0 =	vcvt.f32.s32 v0  }
0x301: {  	s11 =	smul.u32 $0x3F, s30  }
0x302: {  	vm15 =	vgt.s32 v0, $0x21  }
0x303: {  	s0 =	sadd.s32 $0xFFFFFFDF, s11;
	v2 =	vnsel vm15, $0x21, v0  }
0x304: {  	v0 =	vmov s0;
	v2 =	vmin.u32 v2, $0x5D  }
0x305: {  	v2 =	vadd.s32 v0, v2;
	_ =	sdelay $0x2  }
0x306: {  	v3 =	vld [tilespmem:s8+$0xFFFFFF80]  }
0x307: {  	v4 =	vld [tilespmem:s8+$0xFFFFFF00]  }
0x308: {  	v5 =	vld.idx.msk [tilespmem:v2+s17+$0x0], $0xffff  }
0x309: {  	v6 =	vld [tilespmem:s8+$0x0]  }
0x30a: {  	v7 =	vld.idx.msk [tilespmem:v2+s16+$0x0], $0xffff;
	_ =	sdelay $0x1  }
0x30b: {  	v3 =	vmul.f32 $7.750015740e+00, v3;
	v4 =	vmul.f32 $7.750015740e+00, v4  }
0x30c: {  	v5 =	vmul.f32 v5, v1  }
0x30d: {  	v8 =	vadd.f32 $6.400000000e+01, v3;
	v9 =	vadd.f32 $6.400000000e+01, v4;
	v2 =	vld.idx.msk [tilespmem:v2+s4+$0x0], $0xffff  }
0x30e: {  	v6 =	vmul.f32 $7.750015740e+00, v6;
	v5 =	vadd.f32 v5, v7  }
0x30f: {  	v7 =	vtrunc.f32 v8;
	v8 =	vtrunc.f32 v9  }
0x310: {  	v8 =	vcvt.f32.s32 v8;
	v1 =	vmul.f32 v5, v1  }
0x311: {  	v5 =	vcvt.f32.s32 v7  }
0x312: {  	v7 =	vadd.f32 $6.400000000e+01, v6;
	vm4 =	vgt.s32 v8, $0x21;
	v1 =	vadd.f32 v1, v2  }
0x313: {  	s31 =	simm.s32 $0x11F80;
	v2 =	vnsel vm4, $0x21, v8  }
0x314: {  	vm5 =	vgt.s32 v5, $0x21;
	v7 =	vtrunc.f32 v7;
	v2 =	vmin.u32 v2, $0x5D;
	[tilespmem:s31+$0x80] =	vst v1  }
0x315: {  	v5 =	vnsel vm5, $0x21, v5;
	v1 =	vcvt.f32.s32 v7;
	v2 =	vadd.s32 v0, v2;
	v7 =	vld [tilespmem:s8+$0x90]  }
0x316: {  	v5 =	vmin.u32 v5, $0x5D  }
0x317: {  	v5 =	vadd.s32 v0, v5;
	vm6 =	vgt.s32 v1, $0x21  }
0x318: {  	v1 =	vnsel vm6, $0x21, v1  }
0x319: {  	v1 =	vmin.u32 v1, $0x5D  }
0x31a: {  	v1 =	vadd.s32 v0, v1;
	v8 =	vld.idx.msk [tilespmem:v2+s17+$0x0], $0xffff;
	v7 =	vmul.f32 $7.750015740e+00, v7  }
0x31b: {  	v10 =	vld.idx.msk [tilespmem:v2+s16+$0x0], $0xffff  }
0x31c: {  	v9 =	vld.idx.msk [tilespmem:v5+s17+$0x0], $0xffff;
	v11 =	vadd.f32 $6.400000000e+01, v7;
	_ =	sdelay $0x1  }
0x31d: {  	v12 =	vld.idx.msk [tilespmem:v5+s16+$0x0], $0xffff;
	v11 =	vtrunc.f32 v11  }
0x31e: {  	v13 =	vld.idx.msk [tilespmem:v1+s17+$0x0], $0xffff;
	v8 =	vmul.f32 v8, v4;
	v11 =	vcvt.f32.s32 v11  }
0x31f: {  	v2 =	vld.idx.msk [tilespmem:v2+s4+$0x0], $0xffff  }
0x320: {  	v14 =	vld.idx.msk [tilespmem:v1+s16+$0x0], $0xffff;
	v9 =	vmul.f32 v9, v3;
	v8 =	vadd.f32 v8, v10;
	vm7 =	vgt.s32 v11, $0x21  }
0x321: {  	v5 =	vld.idx.msk [tilespmem:v5+s4+$0x0], $0xffff;
	v10 =	vnsel vm7, $0x21, v11  }
0x322: {  	v9 =	vadd.f32 v9, v12;
	v4 =	vmul.f32 v8, v4;
	v8 =	vmin.u32 v10, $0x5D  }
0x323: {  	v10 =	vmul.f32 v13, v6;
	v8 =	vadd.s32 v0, v8  }
0x324: {  	v1 =	vld.idx.msk [tilespmem:v1+s4+$0x0], $0xffff;
	v3 =	vmul.f32 v9, v3;
	v2 =	vadd.f32 v4, v2  }
0x325: {  	v4 =	vadd.f32 v10, v14  }
0x326: {  	v3 =	vadd.f32 v3, v5;
	[tilespmem:s31+$0xFFFFFF00] =	vst v2  }
0x327: {  	v2 =	vmul.f32 v4, v6;
	v4 =	vld [tilespmem:s8+$0xFFFFFF10]  }
0x328: {  	[tilespmem:s31+$0xFFFFFF80] =	vst v3;
	v3 =	vld.idx.msk [tilespmem:v8+s17+$0x0], $0xffff  }
0x329: {  	v1 =	vadd.f32 v2, v1;
	v2 =	vld [tilespmem:s8+$0xFFFFFF90]  }
0x32a: {  	v5 =	vld.idx.msk [tilespmem:v8+s16+$0x0], $0xffff  }
0x32b: {  	[tilespmem:s31+$0x0] =	vst v1  }
0x32c: {  	v1 =	vld [tilespmem:s8+$0x10]  }
0x32d: {  	v3 =	vmul.f32 v3, v7  }
0x32e: {  	v6 =	vld.idx.msk [tilespmem:v8+s4+$0x0], $0xffff;
	v4 =	vmul.f32 $7.750015740e+00, v4;
	v2 =	vmul.f32 $7.750015740e+00, v2  }
0x32f: {  	v3 =	vadd.f32 v3, v5  }
0x330: {  	v5 =	vadd.f32 $6.400000000e+01, v4;
	v8 =	vadd.f32 $6.400000000e+01, v2  }
0x331: {  	v1 =	vmul.f32 $7.750015740e+00, v1;
	v3 =	vmul.f32 v3, v7  }
0x332: {  	v5 =	vtrunc.f32 v5;
	v7 =	vtrunc.f32 v8  }
0x333: {  	v8 =	vadd.f32 $6.400000000e+01, v1;
	v5 =	vcvt.f32.s32 v5;
	v3 =	vadd.f32 v3, v6;
	_ =	sdelay $0x1  }
0x334: {  	v6 =	vcvt.f32.s32 v7;
	v7 =	vtrunc.f32 v8;
	vm8 =	vgt.s32 v5, $0x21;
	[tilespmem:s31+$0x90] =	vst v3  }
0x335: {  	v3 =	vcvt.f32.s32 v7;
	v5 =	vnsel vm8, $0x21, v5;
	v7 =	vld [tilespmem:s8+$0xA0]  }
0x336: {  	v5 =	vmin.u32 v5, $0x5D  }
0x337: {  	vm9 =	vgt.s32 v6, $0x21;
	v5 =	vadd.s32 v0, v5  }
0x338: {  	v6 =	vnsel vm9, $0x21, v6;
	vm10 =	vgt.s32 v3, $0x21  }
0x339: {  	v6 =	vmin.u32 v6, $0x5D;
	v3 =	vnsel vm10, $0x21, v3  }
0x33a: {  	v6 =	vadd.s32 v0, v6;
	v3 =	vmin.u32 v3, $0x5D;
	v7 =	vmul.f32 $7.750015740e+00, v7  }
0x33b: {  	v3 =	vadd.s32 v0, v3  }
0x33c: {  	v8 =	vld.idx.msk [tilespmem:v5+s17+$0x0], $0xffff;
	v9 =	vadd.f32 $6.400000000e+01, v7  }
0x33d: {  	v11 =	vld.idx.msk [tilespmem:v5+s16+$0x0], $0xffff  }
0x33e: {  	v5 =	vld.idx.msk [tilespmem:v5+s4+$0x0], $0xffff;
	v9 =	vtrunc.f32 v9  }
0x33f: {  	v10 =	vld.idx.msk [tilespmem:v6+s17+$0x0], $0xffff;
	v9 =	vcvt.f32.s32 v9  }
0x340: {  	v12 =	vld.idx.msk [tilespmem:v3+s17+$0x0], $0xffff  }
0x341: {  	v13 =	vld.idx.msk [tilespmem:v6+s16+$0x0], $0xffff;
	v8 =	vmul.f32 v8, v4;
	vm11 =	vgt.s32 v9, $0x21  }
0x342: {  	v14 =	vld.idx.msk [tilespmem:v3+s16+$0x0], $0xffff;
	v9 =	vnsel vm11, $0x21, v9  }
0x343: {  	v8 =	vadd.f32 v8, v11;
	v9 =	vmin.u32 v9, $0x5D  }
0x344: {  	v10 =	vmul.f32 v10, v2;
	v9 =	vadd.s32 v0, v9  }
0x345: {  	v6 =	vld.idx.msk [tilespmem:v6+s4+$0x0], $0xffff;
	v11 =	vmul.f32 v12, v1;
	v4 =	vmul.f32 v8, v4  }
0x346: {  	v3 =	vld.idx.msk [tilespmem:v3+s4+$0x0], $0xffff;
	v8 =	vadd.f32 v10, v13  }
0x347: {  	v10 =	vadd.f32 v11, v14;
	v4 =	vadd.f32 v4, v5  }
0x348: {  	v2 =	vmul.f32 v8, v2  }
0x349: {  	v1 =	vmul.f32 v10, v1;
	[tilespmem:s31+$0xFFFFFF10] =	vst v4;
	v4 =	vld.idx.msk [tilespmem:v9+s17+$0x0], $0xffff  }
0x34a: {  	v2 =	vadd.f32 v2, v6  }
0x34b: {  	s10 =	simm.s32 $0xC180;
	v1 =	vadd.f32 v1, v3;
	v3 =	vld.idx.msk [tilespmem:v9+s16+$0x0], $0xffff  }
0x34c: {  	[tilespmem:s31+$0xFFFFFF90] =	vst v2;
	v2 =	vld [tilespmem:s10+$0x80]  }
0x34d: {  	v6 =	vld [tilespmem:s8+$0xFFFFFFA0];
	[tilespmem:s31+$0x10] =	vst v1  }
0x34e: {  	v8 =	vld [tilespmem:s8+$0x20];
	v4 =	vmul.f32 v4, v7  }
0x34f: {  	v9 =	vld.idx.msk [tilespmem:v9+s4+$0x0], $0xffff  }
0x350: {  	v3 =	vadd.f32 v4, v3  }
0x351: {  	v12 =	vld [tilespmem:s10+$0xFFFFFF00];
	v4 =	vmul.f32 $7.750015740e+00, v2  }
0x352: {  	v2 =	vmul.f32 $7.750015740e+00, v6;
	v6 =	vmul.f32 v3, v7  }
0x353: {  	v11 =	vld [tilespmem:s10+$0x0];
	v3 =	vmul.f32 $7.750015740e+00, v8;
	v7 =	vadd.f32 $6.400000000e+01, v4  }
0x354: {  	v6 =	vadd.f32 v6, v9  }
0x355: {  	v9 =	vadd.f32 $6.400000000e+01, v3;
	v7 =	vtrunc.f32 v7  }
0x356: {  	v12 =	vmul.f32 $7.750015740e+00, v12;
	[tilespmem:s31+$0xA0] =	vst v6;
	v6 =	vcvt.f32.s32 v7  }
0x357: {  	v7 =	vtrunc.f32 v9;
	v9 =	vld [tilespmem:s8+$0xB0]  }
0x358: {  	v10 =	vld [tilespmem:s10+$0xFFFFFF80];
	v11 =	vmul.f32 $7.750015740e+00, v11;
	v15 =	vadd.f32 $6.400000000e+01, v12;
	vm13 =	vgt.s32 v6, $0x21  }
0x359: {  	v5 =	vld [tilespmem:s8+$0xFFFFFF20];
	v6 =	vnsel vm13, $0x21, v6  }
0x35a: {  	v14 =	vadd.f32 $6.400000000e+01, v11;
	v15 =	vtrunc.f32 v15;
	v6 =	vmin.u32 v6, $0x5D  }
0x35b: {  	v15 =	vcvt.f32.s32 v15;
	v6 =	vadd.s32 v0, v6  }
0x35c: {  	v14 =	vtrunc.f32 v14;
	v9 =	vmul.f32 $7.750015740e+00, v9  }
0x35d: {  	v10 =	vmul.f32 $7.750015740e+00, v10;
	v14 =	vcvt.f32.s32 v14;
	vm4 =	vgt.s32 v15, $0x21  }
0x35e: {  	v1 =	vmul.f32 $7.750015740e+00, v5;
	v15 =	vnsel vm4, $0x21, v15;
	v16 =	vadd.f32 $6.400000000e+01, v9  }
0x35f: {  	v13 =	vadd.f32 $6.400000000e+01, v10;
	v15 =	vmin.u32 v15, $0x5D;
	vm7 =	vgt.s32 v14, $0x21  }
0x360: {  	v15 =	vadd.s32 v0, v15;
	v14 =	vnsel vm7, $0x21, v14;
	v16 =	vtrunc.f32 v16;
	v17 =	vld.idx.msk [tilespmem:v6+s17+$0x0], $0xffff  }
0x361: {  	v13 =	vtrunc.f32 v13;
	v14 =	vmin.u32 v14, $0x5D;
	v16 =	vcvt.f32.s32 v16  }
0x362: {  	v5 =	vadd.f32 $6.400000000e+01, v1;
	v13 =	vcvt.f32.s32 v13;
	v14 =	vadd.s32 v0, v14;
	v18 =	vld.idx.msk [tilespmem:v6+s16+$0x0], $0xffff  }
0x363: {  	v8 =	vadd.f32 $6.400000000e+01, v2;
	vm6 =	vgt.s32 v16, $0x21  }
0x364: {  	v5 =	vtrunc.f32 v5;
	vm5 =	vgt.s32 v13, $0x21;
	v16 =	vnsel vm6, $0x21, v16  }
0x365: {  	v13 =	vnsel vm5, $0x21, v13;
	v24 =	vld.idx.msk [tilespmem:v15+s16+$0x0], $0xffff;
	v16 =	vmin.u32 v16, $0x5D;
	v17 =	vmul.f32 v17, v4  }
0x366: {  	v5 =	vcvt.f32.s32 v5;
	v13 =	vmin.u32 v13, $0x5D;
	v6 =	vld.idx.msk [tilespmem:v6+s4+$0x0], $0xffff;
	v16 =	vadd.s32 v0, v16  }
0x367: {  	v13 =	vadd.s32 v0, v13;
	v7 =	vcvt.f32.s32 v7;
	v23 =	vld.idx.msk [tilespmem:v14+s17+$0x0], $0xffff;
	v17 =	vadd.f32 v17, v18  }
0x368: {  	v8 =	vtrunc.f32 v8;
	vm12 =	vgt.s32 v5, $0x21;
	v26 =	vld.idx.msk [tilespmem:v14+s16+$0x0], $0xffff  }
0x369: {  	v5 =	vnsel vm12, $0x21, v5;
	vm15 =	vgt.s32 v7, $0x21;
	v14 =	vld.idx.msk [tilespmem:v14+s4+$0x0], $0xffff;
	v4 =	vmul.f32 v17, v4  }
0x36a: {  	v8 =	vcvt.f32.s32 v8;
	v5 =	vmin.u32 v5, $0x5D;
	v7 =	vnsel vm15, $0x21, v7;
	v17 =	vld.idx.msk [tilespmem:v15+s17+$0x0], $0xffff  }
0x36b: {  	v5 =	vadd.s32 v0, v5;
	v7 =	vmin.u32 v7, $0x5D;
	v21 =	vld.idx.msk [tilespmem:v16+s17+$0x0], $0xffff;
	v4 =	vadd.f32 v4, v6  }
0x36c: {  	s0 =	simm.s32 $0x12180;
	v7 =	vadd.s32 v0, v7;
	v6 =	vld.idx.msk [tilespmem:v13+s17+$0x0], $0xffff  }
0x36d: {  	vm14 =	vgt.s32 v8, $0x21;
	v22 =	vld.idx.msk [tilespmem:v16+s16+$0x0], $0xffff;
	[tilespmem:s0+$0x80] =	vst v4  }
0x36e: {  	v8 =	vnsel vm14, $0x21, v8;
	v4 =	vld [tilespmem:s10+$0x90]  }
0x36f: {  	v8 =	vmin.u32 v8, $0x5D;
	v25 =	vld.idx.msk [tilespmem:v13+s16+$0x0], $0xffff  }
0x370: {  	v8 =	vadd.s32 v0, v8;
	v19 =	vld.idx.msk [tilespmem:v5+s17+$0x0], $0xffff  }
0x371: {  	v20 =	vld.idx.msk [tilespmem:v7+s17+$0x0], $0xffff;
	v21 =	vmul.f32 v21, v9  }
0x372: {  	v16 =	vld.idx.msk [tilespmem:v16+s4+$0x0], $0xffff;
	v17 =	vmul.f32 v17, v12;
	v6 =	vmul.f32 v6, v10  }
0x373: {  	v13 =	vld.idx.msk [tilespmem:v13+s4+$0x0], $0xffff;
	v21 =	vadd.f32 v21, v22;
	v4 =	vmul.f32 $7.750015740e+00, v4  }
0x374: {  	v15 =	vld.idx.msk [tilespmem:v15+s4+$0x0], $0xffff;
	v17 =	vadd.f32 v17, v24;
	v6 =	vadd.f32 v6, v25  }
0x375: {  	v23 =	vmul.f32 v23, v11;
	v18 =	vld.idx.msk [tilespmem:v8+s17+$0x0], $0xffff;
	v9 =	vmul.f32 v21, v9;
	v21 =	vadd.f32 $6.400000000e+01, v4  }
0x376: {  	v22 =	vld.idx.msk [tilespmem:v5+s16+$0x0], $0xffff;
	v12 =	vmul.f32 v17, v12;
	v6 =	vmul.f32 v6, v10  }
0x377: {  	v17 =	vld.idx.msk [tilespmem:v8+s16+$0x0], $0xffff;
	v10 =	vadd.f32 v23, v26;
	v9 =	vadd.f32 v9, v16;
	v16 =	vtrunc.f32 v21  }
0x378: {  	v5 =	vld.idx.msk [tilespmem:v5+s4+$0x0], $0xffff;
	v6 =	vadd.f32 v6, v13;
	v16 =	vcvt.f32.s32 v16  }
0x379: {  	v10 =	vmul.f32 v10, v11;
	v21 =	vld.idx.msk [tilespmem:v7+s16+$0x0], $0xffff;
	[tilespmem:s31+$0xB0] =	vst v9;
	v9 =	vadd.f32 v12, v15  }
0x37a: {  	[tilespmem:s0+$0xFFFFFF80] =	vst v6;
	v12 =	vld [tilespmem:s8+$0xC0];
	vm8 =	vgt.s32 v16, $0x21  }
0x37b: {  	v6 =	vadd.f32 v10, v14;
	v14 =	vld [tilespmem:s10+$0xFFFFFF90];
	[tilespmem:s0+$0xFFFFFF00] =	vst v9;
	v9 =	vnsel vm8, $0x21, v16  }
0x37c: {  	v11 =	vmul.f32 v19, v1;
	v10 =	vmul.f32 v18, v2;
	v13 =	vld [tilespmem:s10+$0xFFFFFF10];
	v9 =	vmin.u32 v9, $0x5D  }
0x37d: {  	v8 =	vld.idx.msk [tilespmem:v8+s4+$0x0], $0xffff;
	v9 =	vadd.s32 v0, v9  }
0x37e: {  	v15 =	vmul.f32 v20, v3;
	v11 =	vadd.f32 v11, v22;
	[tilespmem:s0+$0x0] =	vst v6;
	v6 =	vadd.f32 v10, v17  }
0x37f: {  	v10 =	vmul.f32 $7.750015740e+00, v12;
	v12 =	vld [tilespmem:s10+$0x10]  }
0x380: {  	v7 =	vld.idx.msk [tilespmem:v7+s4+$0x0], $0xffff;
	v1 =	vmul.f32 v11, v1;
	v15 =	vadd.f32 v15, v21;
	v2 =	vmul.f32 v6, v2  }
0x381: {  	v6 =	vadd.f32 $6.400000000e+01, v10;
	v11 =	vmul.f32 $7.750015740e+00, v13;
	v13 =	vmul.f32 $7.750015740e+00, v14  }
0x382: {  	v1 =	vadd.f32 v1, v5;
	v3 =	vmul.f32 v15, v3;
	v14 =	vld.idx.msk [tilespmem:v9+s17+$0x0], $0xffff  }
0x383: {  	v5 =	vtrunc.f32 v6;
	v6 =	vadd.f32 $6.400000000e+01, v11;
	v15 =	vadd.f32 $6.400000000e+01, v13  }
0x384: {  	v2 =	vadd.f32 v2, v8;
	v5 =	vcvt.f32.s32 v5;
	v12 =	vmul.f32 $7.750015740e+00, v12  }
0x385: {  	v3 =	vadd.f32 v3, v7;
	v16 =	vld.idx.msk [tilespmem:v9+s16+$0x0], $0xffff;
	v6 =	vtrunc.f32 v6;
	v7 =	vtrunc.f32 v15  }
0x386: {  	vm9 =	vgt.s32 v5, $0x21;
	v8 =	vadd.f32 $6.400000000e+01, v12;
	v7 =	vcvt.f32.s32 v7  }
0x387: {  	v6 =	vcvt.f32.s32 v6;
	v5 =	vnsel vm9, $0x21, v5;
	v14 =	vmul.f32 v14, v4  }
0x388: {  	[tilespmem:s31+$0xFFFFFF20] =	vst v1;
	v5 =	vmin.u32 v5, $0x5D;
	v8 =	vtrunc.f32 v8;
	vm11 =	vgt.s32 v7, $0x21  }
0x389: {  	[tilespmem:s31+$0xFFFFFFA0] =	vst v2;
	v9 =	vld.idx.msk [tilespmem:v9+s4+$0x0], $0xffff;
	v1 =	vadd.s32 v0, v5;
	v8 =	vcvt.f32.s32 v8;
	v2 =	vnsel vm11, $0x21, v7  }
0x38a: {  	vm10 =	vgt.s32 v6, $0x21;
	v5 =	vadd.f32 v14, v16;
	v14 =	vld [tilespmem:s8+$0xFFFFFF30];
	v2 =	vmin.u32 v2, $0x5D  }
0x38b: {  	v6 =	vnsel vm10, $0x21, v6;
	vm12 =	vgt.s32 v8, $0x21;
	v2 =	vadd.s32 v0, v2  }
0x38c: {  	[tilespmem:s31+$0x20] =	vst v3;
	v3 =	vld [tilespmem:s8+$0xFFFFFFB0];
	v6 =	vmin.u32 v6, $0x5D;
	v4 =	vmul.f32 v5, v4;
	v7 =	vnsel vm12, $0x21, v8  }
0x38d: {  	v5 =	vadd.s32 v0, v6;
	v6 =	vld [tilespmem:s8+$0x30];
	v7 =	vmin.u32 v7, $0x5D  }
0x38e: {  	v4 =	vadd.f32 v4, v9;
	v8 =	vld.idx.msk [tilespmem:v1+s17+$0x0], $0xffff;
	v7 =	vadd.s32 v0, v7  }
0x38f: {  	v9 =	vmul.f32 $7.750015740e+00, v14;
	v14 =	vld.idx.msk [tilespmem:v1+s16+$0x0], $0xffff  }
0x390: {  	[tilespmem:s0+$0x90] =	vst v4;
	v17 =	vld.idx.msk [tilespmem:v2+s17+$0x0], $0xffff  }
0x391: {  	v4 =	vld [tilespmem:s10+$0xA0];
	v15 =	vadd.f32 $6.400000000e+01, v9  }
0x392: {  	v16 =	vld.idx.msk [tilespmem:v5+s17+$0x0], $0xffff  }
0x393: {  	v15 =	vtrunc.f32 v15;
	v8 =	vmul.f32 v8, v10;
	v18 =	vld.idx.msk [tilespmem:v7+s17+$0x0], $0xffff  }
0x394: {  	v19 =	vld.idx.msk [tilespmem:v5+s16+$0x0], $0xffff;
	v15 =	vcvt.f32.s32 v15  }
0x395: {  	v1 =	vld.idx.msk [tilespmem:v1+s4+$0x0], $0xffff;
	v8 =	vadd.f32 v8, v14  }
0x396: {  	v14 =	vld.idx.msk [tilespmem:v2+s16+$0x0], $0xffff;
	v4 =	vmul.f32 $7.750015740e+00, v4;
	vm13 =	vgt.s32 v15, $0x21  }
0x397: {  	v20 =	vld.idx.msk [tilespmem:v7+s16+$0x0], $0xffff;
	v16 =	vmul.f32 v16, v11;
	v15 =	vnsel vm13, $0x21, v15;
	v8 =	vmul.f32 v8, v10  }
0x398: {  	v5 =	vld.idx.msk [tilespmem:v5+s4+$0x0], $0xffff;
	v21 =	vadd.f32 $6.400000000e+01, v4;
	v15 =	vmin.u32 v15, $0x5D;
	v18 =	vmul.f32 v18, v12  }
0x399: {  	v16 =	vadd.f32 v16, v19;
	v10 =	vadd.s32 v0, v15;
	v15 =	vmul.f32 v17, v13  }
0x39a: {  	v2 =	vld.idx.msk [tilespmem:v2+s4+$0x0], $0xffff;
	v19 =	vmul.f32 $7.750015740e+00, v6;
	v1 =	vadd.f32 v8, v1;
	v17 =	vtrunc.f32 v21  }
0x39b: {  	v6 =	vld.idx.msk [tilespmem:v7+s4+$0x0], $0xffff;
	v8 =	vmul.f32 v16, v11;
	v17 =	vcvt.f32.s32 v17;
	v7 =	vadd.f32 v15, v14  }
0x39c: {  	v3 =	vmul.f32 $7.750015740e+00, v3;
	v11 =	vadd.f32 v18, v20  }
0x39d: {  	[tilespmem:s31+$0xC0] =	vst v1;
	v5 =	vadd.f32 v8, v5;
	vm14 =	vgt.s32 v17, $0x21;
	v1 =	vmul.f32 v7, v13  }
0x39e: {  	v14 =	vadd.f32 $6.400000000e+01, v3;
	v8 =	vmul.f32 v11, v12;
	v7 =	vnsel vm14, $0x21, v17  }
0x39f: {  	v11 =	vadd.f32 $6.400000000e+01, v19;
	v12 =	vld.idx.msk [tilespmem:v10+s17+$0x0], $0xffff;
	[tilespmem:s0+$0xFFFFFF10] =	vst v5;
	v7 =	vmin.u32 v7, $0x5D;
	v1 =	vadd.f32 v1, v2  }
0x3a0: {  	v5 =	vadd.f32 v8, v6;
	v8 =	vld [tilespmem:s10+$0xFFFFFF20];
	v2 =	vadd.s32 v0, v7;
	v7 =	vtrunc.f32 v14  }
0x3a1: {  	v14 =	vld.idx.msk [tilespmem:v10+s16+$0x0], $0xffff;
	v7 =	vcvt.f32.s32 v7;
	[tilespmem:s0+$0xFFFFFF90] =	vst v1  }
0x3a2: {  	v6 =	vtrunc.f32 v11;
	[tilespmem:s0+$0x10] =	vst v5;
	v11 =	vld [tilespmem:s10+$0xFFFFFFA0]  }
0x3a3: {  	v1 =	vcvt.f32.s32 v6;
	v5 =	vld [tilespmem:s10+$0x20];
	vm15 =	vgt.s32 v7, $0x21  }
0x3a4: {  	v13 =	vld [tilespmem:s8+$0xD0];
	v6 =	vnsel vm15, $0x21, v7  }
0x3a5: {  	s14 =	simm.s32 $0xC380;
	vm4 =	vgt.s32 v1, $0x21;
	v12 =	vmul.f32 v12, v9;
	v15 =	vld.idx.msk [tilespmem:v2+s17+$0x0], $0xffff;
	v6 =	vmin.u32 v6, $0x5D  }
0x3a6: {  	v22 =	vld [tilespmem:s14+$0xFFFFFF00];
	v1 =	vnsel vm4, $0x21, v1;
	v16 =	vadd.s32 v0, v6;
	v6 =	vmul.f32 $7.750015740e+00, v8  }
0x3a7: {  	v1 =	vmin.u32 v1, $0x5D;
	v8 =	vld.idx.msk [tilespmem:v2+s16+$0x0], $0xffff;
	v7 =	vmul.f32 $7.750015740e+00, v11  }
0x3a8: {  	v10 =	vld.idx.msk [tilespmem:v10+s4+$0x0], $0xffff;
	v12 =	vadd.f32 v12, v14;
	v5 =	vmul.f32 $7.750015740e+00, v5;
	v11 =	vadd.f32 $6.400000000e+01, v6  }
0x3a9: {  	v18 =	vld [tilespmem:s14+$0x80];
	v17 =	vadd.s32 v0, v1;
	v1 =	vmul.f32 $7.750015740e+00, v13;
	v14 =	vadd.f32 $6.400000000e+01, v7  }
0x3aa: {  	v13 =	vmul.f32 v15, v4;
	v11 =	vtrunc.f32 v11;
	v15 =	vadd.f32 $6.400000000e+01, v5  }
0x3ab: {  	v2 =	vld.idx.msk [tilespmem:v2+s4+$0x0], $0xffff;
	v9 =	vmul.f32 v12, v9;
	v11 =	vcvt.f32.s32 v11  }
0x3ac: {  	v8 =	vadd.f32 v13, v8;
	v13 =	vtrunc.f32 v14;
	v14 =	vtrunc.f32 v15  }
0x3ad: {  	v22 =	vmul.f32 $7.750015740e+00, v22;
	v9 =	vadd.f32 v9, v10;
	v10 =	vld [tilespmem:s14+$0xFFFFFF80];
	v14 =	vcvt.f32.s32 v14  }
0x3ae: {  	v20 =	vld.idx.msk [tilespmem:v16+s17+$0x0], $0xffff;
	vm5 =	vgt.s32 v11, $0x21;
	v4 =	vmul.f32 v8, v4;
	v8 =	vmul.f32 $7.750015740e+00, v18  }
0x3af: {  	v24 =	vadd.f32 $6.400000000e+01, v22;
	v12 =	vld.idx.msk [tilespmem:v17+s17+$0x0], $0xffff;
	v13 =	vcvt.f32.s32 v13;
	v11 =	vnsel vm5, $0x21, v11  }
0x3b0: {  	[tilespmem:s31+$0xFFFFFF30] =	vst v9;
	v9 =	vld [tilespmem:s14+$0x0];
	vm7 =	vgt.s32 v14, $0x21;
	v2 =	vadd.f32 v4, v2;
	v4 =	vadd.f32 $6.400000000e+01, v8  }
0x3b1: {  	v15 =	vld.idx.msk [tilespmem:v16+s16+$0x0], $0xffff;
	v11 =	vmin.u32 v11, $0x5D;
	vm6 =	vgt.s32 v13, $0x21;
	v14 =	vnsel vm7, $0x21, v14  }
0x3b2: {  	v18 =	vld.idx.msk [tilespmem:v17+s16+$0x0], $0xffff;
	v13 =	vnsel vm6, $0x21, v13;
	v14 =	vmin.u32 v14, $0x5D;
	[tilespmem:s0+$0xA0] =	vst v2;
	v2 =	vtrunc.f32 v4  }
0x3b3: {  	v4 =	vadd.s32 v0, v11;
	v11 =	vmin.u32 v13, $0x5D;
	v13 =	vld [tilespmem:s10+$0xB0];
	v2 =	vcvt.f32.s32 v2  }
0x3b4: {  	v24 =	vtrunc.f32 v24;
	v21 =	vadd.f32 $6.400000000e+01, v1;
	v14 =	vadd.s32 v0, v14  }
0x3b5: {  	v16 =	vld.idx.msk [tilespmem:v16+s4+$0x0], $0xffff;
	v20 =	vmul.f32 v20, v3;
	v12 =	vmul.f32 v12, v19;
	vm8 =	vgt.s32 v2, $0x21  }
0x3b6: {  	v21 =	vtrunc.f32 v21;
	v17 =	vld.idx.msk [tilespmem:v17+s4+$0x0], $0xffff;
	v10 =	vmul.f32 $7.750015740e+00, v10;
	v2 =	vnsel vm8, $0x21, v2  }
0x3b7: {  	v15 =	vadd.f32 v20, v15;
	v20 =	vld [tilespmem:s8+$0xFFFFFF40];
	v12 =	vadd.f32 v12, v18;
	v2 =	vmin.u32 v2, $0x5D  }
0x3b8: {  	v25 =	vmul.f32 $7.750015740e+00, v9;
	v18 =	vld.idx.msk [tilespmem:v4+s17+$0x0], $0xffff;
	v13 =	vmul.f32 $7.750015740e+00, v13;
	v2 =	vadd.s32 v0, v2  }
0x3b9: {  	v9 =	vadd.f32 $6.400000000e+01, v10;
	v3 =	vmul.f32 v15, v3;
	v12 =	vmul.f32 v12, v19;
	v15 =	vld.idx.msk [tilespmem:v14+s17+$0x0], $0xffff  }
0x3ba: {  	v24 =	vcvt.f32.s32 v24;
	v21 =	vcvt.f32.s32 v21;
	v26 =	vld.idx.msk [tilespmem:v4+s16+$0x0], $0xffff;
	v19 =	vadd.f32 $6.400000000e+01, v13  }
0x3bb: {  	v9 =	vtrunc.f32 v9;
	v11 =	vadd.s32 v0, v11;
	v12 =	vadd.f32 v12, v17;
	v17 =	vld.idx.msk [tilespmem:v14+s16+$0x0], $0xffff  }
0x3bc: {  	vm9 =	vgt.s32 v24, $0x21;
	v9 =	vcvt.f32.s32 v9;
	v30 =	vld.idx.msk [tilespmem:v4+s4+$0x0], $0xffff;
	v19 =	vtrunc.f32 v19  }
0x3bd: {  	v24 =	vnsel vm9, $0x21, v24;
	v19 =	vcvt.f32.s32 v19;
	v28 =	vld.idx.msk [tilespmem:v2+s17+$0x0], $0xffff  }
0x3be: {  	vm12 =	vgt.s32 v21, $0x21;
	v27 =	vadd.f32 $6.400000000e+01, v25;
	vm11 =	vgt.s32 v9, $0x21;
	v14 =	vld.idx.msk [tilespmem:v14+s4+$0x0], $0xffff  }
0x3bf: {  	v3 =	vadd.f32 v3, v16;
	v9 =	vnsel vm11, $0x21, v9;
	v29 =	vld.idx.msk [tilespmem:v2+s16+$0x0], $0xffff;
	vm10 =	vgt.s32 v19, $0x21  }
0x3c0: {  	v4 =	vmin.u32 v24, $0x5D;
	v9 =	vmin.u32 v9, $0x5D;
	v23 =	vld.idx.msk [tilespmem:v11+s17+$0x0], $0xffff;
	v19 =	vnsel vm10, $0x21, v19  }
0x3c1: {  	v16 =	vld.idx.msk [tilespmem:v11+s16+$0x0], $0xffff;
	v24 =	vadd.s32 v0, v4;
	[tilespmem:s31+$0xFFFFFFB0] =	vst v3;
	v9 =	vadd.s32 v0, v9;
	v4 =	vmin.u32 v19, $0x5D  }
0x3c2: {  	v27 =	vtrunc.f32 v27;
	[tilespmem:s31+$0x30] =	vst v12;
	v12 =	vld [tilespmem:s8+$0xFFFFFFC0];
	v19 =	vadd.s32 v0, v4;
	v4 =	vmul.f32 v28, v8  }
0x3c3: {  	v21 =	vnsel vm12, $0x21, v21;
	v3 =	vcvt.f32.s32 v27;
	v27 =	vld.idx.msk [tilespmem:v2+s4+$0x0], $0xffff  }
0x3c4: {  	v21 =	vmin.u32 v21, $0x5D;
	v2 =	vmul.f32 $7.750015740e+00, v20;
	v20 =	vld [tilespmem:s8+$0x40];
	v4 =	vadd.f32 v4, v29  }
0x3c5: {  	v21 =	vadd.s32 v0, v21;
	v11 =	vld.idx.msk [tilespmem:v11+s4+$0x0], $0xffff;
	vm13 =	vgt.s32 v3, $0x21;
	v18 =	vmul.f32 v18, v6  }
0x3c6: {  	v3 =	vnsel vm13, $0x21, v3;
	v15 =	vmul.f32 v15, v5;
	v31 =	vld.idx.msk [tilespmem:v9+s17+$0x0], $0xffff;
	v4 =	vmul.f32 v4, v8  }
0x3c7: {  	v3 =	vmin.u32 v3, $0x5D;
	v23 =	vmul.f32 v23, v7;
	v18 =	vadd.f32 v18, v26;
	v29 =	vld.idx.msk [tilespmem:v19+s17+$0x0], $0xffff  }
0x3c8: {  	v55 =	vadd.s32 v0, v3;
	v15 =	vadd.f32 v15, v17;
	v28 =	vld.idx.msk [tilespmem:v24+s17+$0x0], $0xffff;
	v27 =	vadd.f32 v4, v27  }
0x3c9: {  	s2 =	simm.s32 $0x12380;
	v16 =	vadd.f32 v23, v16;
	v3 =	vmul.f32 $7.750015740e+00, v20;
	v4 =	vmul.f32 $7.750015740e+00, v12;
	v12 =	vld.idx.msk [tilespmem:v19+s16+$0x0], $0xffff  }
0x3ca: {  	v17 =	vld.idx.msk [tilespmem:v24+s16+$0x0], $0xffff;
	v6 =	vmul.f32 v18, v6;
	v5 =	vmul.f32 v15, v5;
	[tilespmem:s2+$0x80] =	vst v27  }
0x3cb: {  	v7 =	vmul.f32 v16, v7;
	v16 =	vadd.f32 $6.400000000e+01, v3;
	v18 =	vadd.f32 $6.400000000e+01, v4;
	v20 =	vld [tilespmem:s14+$0x90]  }
0x3cc: {  	v23 =	vld.idx.msk [tilespmem:v9+s16+$0x0], $0xffff;
	v6 =	vadd.f32 v6, v30;
	v5 =	vadd.f32 v5, v14;
	v26 =	vmul.f32 v29, v13  }
0x3cd: {  	v8 =	vadd.f32 $6.400000000e+01, v2;
	v16 =	vtrunc.f32 v16;
	v15 =	vtrunc.f32 v18;
	v18 =	vld.idx.msk [tilespmem:v19+s4+$0x0], $0xffff  }
0x3ce: {  	v16 =	vcvt.f32.s32 v16;
	v19 =	vld.idx.msk [tilespmem:v55+s17+$0x0], $0xffff;
	v12 =	vadd.f32 v26, v12;
	v26 =	vmul.f32 v28, v22  }
0x3cf: {  	v11 =	vadd.f32 v7, v11;
	v7 =	vld.idx.msk [tilespmem:v24+s4+$0x0], $0xffff;
	v8 =	vtrunc.f32 v8;
	v27 =	vmul.f32 v31, v10  }
0x3d0: {  	v28 =	vld.idx.msk [tilespmem:v55+s16+$0x0], $0xffff;
	v12 =	vmul.f32 v12, v13;
	v13 =	vmul.f32 $7.750015740e+00, v20;
	v17 =	vadd.f32 v26, v17  }
0x3d1: {  	v8 =	vcvt.f32.s32 v8;
	vm4 =	vgt.s32 v16, $0x21;
	v23 =	vadd.f32 v27, v23;
	v20 =	vld.idx.msk [tilespmem:v9+s4+$0x0], $0xffff  }
0x3d2: {  	v12 =	vadd.f32 v12, v18;
	v18 =	vadd.f32 $6.400000000e+01, v13;
	v17 =	vmul.f32 v17, v22  }
0x3d3: {  	vm14 =	vgt.s32 v8, $0x21;
	v15 =	vcvt.f32.s32 v15;
	v9 =	vld.idx.msk [tilespmem:v21+s17+$0x0], $0xffff;
	v14 =	vmul.f32 v19, v25  }
0x3d4: {  	v19 =	vld.idx.msk [tilespmem:v55+s4+$0x0], $0xffff;
	v22 =	vmul.f32 v23, v10;
	[tilespmem:s0+$0xB0] =	vst v12;
	v10 =	vtrunc.f32 v18;
	v7 =	vadd.f32 v17, v7  }
0x3d5: {  	[tilespmem:s0+$0xFFFFFF20] =	vst v6;
	vm15 =	vgt.s32 v15, $0x21;
	v12 =	vadd.f32 v14, v28;
	v14 =	vld [tilespmem:s10+$0xC0];
	v17 =	vcvt.f32.s32 v10  }
0x3d6: {  	v8 =	vnsel vm14, $0x21, v8;
	v15 =	vnsel vm15, $0x21, v15;
	v18 =	vld [tilespmem:s10+$0xFFFFFF30];
	v6 =	vadd.f32 v22, v20;
	[tilespmem:s2+$0xFFFFFF00] =	vst v7  }
0x3d7: {  	[tilespmem:s0+$0xFFFFFFA0] =	vst v11;
	v11 =	vmin.u32 v15, $0x5D;
	v12 =	vmul.f32 v12, v25;
	vm5 =	vgt.s32 v17, $0x21;
	v20 =	vld [tilespmem:s14+$0xFFFFFF10]  }
0x3d8: {  	v15 =	vnsel vm4, $0x21, v16;
	v16 =	vld [tilespmem:s10+$0xFFFFFFB0];
	v11 =	vadd.s32 v0, v11;
	[tilespmem:s2+$0xFFFFFF80] =	vst v6;
	v6 =	vnsel vm5, $0x21, v17  }
0x3d9: {  	v7 =	vmin.u32 v8, $0x5D;
	v8 =	vadd.f32 v12, v19;
	v12 =	vld [tilespmem:s14+$0xFFFFFF90];
	v6 =	vmin.u32 v6, $0x5D  }
0x3da: {  	[tilespmem:s0+$0x20] =	vst v5;
	v10 =	vld.idx.msk [tilespmem:v21+s16+$0x0], $0xffff;
	v14 =	vmul.f32 $7.750015740e+00, v14;
	v6 =	vadd.s32 v0, v6  }
0x3db: {  	v5 =	vmin.u32 v15, $0x5D;
	v22 =	vld [tilespmem:s10+$0x30];
	v17 =	vadd.s32 v0, v7  }
0x3dc: {  	v7 =	vld.idx.msk [tilespmem:v21+s4+$0x0], $0xffff;
	[tilespmem:s2+$0x0] =	vst v8;
	v8 =	vmul.f32 $7.750015740e+00, v18;
	v19 =	vadd.f32 $6.400000000e+01, v14;
	v18 =	vmul.f32 $7.750015740e+00, v20  }
0x3dd: {  	v21 =	vadd.s32 v0, v5;
	v15 =	vld [tilespmem:s14+$0x10]  }
0x3de: {  	v25 =	vld.idx.msk [tilespmem:v11+s17+$0x0], $0xffff;
	v12 =	vmul.f32 $7.750015740e+00, v12;
	v5 =	vtrunc.f32 v19;
	v19 =	vadd.f32 $6.400000000e+01, v18  }
0x3df: {  	v23 =	vcvt.f32.s32 v5;
	v24 =	vld.idx.msk [tilespmem:v6+s17+$0x0], $0xffff  }
0x3e0: {  	v26 =	vadd.f32 $6.400000000e+01, v12;
	v27 =	vld.idx.msk [tilespmem:v6+s16+$0x0], $0xffff;
	v19 =	vtrunc.f32 v19  }
0x3e1: {  	v56 =	vld.idx.msk [tilespmem:v6+s4+$0x0], $0xffff;
	v6 =	vmul.f32 $7.750015740e+00, v22;
	vm6 =	vgt.s32 v23, $0x21;
	v19 =	vcvt.f32.s32 v19  }
0x3e2: {  	v31 =	vld.idx.msk [tilespmem:v11+s16+$0x0], $0xffff;
	v15 =	vmul.f32 $7.750015740e+00, v15;
	v26 =	vtrunc.f32 v26;
	v23 =	vnsel vm6, $0x21, v23  }
0x3e3: {  	v11 =	vld.idx.msk [tilespmem:v11+s4+$0x0], $0xffff;
	v26 =	vcvt.f32.s32 v26;
	v23 =	vmin.u32 v23, $0x5D;
	vm7 =	vgt.s32 v19, $0x21  }
0x3e4: {  	v20 =	vld.idx.msk [tilespmem:v17+s17+$0x0], $0xffff;
	v30 =	vadd.f32 $6.400000000e+01, v15;
	v23 =	vadd.s32 v0, v23;
	v19 =	vnsel vm7, $0x21, v19  }
0x3e5: {  	v28 =	vld.idx.msk [tilespmem:v21+s17+$0x0], $0xffff;
	v24 =	vmul.f32 v24, v13;
	vm8 =	vgt.s32 v26, $0x21;
	v19 =	vmin.u32 v19, $0x5D  }
0x3e6: {  	v29 =	vld.idx.msk [tilespmem:v17+s16+$0x0], $0xffff;
	v30 =	vtrunc.f32 v30;
	v22 =	vnsel vm8, $0x21, v26;
	v19 =	vadd.s32 v0, v19  }
0x3e7: {  	v57 =	vld.idx.msk [tilespmem:v21+s16+$0x0], $0xffff;
	v30 =	vcvt.f32.s32 v30;
	v24 =	vadd.f32 v24, v27;
	v22 =	vmin.u32 v22, $0x5D  }
0x3e8: {  	v9 =	vmul.f32 v9, v1;
	v17 =	vld.idx.msk [tilespmem:v17+s4+$0x0], $0xffff;
	v5 =	vmul.f32 $7.750015740e+00, v16;
	v22 =	vadd.s32 v0, v22  }
0x3e9: {  	v16 =	vadd.f32 $6.400000000e+01, v8;
	vm9 =	vgt.s32 v30, $0x21;
	v13 =	vmul.f32 v24, v13;
	v27 =	vld.idx.msk [tilespmem:v23+s17+$0x0], $0xffff  }
0x3ea: {  	v24 =	vadd.f32 $6.400000000e+01, v5;
	v26 =	vnsel vm9, $0x21, v30;
	v30 =	vadd.f32 $6.400000000e+01, v6;
	v58 =	vld.idx.msk [tilespmem:v23+s16+$0x0], $0xffff  }
0x3eb: {  	v16 =	vtrunc.f32 v16;
	v13 =	vadd.f32 v13, v56;
	v59 =	vld.idx.msk [tilespmem:v19+s17+$0x0], $0xffff  }
0x3ec: {  	v9 =	vadd.f32 v9, v10;
	v24 =	vtrunc.f32 v24;
	v30 =	vtrunc.f32 v30;
	v62 =	vld.idx.msk [tilespmem:v19+s16+$0x0], $0xffff  }
0x3ed: {  	v26 =	vmin.u32 v26, $0x5D;
	v30 =	vcvt.f32.s32 v30;
	[tilespmem:s2+$0x90] =	vst v13;
	v13 =	vcvt.f32.s32 v16;
	v60 =	vld.idx.msk [tilespmem:v22+s17+$0x0], $0xffff  }
0x3ee: {  	v10 =	vmul.f32 v20, v2;
	v26 =	vadd.s32 v0, v26;
	v16 =	vcvt.f32.s32 v24;
	v24 =	vld [tilespmem:s14+$0xA0]  }
0x3ef: {  	v63 =	vld.idx.msk [tilespmem:v22+s16+$0x0], $0xffff;
	vm12 =	vgt.s32 v30, $0x21;
	v27 =	vmul.f32 v27, v14;
	vm10 =	vgt.s32 v13, $0x21  }
0x3f0: {  	v23 =	vld.idx.msk [tilespmem:v23+s4+$0x0], $0xffff;
	vm11 =	vgt.s32 v16, $0x21;
	v30 =	vnsel vm12, $0x21, v30;
	v13 =	vnsel vm10, $0x21, v13  }
0x3f1: {  	v21 =	vld.idx.msk [tilespmem:v21+s4+$0x0], $0xffff;
	v16 =	vnsel vm11, $0x21, v16;
	v27 =	vadd.f32 v27, v58;
	v13 =	vmin.u32 v13, $0x5D  }
0x3f2: {  	v19 =	vld.idx.msk [tilespmem:v19+s4+$0x0], $0xffff;
	v34 =	vmul.f32 v59, v18;
	v13 =	vadd.s32 v0, v13;
	v35 =	vmul.f32 v60, v12  }
0x3f3: {  	v61 =	vld.idx.msk [tilespmem:v26+s17+$0x0], $0xffff;
	v16 =	vmin.u32 v16, $0x5D;
	v14 =	vmul.f32 v27, v14;
	v24 =	vmul.f32 $7.750015740e+00, v24  }
0x3f4: {  	v22 =	vld.idx.msk [tilespmem:v22+s4+$0x0], $0xffff;
	v16 =	vadd.s32 v0, v16;
	v32 =	vadd.f32 v34, v62;
	v20 =	vadd.f32 v35, v63  }
0x3f5: {  	v27 =	vmin.u32 v30, $0x5D;
	v30 =	vld.idx.msk [tilespmem:v26+s16+$0x0], $0xffff;
	v14 =	vadd.f32 v14, v23;
	v23 =	vadd.f32 $6.400000000e+01, v24  }
0x3f6: {  	v26 =	vld.idx.msk [tilespmem:v26+s4+$0x0], $0xffff;
	v18 =	vmul.f32 v32, v18  }
0x3f7: {  	v27 =	vadd.s32 v0, v27;
	v12 =	vmul.f32 v20, v12;
	[tilespmem:s0+$0xC0] =	vst v14;
	v14 =	vtrunc.f32 v23;
	v40 =	vld.idx.msk [tilespmem:v13+s17+$0x0], $0xffff  }
0x3f8: {  	v23 =	vmul.f32 v61, v15;
	v39 =	vld [tilespmem:s10+$0xD0];
	v14 =	vcvt.f32.s32 v14  }
0x3f9: {  	v25 =	vmul.f32 v25, v4;
	v9 =	vmul.f32 v9, v1;
	v18 =	vadd.f32 v18, v19;
	v19 =	vld.idx.msk [tilespmem:v13+s16+$0x0], $0xffff  }
0x3fa: {  	v12 =	vadd.f32 v12, v22;
	v22 =	vld.idx.msk [tilespmem:v16+s16+$0x0], $0xffff;
	v23 =	vadd.f32 v23, v30;
	vm13 =	vgt.s32 v14, $0x21  }
0x3fb: {  	v10 =	vadd.f32 v10, v29;
	v30 =	vld.idx.msk [tilespmem:v16+s17+$0x0], $0xffff;
	[tilespmem:s2+$0xFFFFFF10] =	vst v18;
	v18 =	vadd.f32 v25, v31;
	v14 =	vnsel vm13, $0x21, v14  }
0x3fc: {  	v20 =	vld.idx.msk [tilespmem:v27+s17+$0x0], $0xffff;
	v15 =	vmul.f32 v23, v15;
	v23 =	vmul.f32 v28, v3;
	v14 =	vmin.u32 v14, $0x5D  }
0x3fd: {  	v2 =	vmul.f32 v10, v2;
	v25 =	vld [tilespmem:s14+$0xFFFFFF20];
	[tilespmem:s2+$0xFFFFFF90] =	vst v12;
	v28 =	vadd.s32 v0, v14;
	v1 =	vmul.f32 $7.750015740e+00, v39  }
0x3fe: {  	v10 =	vld [tilespmem:s14+$0xFFFFFFA0];
	v4 =	vmul.f32 v18, v4;
	v14 =	vadd.f32 v15, v26;
	v12 =	vadd.f32 v23, v57  }
0x3ff: {  	v7 =	vadd.f32 v9, v7;
	v15 =	vld.idx.msk [tilespmem:v27+s16+$0x0], $0xffff;
	v9 =	vadd.f32 $6.400000000e+01, v1  }
0x400: {  	v4 =	vadd.f32 v4, v11;
	v11 =	vmul.f32 v30, v5;
	[tilespmem:s2+$0x10] =	vst v14;
	v3 =	vmul.f32 v12, v3  }
0x401: {  	v2 =	vadd.f32 v2, v17;
	v12 =	vmul.f32 v40, v8;
	v14 =	vld [tilespmem:s14+$0x20];
	v9 =	vtrunc.f32 v9  }
0x402: {  	v18 =	vmul.f32 v20, v6;
	v11 =	vadd.f32 v11, v22;
	v17 =	vld.idx.msk [tilespmem:v28+s17+$0x0], $0xffff;
	v20 =	vcvt.f32.s32 v9  }
0x403: {  	v3 =	vadd.f32 v3, v21;
	v12 =	vadd.f32 v12, v19;
	v19 =	vld.idx.msk [tilespmem:v13+s4+$0x0], $0xffff;
	v13 =	vmul.f32 $7.750015740e+00, v10  }
0x404: {  	v21 =	vld.idx.msk [tilespmem:v28+s16+$0x0], $0xffff;
	v9 =	vmul.f32 $7.750015740e+00, v25;
	v15 =	vadd.f32 v18, v15;
	vm14 =	vgt.s32 v20, $0x21  }
0x405: {  	[tilespmem:s31+$0xFFFFFF40] =	vst v2;
	v2 =	vld.idx.msk [tilespmem:v27+s4+$0x0], $0xffff;
	v8 =	vmul.f32 v12, v8;
	v18 =	vadd.f32 $6.400000000e+01, v13;
	v12 =	vnsel vm14, $0x21, v20  }
0x406: {  	s6 =	simm.s32 $0xC580;
	v10 =	vld.idx.msk [tilespmem:v16+s4+$0x0], $0xffff;
	v16 =	vadd.f32 $6.400000000e+01, v9;
	v14 =	vmul.f32 $7.750015740e+00, v14;
	v12 =	vmin.u32 v12, $0x5D  }
0x407: {  	v23 =	vld [tilespmem:s6+$0x80];
	[tilespmem:s31+$0xFFFFFFC0] =	vst v4;
	v6 =	vmul.f32 v15, v6;
	v17 =	vmul.f32 v17, v24;
	v4 =	vadd.s32 v0, v12  }
0x408: {  	v20 =	vld.idx.msk [tilespmem:v28+s4+$0x0], $0xffff;
	v16 =	vtrunc.f32 v16;
	v8 =	vadd.f32 v8, v19;
	v22 =	vadd.f32 $6.400000000e+01, v14  }
0x409: {  	v18 =	vtrunc.f32 v18;
	v16 =	vcvt.f32.s32 v16;
	v17 =	vadd.f32 v17, v21  }
0x40a: {  	v18 =	vcvt.f32.s32 v18;
	v2 =	vadd.f32 v6, v2;
	v12 =	vld [tilespmem:s8+$0xFFFFFF50];
	[tilespmem:s0+$0xFFFFFF30] =	vst v8;
	v21 =	vtrunc.f32 v22  }
0x40b: {  	vm15 =	vgt.s32 v16, $0x21;
	v6 =	vld [tilespmem:s10+$0xFFFFFF40];
	v21 =	vcvt.f32.s32 v21;
	v17 =	vmul.f32 v17, v24  }
0x40c: {  	v5 =	vmul.f32 v11, v5;
	vm4 =	vgt.s32 v18, $0x21;
	v11 =	vnsel vm15, $0x21, v16;
	v19 =	vld.idx.msk [tilespmem:v4+s17+$0x0], $0xffff  }
0x40d: {  	vm5 =	vgt.s32 v21, $0x21;
	v16 =	vadd.f32 v17, v20;
	v17 =	vld [tilespmem:s6+$0xFFFFFF80];
	v20 =	vmul.f32 $7.750015740e+00, v23  }
0x40e: {  	v18 =	vnsel vm4, $0x21, v18;
	v11 =	vmin.u32 v11, $0x5D;
	v21 =	vnsel vm5, $0x21, v21;
	v23 =	vld [tilespmem:s6+$0xFFFFFF00]  }
0x40f: {  	v8 =	vld.idx.msk [tilespmem:v4+s16+$0x0], $0xffff;
	[tilespmem:s2+$0xA0] =	vst v16;
	v16 =	vadd.s32 v0, v11;
	v11 =	vmin.u32 v18, $0x5D;
	v18 =	vadd.f32 $6.400000000e+01, v20  }
0x410: {  	[tilespmem:s31+$0x40] =	vst v3;
	v3 =	vld [tilespmem:s8+$0xFFFFFFD0];
	v5 =	vadd.f32 v5, v10;
	v21 =	vmin.u32 v21, $0x5D  }
0x411: {  	v24 =	vld [tilespmem:s14+$0xB0];
	v25 =	vadd.s32 v0, v11;
	v11 =	vmul.f32 $7.750015740e+00, v12;
	v18 =	vtrunc.f32 v18  }
0x412: {  	v15 =	vld [tilespmem:s6+$0x0];
	v21 =	vadd.s32 v0, v21;
	v19 =	vmul.f32 v19, v1;
	v12 =	vcvt.f32.s32 v18  }
0x413: {  	[tilespmem:s0+$0x30] =	vst v2;
	v22 =	vld [tilespmem:s8+$0x50];
	v18 =	vmul.f32 $7.750015740e+00, v23;
	v17 =	vmul.f32 $7.750015740e+00, v17  }
0x414: {  	[tilespmem:s0+$0xFFFFFFB0] =	vst v5;
	v2 =	vmul.f32 $7.750015740e+00, v6;
	v6 =	vld [tilespmem:s10+$0x40];
	v8 =	vadd.f32 v19, v8  }
0x415: {  	v19 =	vld [tilespmem:s10+$0xFFFFFFC0];
	vm6 =	vgt.s32 v12, $0x21;
	v26 =	vadd.f32 $6.400000000e+01, v18;
	v29 =	vadd.f32 $6.400000000e+01, v17  }
0x416: {  	v10 =	vmul.f32 $7.750015740e+00, v3;
	v3 =	vld.idx.msk [tilespmem:v16+s17+$0x0], $0xffff;
	v23 =	vmul.f32 $7.750015740e+00, v24;
	v12 =	vnsel vm6, $0x21, v12  }
0x417: {  	v27 =	vld.idx.msk [tilespmem:v21+s17+$0x0], $0xffff;
	v12 =	vmin.u32 v12, $0x5D;
	v26 =	vtrunc.f32 v26;
	v29 =	vtrunc.f32 v29  }
0x418: {  	v30 =	vld.idx.msk [tilespmem:v16+s16+$0x0], $0xffff;
	v28 =	vadd.f32 $6.400000000e+01, v23;
	v31 =	vadd.s32 v0, v12;
	v26 =	vcvt.f32.s32 v26  }
0x419: {  	v15 =	vmul.f32 $7.750015740e+00, v15;
	v43 =	vld.idx.msk [tilespmem:v21+s16+$0x0], $0xffff;
	v29 =	vcvt.f32.s32 v29  }
0x41a: {  	v46 =	vadd.f32 $6.400000000e+01, v10;
	v16 =	vld.idx.msk [tilespmem:v16+s4+$0x0], $0xffff;
	v28 =	vtrunc.f32 v28;
	vm7 =	vgt.s32 v26, $0x21  }
0x41b: {  	v24 =	vld.idx.msk [tilespmem:v25+s17+$0x0], $0xffff;
	vm9 =	vgt.s32 v29, $0x21;
	v28 =	vcvt.f32.s32 v28;
	v26 =	vnsel vm7, $0x21, v26  }
0x41c: {  	v41 =	vld.idx.msk [tilespmem:v25+s16+$0x0], $0xffff;
	v12 =	vadd.f32 $6.400000000e+01, v15;
	v29 =	vnsel vm9, $0x21, v29;
	v26 =	vmin.u32 v26, $0x5D  }
0x41d: {  	v5 =	vmin.u32 v29, $0x5D;
	vm8 =	vgt.s32 v28, $0x21;
	v44 =	vld.idx.msk [tilespmem:v31+s17+$0x0], $0xffff;
	v26 =	vadd.s32 v0, v26  }
0x41e: {  	v21 =	vld.idx.msk [tilespmem:v21+s4+$0x0], $0xffff;
	v12 =	vtrunc.f32 v12;
	v5 =	vadd.s32 v0, v5;
	v28 =	vnsel vm8, $0x21, v28  }
0x41f: {  	v3 =	vmul.f32 v3, v9;
	v12 =	vcvt.f32.s32 v12;
	v29 =	vld.idx.msk [tilespmem:v31+s16+$0x0], $0xffff;
	v28 =	vmin.u32 v28, $0x5D  }
0x420: {  	v25 =	vld.idx.msk [tilespmem:v25+s4+$0x0], $0xffff;
	v8 =	vmul.f32 v8, v1;
	v24 =	vmul.f32 v24, v13;
	v28 =	vadd.s32 v0, v28  }
0x421: {  	v30 =	vadd.f32 v3, v30;
	v3 =	vmul.f32 $7.750015740e+00, v19;
	vm10 =	vgt.s32 v12, $0x21;
	v31 =	vld.idx.msk [tilespmem:v31+s4+$0x0], $0xffff  }
0x422: {  	v19 =	vadd.f32 v24, v41;
	v45 =	vnsel vm10, $0x21, v12;
	v1 =	vmul.f32 v44, v20;
	v47 =	vld.idx.msk [tilespmem:v26+s17+$0x0], $0xffff  }
0x423: {  	v12 =	vmul.f32 $7.750015740e+00, v22;
	v9 =	vmul.f32 v30, v9;
	v22 =	vmin.u32 v45, $0x5D;
	v24 =	vld.idx.msk [tilespmem:v5+s17+$0x0], $0xffff  }
0x424: {  	v27 =	vmul.f32 v27, v14;
	v22 =	vadd.s32 v0, v22;
	v30 =	vld.idx.msk [tilespmem:v26+s16+$0x0], $0xffff;
	v29 =	vadd.f32 v1, v29  }
0x425: {  	v48 =	vadd.f32 $6.400000000e+01, v2;
	v13 =	vmul.f32 v19, v13;
	v9 =	vadd.f32 v9, v16;
	v49 =	vld.idx.msk [tilespmem:v28+s17+$0x0], $0xffff  }
0x426: {  	v16 =	vld.idx.msk [tilespmem:v5+s16+$0x0], $0xffff;
	v1 =	vmul.f32 $7.750015740e+00, v6;
	v6 =	vadd.f32 v27, v43;
	v20 =	vmul.f32 v29, v20  }
0x427: {  	v42 =	vadd.f32 $6.400000000e+01, v11;
	v13 =	vadd.f32 v13, v25;
	v27 =	vld.idx.msk [tilespmem:v28+s16+$0x0], $0xffff  }
0x428: {  	v26 =	vld.idx.msk [tilespmem:v26+s4+$0x0], $0xffff;
	v29 =	vadd.f32 $6.400000000e+01, v3;
	v6 =	vmul.f32 v6, v14;
	v20 =	vadd.f32 v20, v31  }
0x429: {  	s18 =	simm.s32 $0x12580;
	v19 =	vld.idx.msk [tilespmem:v22+s17+$0x0], $0xffff;
	v14 =	vadd.f32 $6.400000000e+01, v1;
	v50 =	vmul.f32 v47, v18;
	v24 =	vmul.f32 v24, v17  }
0x42a: {  	v31 =	vtrunc.f32 v48;
	v6 =	vadd.f32 v6, v21;
	[tilespmem:s18+$0x80] =	vst v20;
	v20 =	vld.idx.msk [tilespmem:v28+s4+$0x0], $0xffff;
	v21 =	vmul.f32 v49, v23  }
0x42b: {  	v25 =	vtrunc.f32 v29;
	v30 =	vadd.f32 v50, v30;
	v28 =	vcvt.f32.s32 v31;
	v31 =	vld [tilespmem:s6+$0x90]  }
0x42c: {  	v51 =	vld.idx.msk [tilespmem:v22+s16+$0x0], $0xffff;
	v14 =	vtrunc.f32 v14;
	v25 =	vcvt.f32.s32 v25;
	v21 =	vadd.f32 v21, v27  }
0x42d: {  	v5 =	vld.idx.msk [tilespmem:v5+s4+$0x0], $0xffff;
	v29 =	vadd.f32 $6.400000000e+01, v12;
	v14 =	vcvt.f32.s32 v14;
	v18 =	vmul.f32 v30, v18  }
0x42e: {  	v16 =	vadd.f32 v24, v16;
	v19 =	vmul.f32 v19, v15;
	v21 =	vmul.f32 v21, v23  }
0x42f: {  	vm12 =	vgt.s32 v25, $0x21;
	vm13 =	vgt.s32 v14, $0x21;
	v18 =	vadd.f32 v18, v26  }
0x430: {  	v16 =	vmul.f32 v16, v17;
	v23 =	vmul.f32 $7.750015740e+00, v31;
	v20 =	vadd.f32 v21, v20;
	v21 =	vld.idx.msk [tilespmem:v22+s4+$0x0], $0xffff  }
0x431: {  	vm11 =	vgt.s32 v28, $0x21;
	v17 =	vadd.f32 v19, v51;
	v14 =	vnsel vm13, $0x21, v14;
	[tilespmem:s18+$0xFFFFFF00] =	vst v18  }
0x432: {  	v19 =	vnsel vm11, $0x21, v28;
	v5 =	vadd.f32 v16, v5;
	v18 =	vld [tilespmem:s6+$0xFFFFFF10];
	v22 =	vadd.f32 $6.400000000e+01, v23;
	[tilespmem:s2+$0xB0] =	vst v20  }
0x433: {  	v14 =	vmin.u32 v14, $0x5D;
	v19 =	vmin.u32 v19, $0x5D;
	v15 =	vmul.f32 v17, v15;
	v24 =	vld [tilespmem:s14+$0xC0]  }
0x434: {  	v14 =	vadd.s32 v0, v14;
	[tilespmem:s18+$0xFFFFFF80] =	vst v5;
	v5 =	vadd.s32 v0, v19;
	v16 =	vtrunc.f32 v22  }
0x435: {  	v4 =	vld.idx.msk [tilespmem:v4+s4+$0x0], $0xffff;
	[tilespmem:s2+$0xFFFFFF20] =	vst v9;
	v20 =	vnsel vm12, $0x21, v25;
	v16 =	vcvt.f32.s32 v16;
	v9 =	vadd.f32 v15, v21  }
0x436: {  	[tilespmem:s2+$0xFFFFFFA0] =	vst v13;
	v13 =	vtrunc.f32 v46;
	v27 =	vtrunc.f32 v42;
	v17 =	vmin.u32 v20, $0x5D;
	v15 =	vld [tilespmem:s6+$0xFFFFFF90]  }
0x437: {  	v19 =	vld [tilespmem:s14+$0xFFFFFF30];
	v20 =	vtrunc.f32 v29;
	v17 =	vadd.s32 v0, v17;
	vm14 =	vgt.s32 v16, $0x21;
	[tilespmem:s18+$0x0] =	vst v9  }
0x438: {  	v18 =	vmul.f32 $7.750015740e+00, v18;
	v9 =	vnsel vm14, $0x21, v16;
	v16 =	vmul.f32 $7.750015740e+00, v24;
	v25 =	vld [tilespmem:s6+$0x10]  }
0x439: {  	v56 =	vld.idx.msk [tilespmem:v14+s16+$0x0], $0xffff;
	v22 =	vcvt.f32.s32 v27;
	v20 =	vcvt.f32.s32 v20;
	v9 =	vmin.u32 v9, $0x5D  }
0x43a: {  	[tilespmem:s2+$0x20] =	vst v6;
	v27 =	vld.idx.msk [tilespmem:v5+s17+$0x0], $0xffff;
	v28 =	vadd.f32 $6.400000000e+01, v18;
	v26 =	vadd.s32 v0, v9;
	v6 =	vadd.f32 $6.400000000e+01, v16  }
0x43b: {  	v21 =	vld [tilespmem:s14+$0xFFFFFFB0];
	vm15 =	vgt.s32 v22, $0x21;
	v24 =	vcvt.f32.s32 v13;
	v15 =	vmul.f32 $7.750015740e+00, v15  }
0x43c: {  	v31 =	vld.idx.msk [tilespmem:v5+s16+$0x0], $0xffff;
	vm8 =	vgt.s32 v20, $0x21;
	v28 =	vtrunc.f32 v28;
	v6 =	vtrunc.f32 v6  }
0x43d: {  	v5 =	vld.idx.msk [tilespmem:v5+s4+$0x0], $0xffff;
	v29 =	vadd.f32 $6.400000000e+01, v15;
	v6 =	vcvt.f32.s32 v6;
	v25 =	vmul.f32 $7.750015740e+00, v25  }
0x43e: {  	v13 =	vadd.f32 v8, v4;
	v4 =	vld [tilespmem:s14+$0x30];
	v9 =	vmul.f32 $7.750015740e+00, v19;
	v28 =	vcvt.f32.s32 v28  }
0x43f: {  	v29 =	vtrunc.f32 v29;
	v30 =	vld.idx.msk [tilespmem:v26+s17+$0x0], $0xffff;
	vm7 =	vgt.s32 v6, $0x21;
	v52 =	vadd.f32 $6.400000000e+01, v25  }
0x440: {  	v54 =	vld.idx.msk [tilespmem:v17+s16+$0x0], $0xffff;
	v8 =	vmul.f32 $7.750015740e+00, v21;
	v29 =	vcvt.f32.s32 v29;
	v6 =	vnsel vm7, $0x21, v6  }
0x441: {  	vm3 =	vgt.s32 v28, $0x21;
	v53 =	vld.idx.msk [tilespmem:v26+s16+$0x0], $0xffff;
	v6 =	vmin.u32 v6, $0x5D;
	v32 =	vtrunc.f32 v52  }
0x442: {  	v19 =	vld.idx.msk [tilespmem:v17+s17+$0x0], $0xffff;
	vm9 =	vgt.s32 v29, $0x21;
	v55 =	vadd.s32 v0, v6;
	v6 =	vnsel vm3, $0x21, v28  }
0x443: {  	v21 =	vld.idx.msk [tilespmem:v14+s17+$0x0], $0xffff;
	v29 =	vnsel vm9, $0x21, v29;
	v57 =	vmin.u32 v6, $0x5D;
	v6 =	vmul.f32 $7.750015740e+00, v4  }
0x444: {  	v4 =	vld.idx.msk [tilespmem:v26+s4+$0x0], $0xffff;
	v29 =	vmin.u32 v29, $0x5D;
	v30 =	vmul.f32 v30, v23;
	v26 =	vadd.s32 v0, v57  }
0x445: {  	v17 =	vld.idx.msk [tilespmem:v17+s4+$0x0], $0xffff;
	v59 =	vadd.f32 $6.400000000e+01, v8;
	v28 =	vcvt.f32.s32 v32;
	v29 =	vadd.s32 v0, v29  }
0x446: {  	v22 =	vnsel vm15, $0x21, v22;
	v20 =	vnsel vm8, $0x21, v20;
	v14 =	vld.idx.msk [tilespmem:v14+s4+$0x0], $0xffff;
	v30 =	vadd.f32 v30, v53  }
0x447: {  	v58 =	vadd.f32 $6.400000000e+01, v9;
	v62 =	vtrunc.f32 v59;
	vm10 =	vgt.s32 v28, $0x21;
	v60 =	vld.idx.msk [tilespmem:v55+s17+$0x0], $0xffff  }
0x448: {  	v19 =	vmul.f32 v19, v3;
	v28 =	vnsel vm10, $0x21, v28;
	v63 =	vld.idx.msk [tilespmem:v55+s16+$0x0], $0xffff;
	v23 =	vmul.f32 v30, v23  }
0x449: {  	v61 =	vadd.f32 $6.400000000e+01, v6;
	v28 =	vmin.u32 v28, $0x5D;
	v30 =	vtrunc.f32 v58;
	v44 =	vld.idx.msk [tilespmem:v26+s17+$0x0], $0xffff  }
0x44a: {  	v28 =	vadd.s32 v0, v28;
	v30 =	vcvt.f32.s32 v30;
	v46 =	vld.idx.msk [tilespmem:v29+s17+$0x0], $0xffff;
	v4 =	vadd.f32 v23, v4  }
0x44b: {  	v22 =	vmin.u32 v22, $0x5D;
	v38 =	vtrunc.f32 v61;
	v50 =	vld.idx.msk [tilespmem:v26+s16+$0x0], $0xffff;
	v23 =	vcvt.f32.s32 v62  }
0x44c: {  	v19 =	vadd.f32 v19, v54;
	v45 =	vcvt.f32.s32 v38;
	v51 =	vld.idx.msk [tilespmem:v29+s16+$0x0], $0xffff;
	vm11 =	vgt.s32 v30, $0x21;
	[tilespmem:s18+$0x90] =	vst v4  }
0x44d: {  	v47 =	vmul.f32 v60, v16;
	vm12 =	vgt.s32 v23, $0x21;
	v30 =	vnsel vm11, $0x21, v30;
	v48 =	vld [tilespmem:s6+$0xA0]  }
0x44e: {  	vm13 =	vgt.s32 v45, $0x21;
	v4 =	vld.idx.msk [tilespmem:v55+s4+$0x0], $0xffff;
	v23 =	vnsel vm12, $0x21, v23;
	v30 =	vmin.u32 v30, $0x5D  }
0x44f: {  	v49 =	vld.idx.msk [tilespmem:v28+s17+$0x0], $0xffff;
	v33 =	vadd.f32 v47, v63;
	v23 =	vmin.u32 v23, $0x5D;
	v30 =	vadd.s32 v0, v30  }
0x450: {  	v27 =	vmul.f32 v27, v2;
	v26 =	vld.idx.msk [tilespmem:v26+s4+$0x0], $0xffff;
	v32 =	vnsel vm13, $0x21, v45;
	v23 =	vadd.s32 v0, v23  }
0x451: {  	v3 =	vmul.f32 v19, v3;
	v32 =	vmin.u32 v32, $0x5D;
	v52 =	vld.idx.msk [tilespmem:v28+s16+$0x0], $0xffff;
	v16 =	vmul.f32 v33, v16  }
0x452: {  	v28 =	vld.idx.msk [tilespmem:v28+s4+$0x0], $0xffff;
	v32 =	vadd.s32 v0, v32;
	v39 =	vmul.f32 v44, v18;
	v37 =	vmul.f32 $7.750015740e+00, v48  }
0x453: {  	v4 =	vadd.f32 v16, v4;
	v16 =	vmul.f32 v21, v1;
	v21 =	vadd.f32 v27, v31;
	v27 =	vld.idx.msk [tilespmem:v29+s4+$0x0], $0xffff  }
0x454: {  	v53 =	vmul.f32 v49, v25;
	v29 =	vmul.f32 v46, v15;
	v55 =	vld.idx.msk [tilespmem:v30+s17+$0x0], $0xffff;
	v31 =	vadd.f32 $6.400000000e+01, v37  }
0x455: {  	vm6 =	vgt.s32 v24, $0x21;
	[tilespmem:s2+$0xC0] =	vst v4;
	v4 =	vadd.f32 v39, v50;
	v16 =	vadd.f32 v16, v56;
	v56 =	vld.idx.msk [tilespmem:v23+s17+$0x0], $0xffff  }
0x456: {  	v3 =	vadd.f32 v3, v17;
	v29 =	vadd.f32 v29, v51;
	v2 =	vmul.f32 v21, v2;
	v54 =	vld [tilespmem:s14+$0xD0]  }
0x457: {  	v21 =	vld.idx.msk [tilespmem:v30+s16+$0x0], $0xffff;
	v31 =	vtrunc.f32 v31;
	v4 =	vmul.f32 v4, v18;
	v18 =	vadd.f32 v53, v52  }
0x458: {  	v15 =	vmul.f32 v29, v15;
	v2 =	vadd.f32 v2, v5;
	v1 =	vmul.f32 v16, v1  }
0x459: {  	v30 =	vld.idx.msk [tilespmem:v30+s4+$0x0], $0xffff;
	v31 =	vcvt.f32.s32 v31;
	v4 =	vadd.f32 v4, v26;
	v18 =	vmul.f32 v18, v25  }
0x45a: {  	v29 =	vld.idx.msk [tilespmem:v32+s17+$0x0], $0xffff;
	v15 =	vadd.f32 v15, v27;
	v17 =	vmul.f32 v55, v9;
	v1 =	vadd.f32 v1, v14  }
0x45b: {  	v26 =	vld.idx.msk [tilespmem:v23+s16+$0x0], $0xffff;
	vm14 =	vgt.s32 v31, $0x21;
	v14 =	vmul.f32 v56, v8;
	v27 =	vmul.f32 $7.750015740e+00, v54;
	[tilespmem:s18+$0xFFFFFF10] =	vst v4  }
0x45c: {  	v25 =	vnsel vm14, $0x21, v31;
	v18 =	vadd.f32 v18, v28;
	[tilespmem:s18+$0xFFFFFF90] =	vst v15;
	v17 =	vadd.f32 v17, v21;
	v19 =	vld [tilespmem:s6+$0xFFFFFF20]  }
0x45d: {  	[tilespmem:s0+$0xFFFFFF40] =	vst v2;
	v4 =	vmin.u32 v25, $0x5D;
	v25 =	vmin.u32 v20, $0x5D;
	v16 =	vld [tilespmem:s6+$0xFFFFFFA0];
	v20 =	vadd.f32 $6.400000000e+01, v27  }
0x45e: {  	v24 =	vnsel vm6, $0x21, v24;
	v28 =	vld.idx.msk [tilespmem:v32+s16+$0x0], $0xffff;
	v15 =	vadd.s32 v0, v4;
	[tilespmem:s18+$0x10] =	vst v18;
	v2 =	vmul.f32 v17, v9  }
0x45f: {  	s7 =	simm.s32 $0xC780;
	v24 =	vmin.u32 v24, $0x5D;
	v4 =	vadd.s32 v0, v22;
	v18 =	vld [tilespmem:s6+$0x20];
	v5 =	vtrunc.f32 v20  }
0x460: {  	v58 =	vld [tilespmem:s7+$0x0];
	v14 =	vadd.f32 v14, v26;
	v2 =	vadd.f32 v2, v30;
	v22 =	vcvt.f32.s32 v5  }
0x461: {  	v5 =	vadd.s32 v0, v24;
	v24 =	vmul.f32 v29, v6;
	v29 =	vld.idx.msk [tilespmem:v23+s4+$0x0], $0xffff;
	v20 =	vmul.f32 $7.750015740e+00, v19  }
0x462: {  	v14 =	vmul.f32 v14, v8;
	v21 =	vmul.f32 $7.750015740e+00, v16;
	v16 =	vld.idx.msk [tilespmem:v32+s4+$0x0], $0xffff;
	vm15 =	vgt.s32 v22, $0x21  }
0x463: {  	[tilespmem:s0+$0x40] =	vst v1;
	v19 =	vld.idx.msk [tilespmem:v15+s17+$0x0], $0xffff;
	v24 =	vadd.f32 v24, v28;
	v23 =	vnsel vm15, $0x21, v22;
	v26 =	vadd.f32 $6.400000000e+01, v20  }
0x464: {  	[tilespmem:s0+$0xFFFFFFC0] =	vst v3;
	v28 =	vld [tilespmem:s10+$0x50];
	v22 =	vmul.f32 $7.750015740e+00, v18;
	v3 =	vadd.f32 $6.400000000e+01, v21;
	v17 =	vmin.u32 v23, $0x5D  }
0x465: {  	[tilespmem:s2+$0xFFFFFF30] =	vst v2;
	v9 =	vld.idx.msk [tilespmem:v15+s16+$0x0], $0xffff;
	v6 =	vmul.f32 v24, v6;
	v17 =	vadd.s32 v0, v17  }
0x466: {  	v61 =	vld [tilespmem:s14+$0xFFFFFF40];
	v23 =	vtrunc.f32 v26;
	v8 =	vadd.f32 $6.400000000e+01, v22;
	v3 =	vtrunc.f32 v3  }
0x467: {  	v30 =	vld [tilespmem:s7+$0xFFFFFF80];
	v23 =	vcvt.f32.s32 v23;
	v3 =	vcvt.f32.s32 v3  }
0x468: {  	v14 =	vadd.f32 v14, v29;
	v19 =	vmul.f32 v19, v37;
	v1 =	vtrunc.f32 v8;
	v8 =	vld [tilespmem:s7+$0x80]  }
0x469: {  	v15 =	vld.idx.msk [tilespmem:v15+s4+$0x0], $0xffff;
	v16 =	vadd.f32 v6, v16;
	v2 =	vmul.f32 $7.750015740e+00, v28;
	vm4 =	vgt.s32 v23, $0x21  }
0x46a: {  	v18 =	vld [tilespmem:s10+$0xFFFFFF50];
	v1 =	vcvt.f32.s32 v1;
	vm5 =	vgt.s32 v3, $0x21;
	v9 =	vadd.f32 v19, v9  }
0x46b: {  	v6 =	vmul.f32 $7.750015740e+00, v61;
	v23 =	vnsel vm4, $0x21, v23;
	v3 =	vnsel vm5, $0x21, v3;
	v19 =	vld.idx.msk [tilespmem:v17+s17+$0x0], $0xffff  }
0x46c: {  	v26 =	vld [tilespmem:s10+$0xFFFFFFD0];
	v23 =	vmin.u32 v23, $0x5D;
	vm6 =	vgt.s32 v1, $0x21;
	v9 =	vmul.f32 v9, v37  }
0x46d: {  	v31 =	vld.idx.msk [tilespmem:v17+s16+$0x0], $0xffff;
	v3 =	vmin.u32 v3, $0x5D;
	v57 =	vadd.s32 v0, v23;
	v59 =	vmul.f32 $7.750015740e+00, v8  }
0x46e: {  	v1 =	vnsel vm6, $0x21, v1;
	v24 =	vadd.s32 v0, v3;
	v8 =	vadd.f32 v9, v15;
	v15 =	vld [tilespmem:s7+$0xFFFFFF00]  }
0x46f: {  	v3 =	vmul.f32 $7.750015740e+00, v18;
	v1 =	vmin.u32 v1, $0x5D;
	v9 =	vadd.f32 $6.400000000e+01, v59  }
0x470: {  	v17 =	vld.idx.msk [tilespmem:v17+s4+$0x0], $0xffff;
	v23 =	vmul.f32 $7.750015740e+00, v30;
	v60 =	vadd.s32 v0, v1;
	[tilespmem:s18+$0xA0] =	vst v8;
	v18 =	vmul.f32 v19, v27  }
0x471: {  	v8 =	vadd.s32 v0, v25;
	v19 =	vld [tilespmem:s6+$0xB0];
	v25 =	vtrunc.f32 v9;
	v9 =	vmul.f32 $7.750015740e+00, v58  }
0x472: {  	v1 =	vmul.f32 $7.750015740e+00, v26;
	v26 =	vld.idx.msk [tilespmem:v57+s17+$0x0], $0xffff;
	v25 =	vcvt.f32.s32 v25;
	v18 =	vadd.f32 v18, v31  }
0x473: {  	v29 =	vld.idx.msk [tilespmem:v24+s17+$0x0], $0xffff;
	v28 =	vmul.f32 $7.750015740e+00, v15;
	v15 =	vadd.f32 $6.400000000e+01, v23;
	v30 =	vadd.f32 $6.400000000e+01, v9  }
0x474: {  	v53 =	vadd.f32 $6.400000000e+01, v6;
	v63 =	vld.idx.msk [tilespmem:v57+s16+$0x0], $0xffff;
	vm7 =	vgt.s32 v25, $0x21;
	v18 =	vmul.f32 v18, v27  }
0x475: {  	v32 =	vld.idx.msk [tilespmem:v57+s4+$0x0], $0xffff;
	v62 =	vadd.f32 $6.400000000e+01, v28;
	v15 =	vtrunc.f32 v15;
	v30 =	vtrunc.f32 v30  }
0x476: {  	v31 =	vld.idx.msk [tilespmem:v60+s17+$0x0], $0xffff;
	v25 =	vnsel vm7, $0x21, v25;
	v37 =	vmul.f32 $7.750015740e+00, v19;
	v52 =	vcvt.f32.s32 v15  }
0x477: {  	[tilespmem:s2+$0xFFFFFFB0] =	vst v14;
	v48 =	vld.idx.msk [tilespmem:v60+s16+$0x0], $0xffff;
	v15 =	vadd.f32 v18, v17;
	v14 =	vcvt.f32.s32 v30;
	v18 =	vmul.f32 v26, v20  }
0x478: {  	v27 =	vld.idx.msk [tilespmem:v24+s16+$0x0], $0xffff;
	v19 =	vmin.u32 v25, $0x5D;
	v29 =	vmul.f32 v29, v21;
	v25 =	vtrunc.f32 v62  }
0x479: {  	[tilespmem:s2+$0x30] =	vst v16;
	v24 =	vld.idx.msk [tilespmem:v24+s4+$0x0], $0xffff;
	v49 =	vadd.s32 v0, v19;
	v19 =	vadd.f32 $6.400000000e+01, v37;
	v25 =	vcvt.f32.s32 v25  }
0x47a: {  	v26 =	vld [tilespmem:s14+$0x40];
	vm9 =	vgt.s32 v52, $0x21;
	vm11 =	vgt.s32 v14, $0x21;
	v36 =	vadd.f32 v18, v63  }
0x47b: {  	v30 =	vld.idx.msk [tilespmem:v60+s4+$0x0], $0xffff;
	v41 =	vnsel vm9, $0x21, v52;
	v14 =	vnsel vm11, $0x21, v14;
	v19 =	vtrunc.f32 v19  }
0x47c: {  	v41 =	vmin.u32 v41, $0x5D;
	v14 =	vmin.u32 v14, $0x5D;
	v17 =	vcvt.f32.s32 v19;
	v19 =	vld [tilespmem:s14+$0xFFFFFFC0]  }
0x47d: {  	vm8 =	vgt.s32 v25, $0x21;
	v41 =	vadd.s32 v0, v41;
	v45 =	vadd.s32 v0, v14;
	v14 =	vld.idx.msk [tilespmem:v8+s17+$0x0], $0xffff  }
0x47e: {  	v27 =	vadd.f32 v29, v27;
	v16 =	vnsel vm8, $0x21, v25;
	v25 =	vld.idx.msk [tilespmem:v49+s17+$0x0], $0xffff;
	vm10 =	vgt.s32 v17, $0x21  }
0x47f: {  	v18 =	vmul.f32 $7.750015740e+00, v26;
	v16 =	vmin.u32 v16, $0x5D;
	v43 =	vld.idx.msk [tilespmem:v49+s16+$0x0], $0xffff;
	v17 =	vnsel vm10, $0x21, v17  }
0x480: {  	v61 =	vadd.f32 $6.400000000e+01, v2;
	v29 =	vld.idx.msk [tilespmem:v49+s4+$0x0], $0xffff;
	v54 =	vadd.s32 v0, v16;
	v17 =	vmin.u32 v17, $0x5D  }
0x481: {  	v21 =	vmul.f32 v27, v21;
	v16 =	vld.idx.msk [tilespmem:v4+s17+$0x0], $0xffff;
	v27 =	vadd.f32 $6.400000000e+01, v18;
	v44 =	vadd.s32 v0, v17  }
0x482: {  	v55 =	vtrunc.f32 v53;
	v50 =	vadd.f32 $6.400000000e+01, v3;
	v31 =	vmul.f32 v31, v22;
	v58 =	vld.idx.msk [tilespmem:v41+s17+$0x0], $0xffff  }
0x483: {  	v21 =	vadd.f32 v21, v24;
	v24 =	vtrunc.f32 v27;
	v27 =	vld.idx.msk [tilespmem:v45+s17+$0x0], $0xffff;
	v25 =	vmul.f32 v25, v59  }
0x484: {  	v53 =	vtrunc.f32 v61;
	v62 =	vtrunc.f32 v50;
	v26 =	vadd.f32 v31, v48;
	v63 =	vld.idx.msk [tilespmem:v41+s16+$0x0], $0xffff  }
0x485: {  	v35 =	vcvt.f32.s32 v62;
	v20 =	vmul.f32 v36, v20;
	v31 =	vld.idx.msk [tilespmem:v54+s17+$0x0], $0xffff;
	v25 =	vadd.f32 v25, v43  }
0x486: {  	v51 =	vadd.f32 $6.400000000e+01, v1;
	v22 =	vmul.f32 v26, v22;
	v19 =	vmul.f32 $7.750015740e+00, v19;
	v57 =	vld.idx.msk [tilespmem:v44+s17+$0x0], $0xffff  }
0x487: {  	vm15 =	vgt.s32 v35, $0x21;
	v26 =	vadd.f32 v20, v32;
	v48 =	vld.idx.msk [tilespmem:v45+s16+$0x0], $0xffff;
	v25 =	vmul.f32 v25, v59  }
0x488: {  	v22 =	vadd.f32 v22, v30;
	v24 =	vcvt.f32.s32 v24;
	v56 =	vadd.f32 $6.400000000e+01, v19;
	v59 =	vld.idx.msk [tilespmem:v44+s16+$0x0], $0xffff  }
0x489: {  	[tilespmem:s18+$0xFFFFFFA0] =	vst v21;
	v21 =	vtrunc.f32 v51;
	v60 =	vld.idx.msk [tilespmem:v54+s16+$0x0], $0xffff;
	v16 =	vmul.f32 v16, v11;
	v25 =	vadd.f32 v25, v29  }
0x48a: {  	s10 =	simm.s32 $0x12780;
	v50 =	vld.idx.msk [tilespmem:v45+s4+$0x0], $0xffff;
	vm14 =	vgt.s32 v24, $0x21;
	v20 =	vtrunc.f32 v56;
	v29 =	vcvt.f32.s32 v55  }
0x48b: {  	v24 =	vnsel vm14, $0x21, v24;
	v47 =	vld.idx.msk [tilespmem:v44+s4+$0x0], $0xffff;
	[tilespmem:s10+$0x80] =	vst v25;
	v25 =	vmul.f32 v31, v28;
	v31 =	vmul.f32 v57, v37  }
0x48c: {  	v24 =	vmin.u32 v24, $0x5D;
	v30 =	vcvt.f32.s32 v20;
	vm12 =	vgt.s32 v29, $0x21;
	v46 =	vld [tilespmem:s7+$0x90]  }
0x48d: {  	v42 =	vld.idx.msk [tilespmem:v54+s4+$0x0], $0xffff;
	v27 =	vmul.f32 v27, v9;
	v29 =	vnsel vm12, $0x21, v29;
	v31 =	vadd.f32 v31, v59  }
0x48e: {  	[tilespmem:s18+$0xFFFFFF20] =	vst v26;
	v52 =	vadd.s32 v0, v24;
	v24 =	vld [tilespmem:s6+$0xFFFFFFB0];
	v29 =	vmin.u32 v29, $0x5D;
	v25 =	vadd.f32 v25, v60  }
0x48f: {  	v38 =	vmul.f32 v58, v23;
	v26 =	vadd.s32 v0, v29;
	v29 =	vld.idx.msk [tilespmem:v41+s4+$0x0], $0xffff;
	v31 =	vmul.f32 v31, v37  }
0x490: {  	[tilespmem:s18+$0x20] =	vst v22;
	vm13 =	vgt.s32 v30, $0x21;
	v22 =	vadd.f32 v27, v48;
	v25 =	vmul.f32 v25, v28;
	v28 =	vld [tilespmem:s6+$0xFFFFFF30]  }
0x491: {  	v20 =	vld.idx.msk [tilespmem:v4+s16+$0x0], $0xffff;
	v49 =	vadd.f32 v38, v63;
	v33 =	vmul.f32 $7.750015740e+00, v46;
	v31 =	vadd.f32 v31, v47  }
0x492: {  	v17 =	vld.idx.msk [tilespmem:v5+s17+$0x0], $0xffff;
	v55 =	vcvt.f32.s32 v21;
	v9 =	vmul.f32 v22, v9;
	v25 =	vadd.f32 v25, v42  }
0x493: {  	v30 =	vnsel vm13, $0x21, v30;
	v23 =	vmul.f32 v49, v23;
	v34 =	vld.idx.msk [tilespmem:v52+s17+$0x0], $0xffff;
	v51 =	vadd.f32 $6.400000000e+01, v33;
	[tilespmem:s18+$0xB0] =	vst v31  }
0x494: {  	v30 =	vmin.u32 v30, $0x5D;
	v21 =	vmul.f32 $7.750015740e+00, v24;
	v9 =	vadd.f32 v9, v50;
	[tilespmem:s10+$0xFFFFFF00] =	vst v25;
	v27 =	vld [tilespmem:s6+$0xC0]  }
0x495: {  	v29 =	vadd.f32 v23, v29;
	v23 =	vmul.f32 $7.750015740e+00, v28;
	v28 =	vld [tilespmem:s7+$0xFFFFFF10];
	v31 =	vtrunc.f32 v51  }
0x496: {  	v54 =	vld [tilespmem:s6+$0x30];
	v30 =	vadd.s32 v0, v30;
	v16 =	vadd.f32 v16, v20;
	[tilespmem:s10+$0x0] =	vst v9;
	v31 =	vcvt.f32.s32 v31  }
0x497: {  	v35 =	vnsel vm15, $0x21, v35;
	v17 =	vmul.f32 v17, v10;
	v9 =	vadd.f32 $6.400000000e+01, v21;
	v58 =	vld [tilespmem:s7+$0x10];
	[tilespmem:s10+$0xFFFFFF80] =	vst v29  }
0x498: {  	vm5 =	vgt.s32 v55, $0x21;
	v16 =	vmul.f32 v16, v11;
	v29 =	vld [tilespmem:s7+$0xFFFFFF90];
	vm4 =	vgt.s32 v31, $0x21  }
0x499: {  	v63 =	vld.idx.msk [tilespmem:v52+s16+$0x0], $0xffff;
	v9 =	vtrunc.f32 v9;
	v24 =	vnsel vm4, $0x21, v31;
	v27 =	vmul.f32 $7.750015740e+00, v27  }
0x49a: {  	v39 =	vld.idx.msk [tilespmem:v52+s4+$0x0], $0xffff;
	v34 =	vmul.f32 v34, v18;
	v28 =	vmul.f32 $7.750015740e+00, v28;
	v57 =	vmin.u32 v24, $0x5D  }
0x49b: {  	v62 =	vld.idx.msk [tilespmem:v30+s16+$0x0], $0xffff;
	v50 =	vcvt.f32.s32 v9;
	v37 =	vadd.s32 v0, v57;
	v59 =	vadd.f32 $6.400000000e+01, v27  }
0x49c: {  	v22 =	vld.idx.msk [tilespmem:v26+s17+$0x0], $0xffff;
	v25 =	vcvt.f32.s32 v53;
	v38 =	vmul.f32 $7.750015740e+00, v58;
	v51 =	vadd.f32 $6.400000000e+01, v28  }
0x49d: {  	v36 =	vnsel vm5, $0x21, v55;
	v61 =	vld.idx.msk [tilespmem:v26+s16+$0x0], $0xffff;
	v29 =	vmul.f32 $7.750015740e+00, v29;
	v40 =	vtrunc.f32 v59  }
0x49e: {  	v26 =	vld.idx.msk [tilespmem:v26+s4+$0x0], $0xffff;
	v56 =	vadd.f32 $6.400000000e+01, v23;
	v45 =	vtrunc.f32 v51;
	v40 =	vcvt.f32.s32 v40  }
0x49f: {  	v34 =	vadd.f32 v34, v63;
	v31 =	vld.idx.msk [tilespmem:v30+s17+$0x0], $0xffff;
	v46 =	vadd.f32 $6.400000000e+01, v29;
	v45 =	vcvt.f32.s32 v45  }
0x4a0: {  	v49 =	vadd.f32 $6.400000000e+01, v38;
	v32 =	vtrunc.f32 v56;
	v47 =	vld.idx.msk [tilespmem:v37+s17+$0x0], $0xffff;
	vm7 =	vgt.s32 v40, $0x21  }
0x4a1: {  	v30 =	vld.idx.msk [tilespmem:v30+s4+$0x0], $0xffff;
	v46 =	vtrunc.f32 v46;
	vm8 =	vgt.s32 v45, $0x21;
	v40 =	vnsel vm7, $0x21, v40  }
0x4a2: {  	v48 =	vld.idx.msk [tilespmem:v37+s16+$0x0], $0xffff;
	v9 =	vcvt.f32.s32 v46;
	v45 =	vnsel vm8, $0x21, v45;
	v40 =	vmin.u32 v40, $0x5D  }
0x4a3: {  	v52 =	vtrunc.f32 v49;
	v49 =	vld.idx.msk [tilespmem:v5+s16+$0x0], $0xffff;
	v45 =	vmin.u32 v45, $0x5D;
	v40 =	vadd.s32 v0, v40  }
0x4a4: {  	v51 =	vld.idx.msk [tilespmem:v4+s4+$0x0], $0xffff;
	v46 =	vcvt.f32.s32 v52;
	vm9 =	vgt.s32 v9, $0x21;
	v45 =	vadd.s32 v0, v45  }
0x4a5: {  	v22 =	vmul.f32 v22, v6;
	v37 =	vld.idx.msk [tilespmem:v37+s4+$0x0], $0xffff;
	v9 =	vnsel vm9, $0x21, v9;
	v47 =	vmul.f32 v47, v33  }
0x4a6: {  	v24 =	vmul.f32 $7.750015740e+00, v54;
	vm10 =	vgt.s32 v46, $0x21;
	v4 =	vmin.u32 v9, $0x5D;
	v9 =	vld.idx.msk [tilespmem:v5+s4+$0x0], $0xffff  }
0x4a7: {  	v32 =	vcvt.f32.s32 v32;
	v46 =	vnsel vm10, $0x21, v46;
	v47 =	vadd.f32 v47, v48;
	v48 =	vld.idx.msk [tilespmem:v8+s16+$0x0], $0xffff  }
0x4a8: {  	v60 =	vadd.f32 $6.400000000e+01, v24;
	v5 =	vmin.u32 v46, $0x5D;
	v52 =	vadd.s32 v0, v4;
	v53 =	vld.idx.msk [tilespmem:v40+s17+$0x0], $0xffff  }
0x4a9: {  	v22 =	vadd.f32 v22, v61;
	v55 =	vadd.s32 v0, v5;
	v5 =	vmul.f32 v31, v19;
	v31 =	vld.idx.msk [tilespmem:v45+s17+$0x0], $0xffff  }
0x4aa: {  	vm12 =	vgt.s32 v50, $0x21;
	v41 =	vtrunc.f32 v60;
	v4 =	vmul.f32 v47, v33;
	v54 =	vld.idx.msk [tilespmem:v40+s16+$0x0], $0xffff  }
0x4ab: {  	vm11 =	vgt.s32 v32, $0x21;
	v6 =	vmul.f32 v22, v6;
	v41 =	vcvt.f32.s32 v41;
	v22 =	vld.idx.msk [tilespmem:v45+s16+$0x0], $0xffff  }
0x4ac: {  	vm6 =	vgt.s32 v25, $0x21;
	v32 =	vnsel vm11, $0x21, v32;
	v57 =	vld.idx.msk [tilespmem:v40+s4+$0x0], $0xffff;
	v37 =	vadd.f32 v4, v37  }
0x4ad: {  	v32 =	vmin.u32 v32, $0x5D;
	vm13 =	vgt.s32 v41, $0x21;
	v56 =	vld.idx.msk [tilespmem:v52+s17+$0x0], $0xffff;
	v33 =	vmul.f32 v53, v27  }
0x4ae: {  	v18 =	vmul.f32 v34, v18;
	v32 =	vadd.s32 v0, v32;
	v41 =	vnsel vm13, $0x21, v41;
	v4 =	vld.idx.msk [tilespmem:v8+s4+$0x0], $0xffff;
	[tilespmem:s10+$0x90] =	vst v37  }
0x4af: {  	v58 =	vmin.u32 v41, $0x5D;
	v8 =	vnsel vm12, $0x21, v50;
	v59 =	vld [tilespmem:s7+$0xA0];
	v33 =	vadd.f32 v33, v54  }
0x4b0: {  	v5 =	vadd.f32 v5, v62;
	v40 =	vadd.s32 v0, v58;
	v62 =	vld.idx.msk [tilespmem:v52+s16+$0x0], $0xffff;
	v8 =	vmin.u32 v8, $0x5D  }
0x4b1: {  	v60 =	vld.idx.msk [tilespmem:v55+s17+$0x0], $0xffff;
	v43 =	vadd.s32 v0, v8;
	v8 =	vnsel vm6, $0x21, v25;
	v27 =	vmul.f32 v33, v27  }
0x4b2: {  	v46 =	vld.idx.msk [tilespmem:v45+s4+$0x0], $0xffff;
	v5 =	vmul.f32 v5, v19;
	v25 =	vmin.u32 v35, $0x5D;
	v63 =	vmin.u32 v8, $0x5D  }
0x4b3: {  	v8 =	vadd.s32 v0, v25;
	v25 =	vld.idx.msk [tilespmem:v55+s16+$0x0], $0xffff;
	v50 =	vmul.f32 v56, v29;
	v27 =	vadd.f32 v27, v57  }
0x4b4: {  	v31 =	vmul.f32 v31, v28;
	v53 =	vld.idx.msk [tilespmem:v52+s4+$0x0], $0xffff;
	v19 =	vmul.f32 $7.750015740e+00, v59  }
0x4b5: {  	v61 =	vmin.u32 v36, $0x5D;
	v26 =	vadd.f32 v6, v26;
	v54 =	vld.idx.msk [tilespmem:v55+s4+$0x0], $0xffff;
	v36 =	vadd.f32 v50, v62;
	[tilespmem:s18+$0xC0] =	vst v27  }
0x4b6: {  	v22 =	vadd.f32 v31, v22;
	v6 =	vadd.f32 $6.400000000e+01, v19;
	v27 =	vmul.f32 v60, v38;
	v31 =	vld [tilespmem:s6+$0xD0]  }
0x4b7: {  	v18 =	vadd.f32 v18, v39;
	v56 =	vmul.f32 v14, v12;
	v55 =	vld.idx.msk [tilespmem:v32+s17+$0x0], $0xffff;
	v14 =	vmul.f32 v36, v29  }
0x4b8: {  	v22 =	vmul.f32 v22, v28;
	v29 =	vld.idx.msk [tilespmem:v40+s17+$0x0], $0xffff;
	v6 =	vtrunc.f32 v6;
	v25 =	vadd.f32 v27, v25  }
0x4b9: {  	v17 =	vadd.f32 v17, v49;
	v28 =	vld.idx.msk [tilespmem:v43+s17+$0x0], $0xffff;
	v36 =	vadd.f32 v14, v53;
	v27 =	vcvt.f32.s32 v6  }
0x4ba: {  	v30 =	vadd.f32 v5, v30;
	v58 =	vld.idx.msk [tilespmem:v43+s16+$0x0], $0xffff;
	v22 =	vadd.f32 v22, v46;
	v25 =	vmul.f32 v25, v38  }
0x4bb: {  	v5 =	vadd.s32 v0, v61;
	v57 =	vld.idx.msk [tilespmem:v32+s16+$0x0], $0xffff;
	[tilespmem:s10+$0xFFFFFF90] =	vst v36;
	vm14 =	vgt.s32 v27, $0x21;
	v14 =	vmul.f32 $7.750015740e+00, v31  }
0x4bc: {  	v62 =	vadd.f32 v16, v51;
	[tilespmem:s10+$0xFFFFFF10] =	vst v22;
	v36 =	vld [tilespmem:s7+$0xFFFFFFA0];
	v27 =	vnsel vm14, $0x21, v27;
	v20 =	vadd.f32 v25, v54  }
0x4bd: {  	v29 =	vmul.f32 v29, v24;
	v22 =	vmin.u32 v27, $0x5D;
	v27 =	vld [tilespmem:s7+$0xFFFFFF20];
	v59 =	vadd.f32 $6.400000000e+01, v14  }
0x4be: {  	v25 =	vld.idx.msk [tilespmem:v40+s16+$0x0], $0xffff;
	v31 =	vadd.s32 v0, v22;
	v22 =	vmul.f32 v55, v23;
	[tilespmem:s10+$0x10] =	vst v20  }
0x4bf: {  	[tilespmem:s2+$0x40] =	vst v18;
	v6 =	vadd.s32 v0, v63;
	v20 =	vmul.f32 v28, v21;
	v60 =	vld [tilespmem:s7+$0x20];
	v11 =	vtrunc.f32 v59  }
0x4c0: {  	[tilespmem:s2+$0xD0] =	vst v15;
	v15 =	vld [tilespmem:s14+$0x50];
	v28 =	vadd.f32 v56, v48;
	v34 =	vadd.f32 v22, v57;
	v35 =	vcvt.f32.s32 v11  }
0x4c1: {  	v61 =	vld.idx.msk [tilespmem:v43+s4+$0x0], $0xffff;
	v22 =	vmul.f32 $7.750015740e+00, v36;
	v11 =	vmul.f32 v17, v10;
	v17 =	vadd.f32 v20, v58  }
0x4c2: {  	[tilespmem:s31+$0xD0] =	vst v7;
	v32 =	vld.idx.msk [tilespmem:v32+s4+$0x0], $0xffff;
	v10 =	vmul.f32 v28, v12;
	v20 =	vmul.f32 $7.750015740e+00, v27;
	vm15 =	vgt.s32 v35, $0x21  }
0x4c3: {  	[tilespmem:s0+$0xD0] =	vst v13;
	v12 =	vadd.f32 v29, v25;
	v28 =	vmul.f32 v34, v23;
	v63 =	vld.idx.msk [tilespmem:v31+s17+$0x0], $0xffff;
	v7 =	vnsel vm15, $0x21, v35  }
0x4c4: {  	[tilespmem:s2+$0xFFFFFF40] =	vst v26;
	v13 =	vld.idx.msk [tilespmem:v40+s4+$0x0], $0xffff;
	v25 =	vadd.f32 $6.400000000e+01, v20;
	v23 =	vmul.f32 $7.750015740e+00, v60;
	v7 =	vmin.u32 v7, $0x5D  }
0x4c5: {  	[tilespmem:s2+$0xFFFFFFC0] =	vst v30;
	v27 =	vadd.f32 $6.400000000e+01, v22;
	v26 =	vld.idx.msk [tilespmem:v31+s16+$0x0], $0xffff;
	v30 =	vmul.f32 v17, v21;
	v16 =	vadd.s32 v0, v7  }
0x4c6: {  	v17 =	vmul.f32 v12, v24;
	v12 =	vld [tilespmem:s14+$0xFFFFFFD0];
	v18 =	vtrunc.f32 v25;
	v29 =	vadd.f32 $6.400000000e+01, v23  }
0x4c7: {  	v27 =	vtrunc.f32 v27;
	v21 =	vadd.f32 v28, v32;
	v24 =	vld.idx.msk [tilespmem:v31+s4+$0x0], $0xffff;
	v25 =	vcvt.f32.s32 v18  }
0x4c8: {  	s11 =	simm.s32 $0x10;
	s8 =	simm.s32 $0x12780;
	[tilespmem:s31+$0xFFFFFF50] =	vst v62;
	v7 =	vld [tilespmem:s14+$0xFFFFFF50];
	s14 =	simm.s32 $0xC980;
	v18 =	vadd.f32 v30, v61;
	v28 =	vtrunc.f32 v29;
	v29 =	vmul.f32 v63, v19  }
.LBB2_5:
0x4c9: {  	v30 =	vld [tilespmem:s14+$0x80];
	s11 =	sadd.s32 $0x4, s11;
	vm0 =	vgt.s32 v25, $0x21;
	v27 =	vcvt.f32.s32 v27;
	v28 =	vcvt.f32.s32 v28;
	[tilespmem:s18+$0xFFFFFF30] =	vst v21  }
0x4ca: {  	v13 =	vadd.f32 v17, v13;
	p0 =	slt.u32 s11, $0x5C;
	v21 =	vnsel vm0, $0x21, v25;
	v25 =	vadd.f32 v29, v26;
	[tilespmem:s18+$0xFFFFFFB0] =	vst v18;
	v17 =	vld.idx.msk [tilespmem:v16+s17+$0x0], $0xffff  }
0x4cb: {  	v18 =	vld [tilespmem:s14+$0xFFFFFF80];
	v21 =	vmin.u32 v21, $0x5D;
	vm0 =	vgt.s32 v27, $0x21;
	vm1 =	vgt.s32 v28, $0x21  }
0x4cc: {  	v26 =	vnsel vm0, $0x21, v27;
	v27 =	vnsel vm1, $0x21, v28;
	v19 =	vmul.f32 v25, v19;
	[tilespmem:s18+$0x30] =	vst v13;
	v28 =	vld.idx.msk [tilespmem:v16+s16+$0x0], $0xffff  }
0x4cd: {  	v21 =	vadd.s32 v0, v21;
	v29 =	vld [tilespmem:s14+$0x0];
	v13 =	vmin.u32 v26, $0x5D;
	v25 =	vmin.u32 v27, $0x5D  }
0x4ce: {  	v27 =	vld [tilespmem:s14+$0xFFFFFF00];
	v30 =	vmul.f32 $7.750015740e+00, v30;
	v31 =	vadd.s32 v0, v13;
	v19 =	vadd.f32 v19, v24  }
0x4cf: {  	v32 =	vadd.s32 v0, v25;
	v13 =	vmul.f32 $7.750015740e+00, v7;
	v7 =	vmul.f32 $7.750015740e+00, v12;
	v33 =	vld [tilespmem:s6+$0xFFFFFF40]  }
0x4d0: {  	v17 =	vmul.f32 v17, v14;
	v25 =	vmul.f32 $7.750015740e+00, v18;
	v18 =	vadd.f32 $6.400000000e+01, v30;
	[tilespmem:s10+$0xA0] =	vst v19;
	v16 =	vld.idx.msk [tilespmem:v16+s4+$0x0], $0xffff  }
0x4d1: {  	v12 =	vmul.f32 $7.750015740e+00, v15;
	v34 =	vadd.f32 $6.400000000e+01, v13;
	v26 =	vadd.f32 $6.400000000e+01, v7;
	v19 =	vld [tilespmem:s7+$0xB0]  }
0x4d2: {  	v17 =	vadd.f32 v17, v28;
	v24 =	vmul.f32 $7.750015740e+00, v29;
	v15 =	vtrunc.f32 v18;
	v18 =	vld.idx.msk [tilespmem:v21+s17+$0x0], $0xffff  }
0x4d3: {  	v28 =	vadd.f32 $6.400000000e+01, v25;
	v27 =	vmul.f32 $7.750015740e+00, v27;
	v29 =	vcvt.f32.s32 v15;
	v35 =	vld.idx.msk [tilespmem:v31+s17+$0x0], $0xffff  }
0x4d4: {  	v14 =	vmul.f32 v17, v14;
	v36 =	vadd.f32 $6.400000000e+01, v24;
	v37 =	vld.idx.msk [tilespmem:v32+s17+$0x0], $0xffff;
	v15 =	vmul.f32 $7.750015740e+00, v33  }
0x4d5: {  	v33 =	vtrunc.f32 v28;
	v17 =	vadd.f32 $6.400000000e+01, v27;
	vm0 =	vgt.s32 v29, $0x21;
	v38 =	vld.idx.msk [tilespmem:v21+s16+$0x0], $0xffff  }
0x4d6: {  	v14 =	vadd.f32 v14, v16;
	v29 =	vnsel vm0, $0x21, v29;
	v39 =	vld.idx.msk [tilespmem:v31+s16+$0x0], $0xffff;
	v28 =	vmul.f32 $7.750015740e+00, v19  }
0x4d7: {  	v16 =	vtrunc.f32 v17;
	v17 =	vtrunc.f32 v36;
	v19 =	vmin.u32 v29, $0x5D;
	v29 =	vld.idx.msk [tilespmem:v32+s16+$0x0], $0xffff  }
0x4d8: {  	v16 =	vcvt.f32.s32 v16;
	v36 =	vadd.s32 v0, v19;
	v40 =	vld.idx.msk [tilespmem:v21+s4+$0x0], $0xffff;
	v19 =	vadd.f32 $6.400000000e+01, v28;
	[tilespmem:s18+$0xD0] =	vst v14  }
0x4d9: {  	v14 =	vcvt.f32.s32 v33;
	v17 =	vcvt.f32.s32 v17;
	v33 =	vadd.f32 $6.400000000e+01, v15;
	v31 =	vld.idx.msk [tilespmem:v31+s4+$0x0], $0xffff  }
0x4da: {  	v21 =	vmul.f32 v18, v20;
	vm0 =	vgt.s32 v16, $0x21;
	v32 =	vld.idx.msk [tilespmem:v32+s4+$0x0], $0xffff;
	v18 =	vtrunc.f32 v19  }
0x4db: {  	vm1 =	vgt.s32 v14, $0x21;
	vm2 =	vgt.s32 v17, $0x21;
	v18 =	vcvt.f32.s32 v18;
	v19 =	vld [tilespmem:s6+$0xFFFFFFC0]  }
0x4dc: {  	v16 =	vnsel vm0, $0x21, v16;
	v14 =	vnsel vm1, $0x21, v14;
	v17 =	vnsel vm2, $0x21, v17;
	v41 =	vld [tilespmem:s6+$0x40]  }
0x4dd: {  	v16 =	vmin.u32 v16, $0x5D;
	v42 =	vmin.u32 v14, $0x5D;
	v43 =	vld.idx.msk [tilespmem:v36+s17+$0x0], $0xffff;
	vm0 =	vgt.s32 v18, $0x21  }
0x4de: {  	v44 =	vadd.s32 v0, v16;
	v16 =	vmin.u32 v17, $0x5D;
	v17 =	vnsel vm0, $0x21, v18;
	v14 =	vld.idx.msk [tilespmem:v8+s17+$0x0], $0xffff  }
0x4df: {  	v42 =	vadd.s32 v0, v42;
	v45 =	vadd.s32 v0, v16;
	v46 =	vld.idx.msk [tilespmem:v36+s16+$0x0], $0xffff;
	v16 =	vmin.u32 v17, $0x5D  }
0x4e0: {  	v35 =	vmul.f32 v35, v22;
	v37 =	vmul.f32 v37, v23;
	v47 =	vadd.s32 v0, v16;
	v18 =	vld.idx.msk [tilespmem:v5+s17+$0x0], $0xffff  }
0x4e1: {  	v38 =	vadd.f32 v21, v38;
	v21 =	vmul.f32 $7.750015740e+00, v19;
	v19 =	vmul.f32 $7.750015740e+00, v41;
	v17 =	vld.idx.msk [tilespmem:v6+s17+$0x0], $0xffff  }
0x4e2: {  	v33 =	vtrunc.f32 v33;
	v35 =	vadd.f32 v35, v39;
	v29 =	vadd.f32 v37, v29;
	v16 =	vld.idx.msk [tilespmem:v8+s16+$0x0], $0xffff  }
0x4e3: {  	v20 =	vmul.f32 v38, v20;
	v37 =	vmul.f32 v43, v30;
	v38 =	vadd.f32 $6.400000000e+01, v21;
	v36 =	vld.idx.msk [tilespmem:v36+s4+$0x0], $0xffff  }
0x4e4: {  	v22 =	vmul.f32 v35, v22;
	v23 =	vmul.f32 v29, v23;
	v29 =	vadd.f32 $6.400000000e+01, v19;
	v39 =	vld.idx.msk [tilespmem:v44+s17+$0x0], $0xffff  }
0x4e5: {  	v20 =	vadd.f32 v20, v40;
	v35 =	vadd.f32 v37, v46;
	v38 =	vtrunc.f32 v38;
	v37 =	vld.idx.msk [tilespmem:v47+s17+$0x0], $0xffff  }
0x4e6: {  	v22 =	vadd.f32 v22, v31;
	v23 =	vadd.f32 v23, v32;
	v29 =	vtrunc.f32 v29;
	v40 =	vld.idx.msk [tilespmem:v42+s17+$0x0], $0xffff  }
0x4e7: {  	v31 =	vcvt.f32.s32 v33;
	v32 =	vadd.f32 $6.400000000e+01, v12;
	v30 =	vmul.f32 v35, v30;
	[tilespmem:s10+$0xFFFFFF20] =	vst v20;
	v20 =	vld.idx.msk [tilespmem:v47+s16+$0x0], $0xffff  }
0x4e8: {  	v9 =	vadd.f32 v11, v9;
	v29 =	vcvt.f32.s32 v29;
	v33 =	vld.idx.msk [tilespmem:v45+s17+$0x0], $0xffff;
	[tilespmem:s10+$0xFFFFFFA0] =	vst v22;
	v22 =	vcvt.f32.s32 v38  }
0x4e9: {  	vm0 =	vgt.s32 v31, $0x21;
	v30 =	vadd.f32 v30, v36;
	v11 =	vld.idx.msk [tilespmem:v44+s16+$0x0], $0xffff;
	[tilespmem:s10+$0x20] =	vst v23;
	v23 =	vtrunc.f32 v34  }
0x4ea: {  	vm2 =	vgt.s32 v29, $0x21;
	v34 =	vmul.f32 v39, v27;
	s10 =	sadd.s32 $0x200, s10;
	v35 =	vld.idx.msk [tilespmem:v42+s16+$0x0], $0xffff;
	vm1 =	vgt.s32 v22, $0x21;
	[tilespmem:s31+$0xFFFFFFD0] =	vst v9  }
0x4eb: {  	v31 =	vnsel vm0, $0x21, v31;
	[tilespmem:s10+$0x80] =	vst v30;
	v9 =	vld.idx.msk [tilespmem:v47+s4+$0x0], $0xffff;
	v30 =	vmul.f32 v37, v28;
	v22 =	vnsel vm1, $0x21, v22  }
0x4ec: {  	v31 =	vmin.u32 v31, $0x5D;
	v29 =	vnsel vm2, $0x21, v29;
	v36 =	vmul.f32 v40, v25;
	v37 =	vld [tilespmem:s14+$0x90]  }
0x4ed: {  	v29 =	vmin.u32 v29, $0x5D;
	v22 =	vmin.u32 v22, $0x5D;
	v38 =	vld.idx.msk [tilespmem:v45+s16+$0x0], $0xffff;
	v20 =	vadd.f32 v30, v20  }
0x4ee: {  	v31 =	vadd.s32 v0, v31;
	v33 =	vmul.f32 v33, v24;
	v39 =	vadd.s32 v0, v22;
	v30 =	vld.idx.msk [tilespmem:v44+s4+$0x0], $0xffff  }
0x4ef: {  	v11 =	vadd.f32 v34, v11;
	v22 =	vld.idx.msk [tilespmem:v42+s4+$0x0], $0xffff;
	v20 =	vmul.f32 v20, v28;
	v28 =	vadd.s32 v0, v29  }
0x4f0: {  	v26 =	vtrunc.f32 v26;
	v32 =	vtrunc.f32 v32;
	v29 =	vadd.f32 v36, v35;
	v34 =	vld.idx.msk [tilespmem:v45+s4+$0x0], $0xffff  }
0x4f1: {  	v11 =	vmul.f32 v11, v27;
	v27 =	vmul.f32 $7.750015740e+00, v37;
	v35 =	vld [tilespmem:s7+$0xFFFFFF30];
	v9 =	vadd.f32 v20, v9  }
0x4f2: {  	v4 =	vadd.f32 v10, v4;
	v20 =	vmul.f32 v29, v25;
	v29 =	vcvt.f32.s32 v23;
	v25 =	vld [tilespmem:s7+$0xFFFFFFB0]  }
0x4f3: {  	v10 =	vadd.f32 v33, v38;
	v23 =	vadd.f32 $6.400000000e+01, v27;
	v33 =	vld [tilespmem:s7+$0x30];
	[tilespmem:s8+$0xB0] =	vst v9;
	v9 =	vcvt.f32.s32 v26  }
0x4f4: {  	v11 =	vadd.f32 v11, v30;
	vm1 =	vgt.s32 v29, $0x21;
	v26 =	vcvt.f32.s32 v32;
	v30 =	vld [tilespmem:s7+$0xC0];
	[tilespmem:s31+$0x50] =	vst v4;
	s31 =	smov.u32 s0;
	s0 =	smov.u32 s2;
	s2 =	smov.u32 s18  }
0x4f5: {  	v4 =	vadd.f32 v20, v22;
	v10 =	vmul.f32 v10, v24;
	s18 =	smov.u32 s8;
	s8 =	smov.u32 s10;
	v20 =	vtrunc.f32 v23;
	v32 =	vld.idx.msk [tilespmem:v31+s17+$0x0], $0xffff  }
0x4f6: {  	vm2 =	vgt.s32 v9, $0x21;
	[tilespmem:s10+$0xFFFFFF00] =	vst v11;
	v11 =	vcvt.f32.s32 v20;
	v23 =	vmul.f32 $7.750015740e+00, v35;
	v35 =	vld.idx.msk [tilespmem:v39+s17+$0x0], $0xffff  }
0x4f7: {  	vm0 =	vgt.s32 v26, $0x21;
	v20 =	vld [tilespmem:s14+$0xFFFFFF10];
	[tilespmem:s10+$0xFFFFFF80] =	vst v4;
	v4 =	vadd.f32 v10, v34;
	v24 =	vmul.f32 $7.750015740e+00, v25  }
0x4f8: {  	v10 =	vld [tilespmem:s14+$0xFFFFFF90];
	vm3 =	vgt.s32 v11, $0x21;
	v22 =	vadd.f32 $6.400000000e+01, v23;
	v25 =	vmul.f32 $7.750015740e+00, v33  }
0x4f9: {  	[tilespmem:s10+$0x0] =	vst v4;
	v4 =	vnsel vm3, $0x21, v11;
	v11 =	vadd.f32 $6.400000000e+01, v24;
	v30 =	vmul.f32 $7.750015740e+00, v30;
	v33 =	vld.idx.msk [tilespmem:v28+s17+$0x0], $0xffff  }
0x4fa: {  	v34 =	vld [tilespmem:s14+$0x10];
	v4 =	vmin.u32 v4, $0x5D;
	v22 =	vtrunc.f32 v22;
	v36 =	vadd.f32 $6.400000000e+01, v25  }
0x4fb: {  	v4 =	vadd.s32 v0, v4;
	v37 =	vtrunc.f32 v11;
	v38 =	vadd.f32 $6.400000000e+01, v30;
	v40 =	vld.idx.msk [tilespmem:v31+s16+$0x0], $0xffff  }
0x4fc: {  	v29 =	vnsel vm1, $0x21, v29;
	v11 =	vmul.f32 $7.750015740e+00, v20;
	v36 =	vtrunc.f32 v36;
	v41 =	vld.idx.msk [tilespmem:v39+s16+$0x0], $0xffff  }
0x4fd: {  	v42 =	vnsel vm2, $0x21, v9;
	v20 =	vmul.f32 $7.750015740e+00, v10;
	v10 =	vtrunc.f32 v38;
	v38 =	vld.idx.msk [tilespmem:v28+s16+$0x0], $0xffff  }
0x4fe: {  	v43 =	vcvt.f32.s32 v22;
	v9 =	vadd.f32 $6.400000000e+01, v11;
	v10 =	vcvt.f32.s32 v10;
	v31 =	vld.idx.msk [tilespmem:v31+s4+$0x0], $0xffff  }
0x4ff: {  	v44 =	vadd.f32 $6.400000000e+01, v20;
	v22 =	vmul.f32 $7.750015740e+00, v34;
	v34 =	vcvt.f32.s32 v37;
	v37 =	vld.idx.msk [tilespmem:v39+s4+$0x0], $0xffff  }
0x500: {  	v36 =	vcvt.f32.s32 v36;
	v9 =	vtrunc.f32 v9;
	v39 =	vld.idx.msk [tilespmem:v4+s17+$0x0], $0xffff;
	vm1 =	vgt.s32 v10, $0x21  }
0x501: {  	v44 =	vtrunc.f32 v44;
	v45 =	vadd.f32 $6.400000000e+01, v22;
	v10 =	vnsel vm1, $0x21, v10;
	v46 =	vld.idx.msk [tilespmem:v28+s4+$0x0], $0xffff  }
0x502: {  	v9 =	vcvt.f32.s32 v9;
	v44 =	vcvt.f32.s32 v44;
	v47 =	vld.idx.msk [tilespmem:v4+s16+$0x0], $0xffff;
	v10 =	vmin.u32 v10, $0x5D  }
0x503: {  	vm1 =	vgt.s32 v43, $0x21;
	v28 =	vtrunc.f32 v45;
	v45 =	vadd.s32 v0, v10;
	v48 =	vld.idx.msk [tilespmem:v5+s16+$0x0], $0xffff  }
0x504: {  	vm2 =	vgt.s32 v9, $0x21;
	vm3 =	vgt.s32 v44, $0x21;
	v49 =	vcvt.f32.s32 v28;
	v28 =	vld.idx.msk [tilespmem:v6+s16+$0x0], $0xffff  }
0x505: {  	v9 =	vnsel vm2, $0x21, v9;
	vm2 =	vgt.s32 v34, $0x21;
	v44 =	vnsel vm3, $0x21, v44;
	v10 =	vld.idx.msk [tilespmem:v8+s4+$0x0], $0xffff  }
0x506: {  	v8 =	vmin.u32 v9, $0x5D;
	vm3 =	vgt.s32 v49, $0x21;
	v50 =	vld.idx.msk [tilespmem:v4+s4+$0x0], $0xffff;
	v4 =	vmul.f32 v39, v27  }
0x507: {  	v39 =	vadd.s32 v0, v8;
	v8 =	vmin.u32 v44, $0x5D;
	v44 =	vnsel vm3, $0x21, v49;
	v9 =	vld.idx.msk [tilespmem:v5+s4+$0x0], $0xffff  }
0x508: {  	v5 =	vadd.s32 v0, v8;
	v8 =	vmin.u32 v44, $0x5D;
	v44 =	vadd.f32 v4, v47;
	v47 =	vld.idx.msk [tilespmem:v45+s17+$0x0], $0xffff  }
0x509: {  	v49 =	vadd.s32 v0, v8;
	v8 =	vnsel vm1, $0x21, v43;
	vm1 =	vgt.s32 v36, $0x21;
	v4 =	vld.idx.msk [tilespmem:v6+s4+$0x0], $0xffff  }
0x50a: {  	v6 =	vmul.f32 v44, v27;
	v27 =	vnsel vm2, $0x21, v34;
	v34 =	vnsel vm1, $0x21, v36;
	v36 =	vld.idx.msk [tilespmem:v45+s16+$0x0], $0xffff  }
0x50b: {  	v8 =	vmin.u32 v8, $0x5D;
	v27 =	vmin.u32 v27, $0x5D;
	v34 =	vmin.u32 v34, $0x5D  }
0x50c: {  	v44 =	vadd.s32 v0, v8;
	v43 =	vld.idx.msk [tilespmem:v39+s17+$0x0], $0xffff;
	v6 =	vadd.f32 v6, v50;
	v27 =	vadd.s32 v0, v27  }
0x50d: {  	v8 =	vmul.f32 v32, v15;
	v32 =	vmul.f32 v35, v21;
	v34 =	vadd.s32 v0, v34;
	v50 =	vld.idx.msk [tilespmem:v5+s17+$0x0], $0xffff  }
0x50e: {  	v26 =	vnsel vm0, $0x21, v26;
	v33 =	vmul.f32 v33, v19;
	v35 =	vmul.f32 v47, v30;
	[tilespmem:s10+$0x90] =	vst v6;
	v6 =	vld.idx.msk [tilespmem:v45+s4+$0x0], $0xffff  }
0x50f: {  	v29 =	vmin.u32 v29, $0x5D;
	v8 =	vadd.f32 v8, v40;
	v32 =	vadd.f32 v32, v41;
	v45 =	vld [tilespmem:s14+$0xA0]  }
0x510: {  	v33 =	vadd.f32 v33, v38;
	v35 =	vadd.f32 v35, v36;
	v36 =	vmin.u32 v42, $0x5D;
	v40 =	vld.idx.msk [tilespmem:v49+s17+$0x0], $0xffff  }
0x511: {  	v26 =	vmin.u32 v26, $0x5D;
	v15 =	vmul.f32 v8, v15;
	v21 =	vmul.f32 v32, v21;
	v38 =	vld.idx.msk [tilespmem:v39+s16+$0x0], $0xffff  }
0x512: {  	v8 =	vadd.s32 v0, v29;
	v32 =	vmul.f32 v43, v11;
	v30 =	vmul.f32 v35, v30;
	v41 =	vld.idx.msk [tilespmem:v5+s16+$0x0], $0xffff  }
0x513: {  	v15 =	vadd.f32 v15, v31;
	v31 =	vmul.f32 v33, v19;
	v29 =	vmul.f32 v50, v20;
	v35 =	vld.idx.msk [tilespmem:v49+s16+$0x0], $0xffff  }
0x514: {  	v21 =	vadd.f32 v21, v37;
	v6 =	vadd.f32 v30, v6;
	v33 =	vld.idx.msk [tilespmem:v39+s4+$0x0], $0xffff;
	v19 =	vmul.f32 $7.750015740e+00, v45  }
0x515: {  	v30 =	vld.idx.msk [tilespmem:v5+s4+$0x0], $0xffff;
	[tilespmem:s2+$0xFFFFFF40] =	vst v15;
	v15 =	vadd.f32 v31, v46;
	v5 =	vadd.s32 v0, v36  }
0x516: {  	v36 =	vmul.f32 v40, v22;
	v31 =	vld.idx.msk [tilespmem:v49+s4+$0x0], $0xffff;
	v37 =	vadd.f32 $6.400000000e+01, v19;
	[tilespmem:s18+$0xC0] =	vst v6;
	v6 =	vadd.s32 v0, v26  }
0x517: {  	v14 =	vmul.f32 v14, v3;
	v18 =	vmul.f32 v18, v1;
	v26 =	vadd.f32 v32, v38;
	v32 =	vld [tilespmem:s7+$0xD0];
	[tilespmem:s2+$0xFFFFFFC0] =	vst v21  }
0x518: {  	v21 =	vadd.f32 v29, v41;
	v29 =	vtrunc.f32 v37;
	v37 =	vld.idx.msk [tilespmem:v44+s17+$0x0], $0xffff;
	[tilespmem:s2+$0x40] =	vst v15;
	v15 =	vmul.f32 v17, v2  }
0x519: {  	v11 =	vmul.f32 v26, v11;
	v17 =	vadd.f32 v36, v35;
	v26 =	vcvt.f32.s32 v29;
	v29 =	vld.idx.msk [tilespmem:v27+s17+$0x0], $0xffff  }
0x51a: {  	v16 =	vadd.f32 v14, v16;
	v18 =	vadd.f32 v18, v48;
	v20 =	vmul.f32 v21, v20;
	v21 =	vld.idx.msk [tilespmem:v34+s17+$0x0], $0xffff  }
0x51b: {  	v11 =	vadd.f32 v11, v33;
	v17 =	vmul.f32 v17, v22;
	vm0 =	vgt.s32 v26, $0x21;
	v22 =	vld.idx.msk [tilespmem:v44+s16+$0x0], $0xffff  }
0x51c: {  	v20 =	vadd.f32 v20, v30;
	v26 =	vnsel vm0, $0x21, v26;
	v30 =	vld.idx.msk [tilespmem:v27+s16+$0x0], $0xffff;
	v14 =	vmul.f32 $7.750015740e+00, v32  }
0x51d: {  	v15 =	vadd.f32 v15, v28;
	[tilespmem:s10+$0xFFFFFF10] =	vst v11;
	v11 =	vadd.f32 v17, v31;
	v17 =	vmin.u32 v26, $0x5D;
	v26 =	vld.idx.msk [tilespmem:v34+s16+$0x0], $0xffff  }
0x51e: {  	v28 =	vld [tilespmem:s14+$0xFFFFFF20];
	[tilespmem:s10+$0xFFFFFF90] =	vst v20;
	v31 =	vadd.s32 v0, v17;
	v17 =	vmul.f32 v37, v23;
	v20 =	vadd.f32 $6.400000000e+01, v14  }
0x51f: {  	v16 =	vmul.f32 v16, v3;
	v3 =	vmov v13;
	v29 =	vmul.f32 v29, v24;
	v32 =	vld [tilespmem:s14+$0xFFFFFFA0];
	[tilespmem:s10+$0x10] =	vst v11  }
0x520: {  	v13 =	vmul.f32 v21, v25;
	v33 =	vld [tilespmem:s14+$0x20];
	v11 =	vtrunc.f32 v20  }
0x521: {  	v17 =	vadd.f32 v17, v22;
	v21 =	vld.idx.msk [tilespmem:v44+s4+$0x0], $0xffff;
	v35 =	vcvt.f32.s32 v11;
	v11 =	vmul.f32 v18, v1;
	v1 =	vmovc v7  }
0x522: {  	v16 =	vadd.f32 v16, v10;
	v10 =	vmul.f32 v15, v2;
	v7 =	vadd.f32 v29, v30;
	v18 =	vld.idx.msk [tilespmem:v27+s4+$0x0], $0xffff  }
0x523: {  	v2 =	vmovc v12;
	v15 =	vadd.f32 v13, v26;
	v20 =	vmul.f32 $7.750015740e+00, v28;
	v29 =	vld.idx.msk [tilespmem:v31+s17+$0x0], $0xffff;
	vm0 =	vgt.s32 v35, $0x21  }
0x524: {  	v28 =	vmul.f32 v17, v23;
	v22 =	vmul.f32 $7.750015740e+00, v32;
	v13 =	vld.idx.msk [tilespmem:v34+s4+$0x0], $0xffff;
	v12 =	vnsel vm0, $0x21, v35;
	[tilespmem:s31+$0xFFFFFF50] =	vst v16  }
.Ltmp3:
0x525: {  	v17 =	vadd.f32 $6.400000000e+01, v20;
	v23 =	vmul.f32 $7.750015740e+00, v33;
	v26 =	vld.idx.msk [tilespmem:v31+s16+$0x0], $0xffff;
	v12 =	vmin.u32 v12, $0x5D;
	(pc) =	sbr.rel @p0 .LBB2_5-.Ltmp3, $4  }
0x526: {  	v30 =	vmul.f32 v7, v24;
	v27 =	vadd.f32 $6.400000000e+01, v22;
	v16 =	vadd.s32 v0, v12;
	v7 =	vld [tilespmem:s6+$0xFFFFFF50]  }
0x527: {  	v24 =	vtrunc.f32 v17;
	v32 =	vadd.f32 $6.400000000e+01, v23;
	v17 =	vmul.f32 v15, v25;
	v12 =	vld [tilespmem:s6+$0xFFFFFFD0]  }
0x528: {  	v21 =	vadd.f32 v28, v21;
	v25 =	vcvt.f32.s32 v24;
	v27 =	vtrunc.f32 v27;
	v15 =	vld [tilespmem:s6+$0x50];
	s6 =	smov.u32 s7;
	s7 =	smov.u32 s14  }
0x529: {  	v18 =	vadd.f32 v30, v18;
	v29 =	vmul.f32 v29, v19;
	s14 =	sadd.s32 $0x200, s14;
	v28 =	vtrunc.f32 v32;
	v24 =	vld.idx.msk [tilespmem:v31+s4+$0x0], $0xffff  }
0x52a: {  	_ = 	snop  }
0x52b: {  	v26 =	vadd.f32 v29, v26  }
0x52c: {  	v36 =	vcvt.f32.s32 v28  }
0x52d: {  	v19 =	vmul.f32 v26, v19  }
0x52e: {  	vm1 =	vgt.s32 v36, $0x21  }
0x52f: {  	v26 =	vnsel vm1, $0x21, v36;
	v19 =	vadd.f32 v19, v24  }
0x530: {  	v26 =	vmin.u32 v26, $0x5D  }
0x531: {  	vm0 =	vgt.s32 v25, $0x21;
	v26 =	vadd.s32 v0, v26;
	[tilespmem:s10+$0xA0] =	vst v19  }
0x532: {  	v35 =	vcvt.f32.s32 v27;
	v37 =	vnsel vm0, $0x21, v25;
	v38 =	vld [tilespmem:s7+$0xB0]  }
0x533: {  	v19 =	vmin.u32 v37, $0x5D  }
0x534: {  	vm7 =	vgt.s32 v35, $0x21;
	v19 =	vadd.s32 v0, v19  }
0x535: {  	v24 =	vnsel vm7, $0x21, v35  }
0x536: {  	v24 =	vmin.u32 v24, $0x5D;
	v30 =	vld.idx.msk [tilespmem:v26+s17+$0x0], $0xffff  }
0x537: {  	v24 =	vadd.s32 v0, v24;
	v25 =	vmul.f32 $7.750015740e+00, v38  }
0x538: {  	v33 =	vld.idx.msk [tilespmem:v26+s16+$0x0], $0xffff  }
0x539: {  	v39 =	vld.idx.msk [tilespmem:v19+s17+$0x0], $0xffff;
	v40 =	vadd.f32 $6.400000000e+01, v25  }
0x53a: {  	v26 =	vld.idx.msk [tilespmem:v26+s4+$0x0], $0xffff  }
0x53b: {  	v31 =	vld.idx.msk [tilespmem:v19+s16+$0x0], $0xffff;
	v30 =	vmul.f32 v30, v23;
	v28 =	vtrunc.f32 v40  }
0x53c: {  	v41 =	vld.idx.msk [tilespmem:v24+s17+$0x0], $0xffff;
	v28 =	vcvt.f32.s32 v28  }
0x53d: {  	v30 =	vadd.f32 v30, v33  }
0x53e: {  	v32 =	vld.idx.msk [tilespmem:v24+s16+$0x0], $0xffff;
	v27 =	vmul.f32 v39, v20;
	vm8 =	vgt.s32 v28, $0x21  }
0x53f: {  	v19 =	vld.idx.msk [tilespmem:v19+s4+$0x0], $0xffff;
	v44 =	vmul.f32 v30, v23;
	v28 =	vnsel vm8, $0x21, v28  }
0x540: {  	v27 =	vadd.f32 v27, v31;
	v28 =	vmin.u32 v28, $0x5D  }
0x541: {  	v29 =	vmul.f32 v41, v22;
	v23 =	vadd.f32 v44, v26;
	v28 =	vadd.s32 v0, v28  }
0x542: {  	v24 =	vld.idx.msk [tilespmem:v24+s4+$0x0], $0xffff;
	v42 =	vmul.f32 v27, v20  }
0x543: {  	v29 =	vadd.f32 v29, v32;
	[tilespmem:s10+$0x20] =	vst v23  }
0x544: {  	v19 =	vadd.f32 v42, v19;
	v49 =	vld [tilespmem:s7+$0x30]  }
0x545: {  	v43 =	vmul.f32 v29, v22  }
0x546: {  	[tilespmem:s10+$0xFFFFFF20] =	vst v19;
	v45 =	vld.idx.msk [tilespmem:v28+s17+$0x0], $0xffff  }
0x547: {  	v22 =	vadd.f32 v43, v24;
	v47 =	vld [tilespmem:s7+$0xFFFFFF30]  }
0x548: {  	v46 =	vld.idx.msk [tilespmem:v28+s16+$0x0], $0xffff  }
0x549: {  	[tilespmem:s10+$0xFFFFFFA0] =	vst v22;
	v24 =	vmul.f32 $7.750015740e+00, v49  }
0x54a: {  	v48 =	vld [tilespmem:s7+$0xFFFFFFB0]  }
0x54b: {  	v53 =	vadd.f32 $6.400000000e+01, v24;
	v20 =	vmul.f32 v45, v25  }
0x54c: {  	v50 =	vld.idx.msk [tilespmem:v28+s4+$0x0], $0xffff;
	v22 =	vmul.f32 $7.750015740e+00, v47  }
0x54d: {  	[tilespmem:s18+$0xFFFFFFB0] =	vst v18;
	v56 =	vtrunc.f32 v53;
	v19 =	vadd.f32 v20, v46  }
0x54e: {  	v62 =	vld [tilespmem:s6+$0xFFFFFFC0];
	v51 =	vadd.f32 $6.400000000e+01, v22;
	v57 =	vcvt.f32.s32 v56  }
0x54f: {  	v20 =	vmul.f32 $7.750015740e+00, v48;
	v19 =	vmul.f32 v19, v25  }
0x550: {  	v23 =	vtrunc.f32 v51;
	vm11 =	vgt.s32 v57, $0x21  }
0x551: {  	[tilespmem:s18+$0xFFFFFF30] =	vst v21;
	v52 =	vadd.f32 $6.400000000e+01, v20;
	v23 =	vcvt.f32.s32 v23;
	v19 =	vadd.f32 v19, v50  }
0x552: {  	v55 =	vld [tilespmem:s6+$0xFFFFFF40];
	v59 =	vnsel vm11, $0x21, v57  }
0x553: {  	v25 =	vmul.f32 $7.750015740e+00, v62;
	v54 =	vtrunc.f32 v52;
	vm9 =	vgt.s32 v23, $0x21;
	[tilespmem:s8+$0xB0] =	vst v19  }
0x554: {  	v18 =	vmin.u32 v59, $0x5D;
	v21 =	vcvt.f32.s32 v54;
	v23 =	vnsel vm9, $0x21, v23;
	v58 =	vld [tilespmem:s7+$0xC0]  }
0x555: {  	v18 =	vadd.s32 v0, v18;
	v23 =	vmin.u32 v23, $0x5D  }
0x556: {  	v47 =	vadd.f32 $6.400000000e+01, v25;
	vm10 =	vgt.s32 v21, $0x21;
	v61 =	vadd.s32 v0, v23  }
0x557: {  	v63 =	vld.idx.msk [tilespmem:v16+s17+$0x0], $0xffff;
	v23 =	vmul.f32 $7.750015740e+00, v55;
	v21 =	vnsel vm10, $0x21, v21  }
0x558: {  	v13 =	vadd.f32 v17, v13;
	v37 =	vld.idx.msk [tilespmem:v16+s4+$0x0], $0xffff;
	v33 =	vtrunc.f32 v47;
	v60 =	vmin.u32 v21, $0x5D  }
0x559: {  	v40 =	vld.idx.msk [tilespmem:v16+s16+$0x0], $0xffff;
	v41 =	vadd.f32 $6.400000000e+01, v23;
	v19 =	vadd.s32 v0, v60;
	v17 =	vmul.f32 $7.750015740e+00, v58  }
0x55a: {  	v50 =	vcvt.f32.s32 v33;
	v46 =	vld.idx.msk [tilespmem:v18+s17+$0x0], $0xffff  }
0x55b: {  	v27 =	vtrunc.f32 v41;
	v44 =	vld.idx.msk [tilespmem:v61+s17+$0x0], $0xffff;
	v43 =	vadd.f32 $6.400000000e+01, v17  }
0x55c: {  	v36 =	vld.idx.msk [tilespmem:v18+s16+$0x0], $0xffff;
	vm14 =	vgt.s32 v50, $0x21;
	v27 =	vcvt.f32.s32 v27  }
0x55d: {  	v30 =	vnsel vm14, $0x21, v50;
	v34 =	vld.idx.msk [tilespmem:v61+s16+$0x0], $0xffff;
	v29 =	vtrunc.f32 v43  }
0x55e: {  	[tilespmem:s18+$0x30] =	vst v13;
	v30 =	vmin.u32 v30, $0x5D;
	vm12 =	vgt.s32 v27, $0x21;
	v45 =	vld.idx.msk [tilespmem:v19+s17+$0x0], $0xffff;
	v29 =	vcvt.f32.s32 v29  }
0x55f: {  	v42 =	vld [tilespmem:s6+$0x40];
	v55 =	vadd.s32 v0, v30;
	v27 =	vnsel vm12, $0x21, v27  }
0x560: {  	v35 =	vld.idx.msk [tilespmem:v19+s16+$0x0], $0xffff;
	v27 =	vmin.u32 v27, $0x5D;
	v49 =	vmul.f32 v44, v22;
	vm13 =	vgt.s32 v29, $0x21  }
0x561: {  	v21 =	vld.idx.msk [tilespmem:v61+s4+$0x0], $0xffff;
	v32 =	vmul.f32 v46, v24;
	v27 =	vadd.s32 v0, v27;
	v48 =	vnsel vm13, $0x21, v29  }
0x562: {  	v18 =	vld.idx.msk [tilespmem:v18+s4+$0x0], $0xffff;
	v29 =	vadd.f32 v49, v34;
	v16 =	vmin.u32 v48, $0x5D  }
0x563: {  	v38 =	vld.idx.msk [tilespmem:v6+s16+$0x0], $0xffff;
	v32 =	vadd.f32 v32, v36;
	v31 =	vmul.f32 v45, v20;
	v51 =	vadd.s32 v0, v16  }
0x564: {  	v19 =	vld.idx.msk [tilespmem:v19+s4+$0x0], $0xffff;
	v22 =	vmul.f32 v29, v22  }
0x565: {  	v41 =	vld.idx.msk [tilespmem:v55+s17+$0x0], $0xffff;
	v24 =	vmul.f32 v32, v24;
	v31 =	vadd.f32 v31, v35  }
0x566: {  	v28 =	vmul.f32 $7.750015740e+00, v42;
	v53 =	vld.idx.msk [tilespmem:v27+s17+$0x0], $0xffff;
	v21 =	vadd.f32 v22, v21  }
0x567: {  	v18 =	vadd.f32 v24, v18;
	v54 =	vld.idx.msk [tilespmem:v27+s16+$0x0], $0xffff;
	v20 =	vmul.f32 v31, v20  }
0x568: {  	v52 =	vadd.f32 $6.400000000e+01, v28;
	[tilespmem:s8+$0xFFFFFF30] =	vst v21;
	v56 =	vld.idx.msk [tilespmem:v51+s17+$0x0], $0xffff  }
0x569: {  	v7 =	vmul.f32 $7.750015740e+00, v7;
	[tilespmem:s8+$0x30] =	vst v18;
	v19 =	vadd.f32 v20, v19;
	v60 =	vld [tilespmem:s7+$0xFFFFFF40]  }
0x56a: {  	v12 =	vmul.f32 $7.750015740e+00, v12;
	v57 =	vtrunc.f32 v52;
	v39 =	vld [tilespmem:s7+$0x40]  }
0x56b: {  	v59 =	vmul.f32 v63, v14;
	v20 =	vcvt.f32.s32 v57;
	v58 =	vld.idx.msk [tilespmem:v51+s16+$0x0], $0xffff;
	[tilespmem:s8+$0xFFFFFFB0] =	vst v19  }
0x56c: {  	v13 =	vmul.f32 $7.750015740e+00, v15;
	v63 =	vadd.f32 $6.400000000e+01, v12;
	v61 =	vadd.f32 $6.400000000e+01, v7;
	v62 =	vld [tilespmem:s7+$0xFFFFFFC0]  }
0x56d: {  	v44 =	vld.idx.msk [tilespmem:v55+s16+$0x0], $0xffff;
	v21 =	vadd.f32 v59, v40;
	v43 =	vmul.f32 v53, v23;
	vm15 =	vgt.s32 v20, $0x21  }
0x56e: {  	v16 =	vld.idx.msk [tilespmem:v8+s17+$0x0], $0xffff;
	v40 =	vnsel vm15, $0x21, v20;
	v30 =	vmul.f32 v56, v17;
	v19 =	vmul.f32 $7.750015740e+00, v60  }
0x56f: {  	v27 =	vld.idx.msk [tilespmem:v27+s4+$0x0], $0xffff;
	v42 =	vmul.f32 v21, v14;
	v20 =	vmul.f32 v41, v25;
	v15 =	vmin.u32 v40, $0x5D  }
0x570: {  	v33 =	vld.idx.msk [tilespmem:v51+s4+$0x0], $0xffff;
	v15 =	vadd.s32 v0, v15;
	v29 =	vadd.f32 v30, v58;
	v45 =	vadd.f32 $6.400000000e+01, v19  }
0x571: {  	v35 =	vld.idx.msk [tilespmem:v8+s16+$0x0], $0xffff;
	v32 =	vmul.f32 $7.750015740e+00, v39;
	v21 =	vadd.f32 v43, v54;
	v18 =	vmul.f32 $7.750015740e+00, v62  }
0x572: {  	v22 =	vld.idx.msk [tilespmem:v55+s4+$0x0], $0xffff;
	v20 =	vadd.f32 v20, v44;
	v17 =	vmul.f32 v29, v17;
	v29 =	vtrunc.f32 v45  }
0x573: {  	v24 =	vtrunc.f32 v61;
	v31 =	vld.idx.msk [tilespmem:v6+s17+$0x0], $0xffff;
	v46 =	vadd.f32 $6.400000000e+01, v18;
	v29 =	vcvt.f32.s32 v29  }
0x574: {  	v47 =	vadd.f32 $6.400000000e+01, v32;
	v21 =	vmul.f32 v21, v23;
	v20 =	vmul.f32 v20, v25;
	v30 =	vld.idx.msk [tilespmem:v5+s17+$0x0], $0xffff  }
0x575: {  	v48 =	vld.idx.msk [tilespmem:v15+s17+$0x0], $0xffff;
	v17 =	vadd.f32 v17, v33;
	v23 =	vtrunc.f32 v46;
	vm4 =	vgt.s32 v29, $0x21  }
0x576: {  	v21 =	vadd.f32 v21, v27;
	v52 =	vld.idx.msk [tilespmem:v15+s16+$0x0], $0xffff;
	v23 =	vcvt.f32.s32 v23;
	v53 =	vnsel vm4, $0x21, v29  }
0x577: {  	v50 =	vtrunc.f32 v47;
	v20 =	vadd.f32 v20, v22;
	v15 =	vld.idx.msk [tilespmem:v15+s4+$0x0], $0xffff;
	[tilespmem:s8+$0xC0] =	vst v17;
	v27 =	vmin.u32 v53, $0x5D  }
0x578: {  	[tilespmem:s18+$0xFFFFFF40] =	vst v21;
	v17 =	vcvt.f32.s32 v50;
	v51 =	vld [tilespmem:s7+$0xD0];
	vm5 =	vgt.s32 v23, $0x21;
	v27 =	vadd.s32 v0, v27  }
0x579: {  	v49 =	vadd.f32 $6.400000000e+01, v13;
	v24 =	vcvt.f32.s32 v24;
	v57 =	vld [tilespmem:s6+$0xFFFFFF50];
	[tilespmem:s18+$0xFFFFFFC0] =	vst v20;
	v23 =	vnsel vm5, $0x21, v23  }
0x57a: {  	v55 =	vtrunc.f32 v63;
	v60 =	vld [tilespmem:s6+$0xFFFFFFD0];
	vm6 =	vgt.s32 v17, $0x21;
	v23 =	vmin.u32 v23, $0x5D  }
0x57b: {  	v29 =	vld.idx.msk [tilespmem:v5+s16+$0x0], $0xffff;
	v36 =	vmul.f32 v48, v28;
	v17 =	vnsel vm6, $0x21, v17;
	v54 =	vadd.s32 v0, v23  }
0x57c: {  	vm7 =	vgt.s32 v24, $0x21;
	v21 =	vcvt.f32.s32 v55;
	v17 =	vmin.u32 v17, $0x5D;
	v23 =	vld.idx.msk [tilespmem:v8+s4+$0x0], $0xffff  }
0x57d: {  	v58 =	vadd.f32 v36, v52;
	v17 =	vadd.s32 v0, v17;
	v8 =	vmul.f32 $7.750015740e+00, v51;
	v61 =	vld.idx.msk [tilespmem:v27+s17+$0x0], $0xffff  }
0x57e: {  	v11 =	vadd.f32 v11, v9;
	v24 =	vnsel vm7, $0x21, v24;
	v56 =	vtrunc.f32 v49;
	v46 =	vld.idx.msk [tilespmem:v27+s16+$0x0], $0xffff  }
0x57f: {  	vm8 =	vgt.s32 v21, $0x21;
	v26 =	vmul.f32 v58, v28;
	v27 =	vld.idx.msk [tilespmem:v27+s4+$0x0], $0xffff;
	v59 =	vadd.f32 $6.400000000e+01, v8  }
0x580: {  	v24 =	vmin.u32 v24, $0x5D;
	v25 =	vcvt.f32.s32 v56;
	v21 =	vnsel vm8, $0x21, v21;
	v63 =	vld.idx.msk [tilespmem:v54+s17+$0x0], $0xffff  }
0x581: {  	v21 =	vmin.u32 v21, $0x5D;
	v15 =	vadd.f32 v26, v15;
	v47 =	vld.idx.msk [tilespmem:v54+s16+$0x0], $0xffff;
	v62 =	vtrunc.f32 v59  }
0x582: {  	vm2 =	vgt.s32 v25, $0x21;
	v21 =	vadd.s32 v0, v21;
	v45 =	vld.idx.msk [tilespmem:v17+s17+$0x0], $0xffff;
	v44 =	vcvt.f32.s32 v62  }
0x583: {  	v4 =	vadd.f32 v10, v4;
	v24 =	vadd.s32 v0, v24;
	v25 =	vnsel vm2, $0x21, v25;
	[tilespmem:s18+$0x40] =	vst v15;
	v48 =	vld.idx.msk [tilespmem:v17+s16+$0x0], $0xffff  }
0x584: {  	v25 =	vmin.u32 v25, $0x5D;
	v39 =	vld [tilespmem:s6+$0x50];
	v36 =	vmul.f32 v61, v19;
	vm9 =	vgt.s32 v44, $0x21  }
0x585: {  	v16 =	vmul.f32 v16, v3;
	v22 =	vld.idx.msk [tilespmem:v54+s4+$0x0], $0xffff;
	v54 =	vadd.s32 v0, v25;
	v9 =	vnsel vm9, $0x21, v44  }
0x586: {  	v17 =	vld.idx.msk [tilespmem:v17+s4+$0x0], $0xffff;
	v33 =	vmul.f32 v63, v18;
	v26 =	vadd.f32 v36, v46;
	v9 =	vmin.u32 v9, $0x5D  }
0x587: {  	v16 =	vadd.f32 v16, v35;
	v46 =	vld.idx.msk [tilespmem:v21+s17+$0x0], $0xffff;
	v28 =	vmul.f32 v45, v32;
	v40 =	vadd.s32 v0, v9  }
0x588: {  	v9 =	vmul.f32 $7.750015740e+00, v57;
	v49 =	vadd.f32 v33, v47;
	v33 =	vld.idx.msk [tilespmem:v5+s4+$0x0], $0xffff;
	v19 =	vmul.f32 v26, v19  }
0x589: {  	v26 =	vld.idx.msk [tilespmem:v6+s4+$0x0], $0xffff;
	v6 =	vmul.f32 $7.750015740e+00, v60;
	v5 =	vmul.f32 $7.750015740e+00, v39;
	v15 =	vadd.f32 v28, v48  }
0x58a: {  	v45 =	vld.idx.msk [tilespmem:v24+s17+$0x0], $0xffff;
	v50 =	vadd.f32 $6.400000000e+01, v9;
	v18 =	vmul.f32 v49, v18;
	v19 =	vadd.f32 v19, v27  }
0x58b: {  	v47 =	vld.idx.msk [tilespmem:v54+s17+$0x0], $0xffff;
	v52 =	vadd.f32 $6.400000000e+01, v6;
	v53 =	vadd.f32 $6.400000000e+01, v5;
	v15 =	vmul.f32 v15, v32  }
0x58c: {  	v63 =	vmul.f32 v16, v3;
	v48 =	vld.idx.msk [tilespmem:v24+s16+$0x0], $0xffff;
	v18 =	vadd.f32 v18, v22;
	[tilespmem:s8+$0xFFFFFF40] =	vst v19;
	v55 =	vtrunc.f32 v50  }
0x58d: {  	v56 =	vtrunc.f32 v52;
	v58 =	vtrunc.f32 v53;
	v15 =	vadd.f32 v15, v17;
	v57 =	vld [tilespmem:s7+$0xFFFFFF50]  }
0x58e: {  	v14 =	vadd.f32 v42, v37;
	v24 =	vld.idx.msk [tilespmem:v24+s4+$0x0], $0xffff;
	v19 =	vcvt.f32.s32 v55;
	v60 =	vcvt.f32.s32 v56;
	[tilespmem:s8+$0xFFFFFFC0] =	vst v18  }
0x58f: {  	v3 =	vadd.f32 v63, v23;
	v27 =	vmul.f32 v30, v1;
	v61 =	vcvt.f32.s32 v58;
	[tilespmem:s8+$0x40] =	vst v15;
	v59 =	vld [tilespmem:s7+$0xFFFFFFD0]  }
0x590: {  	v22 =	vmul.f32 v31, v2;
	vm10 =	vgt.s32 v19, $0x21;
	vm11 =	vgt.s32 v60, $0x21;
	v62 =	vld [tilespmem:s7+$0x50]  }
0x591: {  	v49 =	vld.idx.msk [tilespmem:v21+s16+$0x0], $0xffff;
	vm12 =	vgt.s32 v61, $0x21;
	v19 =	vnsel vm10, $0x21, v19;
	v10 =	vnsel vm11, $0x21, v60  }
0x592: {  	v51 =	vld.idx.msk [tilespmem:v40+s17+$0x0], $0xffff;
	v25 =	vnsel vm12, $0x21, v61;
	v19 =	vmin.u32 v19, $0x5D;
	v18 =	vmul.f32 $7.750015740e+00, v57  }
0x593: {  	v21 =	vld.idx.msk [tilespmem:v21+s4+$0x0], $0xffff;
	v10 =	vmin.u32 v10, $0x5D;
	v25 =	vmin.u32 v25, $0x5D;
	v19 =	vadd.s32 v0, v19  }
0x594: {  	v30 =	vld.idx.msk [tilespmem:v40+s16+$0x0], $0xffff;
	v10 =	vadd.s32 v0, v10;
	v15 =	vmul.f32 $7.750015740e+00, v59;
	v50 =	vadd.f32 $6.400000000e+01, v18  }
0x595: {  	v27 =	vadd.f32 v27, v29;
	v31 =	vld.idx.msk [tilespmem:v40+s4+$0x0], $0xffff;
	v25 =	vadd.s32 v0, v25;
	v28 =	vmul.f32 $7.750015740e+00, v62  }
0x596: {  	v17 =	vld.idx.msk [tilespmem:v54+s4+$0x0], $0xffff;
	v42 =	vmul.f32 v47, v13;
	v52 =	vadd.f32 $6.400000000e+01, v15;
	v37 =	vtrunc.f32 v50  }
0x597: {  	v44 =	vmul.f32 v51, v8;
	v51 =	vld.idx.msk [tilespmem:v54+s16+$0x0], $0xffff;
	v41 =	vadd.f32 $6.400000000e+01, v28;
	v37 =	vcvt.f32.s32 v37  }
0x598: {  	v22 =	vadd.f32 v22, v38;
	v27 =	vmul.f32 v27, v1;
	v55 =	vld.idx.msk [tilespmem:v19+s17+$0x0], $0xffff;
	v53 =	vtrunc.f32 v52  }
0x599: {  	v56 =	vld.idx.msk [tilespmem:v10+s17+$0x0], $0xffff;
	v54 =	vtrunc.f32 v41;
	v29 =	vcvt.f32.s32 v53;
	vm13 =	vgt.s32 v37, $0x21  }
0x59a: {  	v61 =	vmul.f32 v46, v12;
	v57 =	vld.idx.msk [tilespmem:v25+s17+$0x0], $0xffff;
	v38 =	vcvt.f32.s32 v54;
	v37 =	vnsel vm13, $0x21, v37  }
0x59b: {  	v16 =	vadd.f32 v44, v30;
	v58 =	vld.idx.msk [tilespmem:v19+s16+$0x0], $0xffff;
	vm14 =	vgt.s32 v29, $0x21;
	v37 =	vmin.u32 v37, $0x5D  }
0x59c: {  	[tilespmem:s31+$0xFFFFFFD0] =	vst v11;
	v60 =	vld.idx.msk [tilespmem:v10+s16+$0x0], $0xffff;
	vm15 =	vgt.s32 v38, $0x21;
	v29 =	vnsel vm14, $0x21, v29;
	v37 =	vadd.s32 v0, v37  }
0x59d: {  	[tilespmem:s31+$0x50] =	vst v4;
	v59 =	vmul.f32 v45, v7;
	v62 =	vld.idx.msk [tilespmem:v25+s16+$0x0], $0xffff;
	v38 =	vnsel vm15, $0x21, v38;
	v29 =	vmin.u32 v29, $0x5D  }
0x59e: {  	[tilespmem:s18+$0xD0] =	vst v14;
	v1 =	vadd.f32 v27, v33;
	v19 =	vld.idx.msk [tilespmem:v19+s4+$0x0], $0xffff;
	v38 =	vmin.u32 v38, $0x5D;
	v29 =	vadd.s32 v0, v29  }
0x59f: {  	v8 =	vmul.f32 v16, v8;
	v4 =	vadd.f32 v59, v48;
	v10 =	vld.idx.msk [tilespmem:v10+s4+$0x0], $0xffff;
	v63 =	vadd.s32 v0, v38  }
0x5a0: {  	v46 =	vadd.f32 v42, v51;
	v41 =	vadd.f32 v61, v49;
	v49 =	vmul.f32 v55, v9;
	v55 =	vld.idx.msk [tilespmem:v25+s4+$0x0], $0xffff  }
0x5a1: {  	[tilespmem:s0+$0xFFFFFF50] =	vst v3;
	v40 =	vadd.f32 v8, v31;
	v4 =	vmul.f32 v4, v7;
	v43 =	vld.idx.msk [tilespmem:v37+s17+$0x0], $0xffff  }
0x5a2: {  	[tilespmem:s0+$0xFFFFFFD0] =	vst v1;
	v1 =	vmul.f32 v46, v13;
	v50 =	vld.idx.msk [tilespmem:v37+s16+$0x0], $0xffff  }
0x5a3: {  	[tilespmem:s8+$0xD0] =	vst v40;
	v4 =	vadd.f32 v4, v24;
	v45 =	vld.idx.msk [tilespmem:v29+s17+$0x0], $0xffff  }
0x5a4: {  	v44 =	vmul.f32 v41, v12;
	v1 =	vadd.f32 v1, v17;
	v38 =	vmul.f32 v22, v2;
	v47 =	vld.idx.msk [tilespmem:v63+s17+$0x0], $0xffff  }
0x5a5: {  	[tilespmem:s2+$0xFFFFFF50] =	vst v4;
	v51 =	vmul.f32 v56, v6;
	v3 =	vadd.f32 v49, v58;
	v52 =	vld.idx.msk [tilespmem:v29+s16+$0x0], $0xffff  }
0x5a6: {  	v53 =	vmul.f32 v57, v5;
	v48 =	vadd.f32 v44, v21;
	v2 =	vadd.f32 v38, v26;
	v54 =	vld.idx.msk [tilespmem:v63+s16+$0x0], $0xffff  }
0x5a7: {  	[tilespmem:s2+$0x50] =	vst v1;
	v4 =	vadd.f32 v51, v60;
	v3 =	vmul.f32 v3, v9;
	v7 =	vmul.f32 v43, v18  }
0x5a8: {  	v56 =	vld.idx.msk [tilespmem:v37+s4+$0x0], $0xffff;
	[tilespmem:s0+$0x50] =	vst v2;
	v2 =	vadd.f32 v53, v62;
	v8 =	vmul.f32 v45, v15  }
0x5a9: {  	v4 =	vmul.f32 v4, v6;
	v57 =	vld.idx.msk [tilespmem:v29+s4+$0x0], $0xffff;
	v7 =	vadd.f32 v7, v50;
	v12 =	vmul.f32 v47, v28  }
0x5aa: {  	v3 =	vadd.f32 v3, v19;
	v0 =	vld.idx.msk [tilespmem:v63+s4+$0x0], $0xffff;
	v2 =	vmul.f32 v2, v5;
	v58 =	vadd.f32 v8, v52  }
0x5ab: {  	[tilespmem:s2+$0xFFFFFFD0] =	vst v48;
	v59 =	vadd.f32 v4, v10;
	v7 =	vmul.f32 v7, v18;
	v60 =	vadd.f32 v12, v54  }
0x5ac: {  	[tilespmem:s18+$0xFFFFFF50] =	vst v3;
	v2 =	vadd.f32 v2, v55;
	v61 =	vmul.f32 v58, v15  }
0x5ad: {  	s31 =	smul.u32 $0x3000, s30;
	[tilespmem:s18+$0xFFFFFFD0] =	vst v59;
	v62 =	vadd.f32 v7, v56;
	v4 =	vmul.f32 v60, v28  }
.Ltmp4:
0x5ae: {  	[tilespmem:s18+$0x50] =	vst v2;
	v63 =	vadd.f32 v61, v57;
	(pc) =	sbr.rel @p1 .LBB2_8-.Ltmp4, $4  }
0x5af: {  	s0 =	sadd.s32 s5, s31;
	[tilespmem:s8+$0xFFFFFF50] =	vst v62;
	v0 =	vadd.f32 v4, v0  }
0x5b0: {  	s0 =	sshrl.u32 s0, $0x3;
	[tilespmem:s8+$0xFFFFFFD0] =	vst v63  }
0x5b1: {  	s0 =	sadd.s32 s3, s0;
	[tilespmem:s8+$0x50] =	vst v0  }
0x5b2: {  	[hbm4b:s0+s4] =	stream.linear.scatter [tilespmem:s23], [sflag:$0x4], $0x3000, $0x38;
	[tilespmem:$0x14E80] =	vst v63  }
.Ltmp5:
0x5b3: {  	(pc) =	sbr.rel .LBB2_2-.Ltmp5, $4  }
0x5b4: {  	s0 =	sadd.s32 s29, s13  }
0x5b5: {  	s0 =	sshrl.u32 s0, $0x3  }
0x5b6: {  	s28 =	sadd.s32 $0x1, s28;
	s0 =	sadd.s32 s1, s0  }
0x5b7: {  	[tilespmem:s19], [sflag:$0x2] =	stream.linear.gather [hbm4b:s0+s4], $0x3000, $0x38;
	[tilespmem:$0x14E80] =	vst v63  }
.LBB2_9:
0x5b8: {  	_ =	sfence.sel $0x180000  }
0x5b9: {  	[bflag:$0x0] =	sbarrier.arrive $0xFFFF  }
0x5ba: {  	_ =	strace $0x90000047  }
0x5bb: {  	s0 =	stileid.u32;
	[bflag:$0x2] =	sbarrier.arrive $0xFFFF  }
0x5bc: {  	p0 =	sne.s32 s0, $0x0;
	s0 =	rddreg [dreg:$0x3]  }
0x5bd: {  	s0 =	sadd.s32 @!p0 $0x100000, s0  }
0x5be: {  	[sflag:s0] =	ssyncadd.tile.s32 @!p0 $0x1;
	_ =	shalt  }
.Lfunc_end2:
_tile_overlayer_lowered:
.L_overlay_start_2:
0x5bf: {  	(tag) =	ssettag $0x2  }
0x5c0: {  	s0 =	rddreg [dreg:$0x0];
	s2 =	stileid.u32  }
0x5c1: {  	s1 =	rddreg [dreg:$0x1];
	p0 =	sne.s32 s2, $0x0  }
0x5c2: {  	s3 =	rddreg [dreg:$0x2];
	[bflag:$0x3] =	sbarrier.arrive $0xFFFF;
	s2 =	simm.s32 @!p0 $0x1C05  }
0x5c3: {  	[timem:s3], [sflag:s2] =	dma.local @!p0 [hbm:s0], s1  }
0x5c4: {  	s0 =	simm.s32 @!p0 $0x5  }
0x5c5: {  	_ =	swait.ge @!p0 [sflag:s0], s1  }
0x5c6: {  	s1 =	ssub.s32 @!p0 $0x0, s1;
	[sflag:s0] =	ssyncset.done @!p0 $0x0  }
0x5c7: {  	[sflag:s0] =	ssyncadd.s32 @!p0 s1  }
0x5c8: {  	[bflag:$0x3] =	sbarrier.arrive $0xFFFF  }
0x5c9: {  	_ =	shalt  }

</sc_bundles>
